<compile_context>
chip_gen: v7x
topology: tpu7x:2x2x1
jax: 0.10.2.dev20260603
libtpu: 0.0.44.dev20260713+nightly
codegen_flags: <defaults>
</compile_context>

<pallas_src>
import functools

import jax
import jax.numpy as jnp
from jax import lax
from jax.experimental import pallas as pl
from jax.experimental.pallas import tpu as pltpu
from jax.experimental.pallas import tpu_sc as plsc

N_NODES = 10000
EMB = 128
N_EDGES = 320000
K_SHOT = 10
N_WAY = 2
N_QUERY = 16
N_PROPERTY = 2
N_MEM_TASKS = 9
N_SUPPORT = N_WAY * K_SHOT

_NC, _NS, _L = 2, 16, 16

CH = 128
NCHUNK = 160
SBLK = 16
NIB = NCHUNK // SBLK
EPT = NCHUNK * CH
E_PAD = EPT * _NS
ACC_ROWS = 10240
RPT = ACC_ROWS // _NS

_sc_mesh = plsc.VectorSubcoreMesh(
    core_axis_name="c", subcore_axis_name="s", num_cores=_NC, num_subcores=_NS)


@functools.partial(
    pl.kernel,
    out_type=jax.ShapeDtypeStruct((_NC, ACC_ROWS, EMB), jnp.float32),
    mesh=_sc_mesh,
    scratch_types=[
        pltpu.VMEM((SBLK, CH), jnp.int32),
        pltpu.VMEM((SBLK, CH), jnp.int32),
        pltpu.VMEM((CH, EMB), jnp.float32),
        pltpu.VMEM((CH, EMB), jnp.float32),
        pltpu.VMEM_SHARED((ACC_ROWS, EMB), jnp.float32),
        pltpu.SemaphoreType.DMA,
        pltpu.SemaphoreType.DMA,
        pltpu.SemaphoreType.DMA,
        pltpu.SemaphoreType.DMA,
    ],
)
def _sc_edge_scatter(x_hbm, src_hbm, dst_hbm, out_hbm,
                     src_v, dst_v, rows_a, rows_b, acc_sh,
                     sem_ga, sem_gb, sem_sa, sem_sb):
    c = lax.axis_index("c")
    s = lax.axis_index("s")

    zero = jnp.zeros((_L,), jnp.float32)

    def _zrow(r, carry):
        for k in range(EMB // _L):
            rows_a[r, pl.ds(k * _L, _L)] = zero
        return carry

    lax.fori_loop(0, CH, _zrow, 0)
    for b in range(RPT // CH):
        pltpu.sync_copy(rows_a, acc_sh.at[pl.ds(s * RPT + b * CH, CH)])
    plsc.subcore_barrier()

    def _gather(j, buf, sem):
        return pltpu.async_copy(x_hbm.at[src_v.at[j]], buf, sem)

    def _scatter(j, buf, sem):
        return pltpu.async_copy(buf, acc_sh.at[dst_v.at[j]], sem, add=True)

    def _wait_gather(j, buf, sem):
        pltpu.make_async_copy(x_hbm.at[src_v.at[j]], buf, sem).wait()

    def _wait_scatter(j, buf, sem):
        pltpu.make_async_copy(buf, acc_sh.at[dst_v.at[j]], sem).wait()

    def _block(b, carry):
        pltpu.sync_copy(src_hbm.at[c, s, pl.ds(b * SBLK, SBLK)], src_v)
        pltpu.sync_copy(dst_hbm.at[c, s, pl.ds(b * SBLK, SBLK)], dst_v)
        _gather(0, rows_a, sem_ga)

        def _pipe(i, carry):
            j0 = 2 * i
            j1 = 2 * i + 1
            _wait_gather(j0, rows_a, sem_ga)
            _scatter(j0, rows_a, sem_sa)

            @pl.when(i > 0)
            def _():
                _wait_scatter(j0 - 1, rows_b, sem_sb)

            _gather(j1, rows_b, sem_gb)
            _wait_gather(j1, rows_b, sem_gb)
            _scatter(j1, rows_b, sem_sb)

            @pl.when(i < SBLK // 2 - 1)
            def _():
                _wait_scatter(j0, rows_a, sem_sa)
                _gather(j0 + 2, rows_a, sem_ga)

            return carry

        lax.fori_loop(0, SBLK // 2, _pipe, 0)
        _wait_scatter(SBLK - 2, rows_a, sem_sa)
        _wait_scatter(SBLK - 1, rows_b, sem_sb)
        return carry

    lax.fori_loop(0, NIB, _block, 0)
    plsc.subcore_barrier()

    pltpu.sync_copy(acc_sh.at[pl.ds(s * RPT, RPT)],
                    out_hbm.at[c, pl.ds(s * RPT, RPT)])


BLK = 400
NBLK = N_NODES // BLK
NG = 64


def _tc_fused_body(x_ref, m_ref, w_ref, b_ref, h_ref, pool_ref, cnt_ref):
    i = pl.program_id(0)
    t = x_ref[...] + m_ref[0]
    h = jnp.maximum(
        lax.dot(t, w_ref[...], preferred_element_type=jnp.float32), 0.0)
    h_ref[...] = h
    ids = b_ref[0, 0, :] + (i // NBLK) * 32
    gid = lax.broadcasted_iota(jnp.int32, (NG, BLK), 0)
    oh = (gid == ids[None, :]).astype(jnp.float32)
    psum = lax.dot(oh, h, preferred_element_type=jnp.float32,
                   precision=lax.Precision.HIGHEST)
    csum = jnp.broadcast_to(jnp.sum(oh, axis=1)[:, None], (NG, EMB))

    @pl.when(i == 0)
    def _():
        pool_ref[...] = jnp.zeros_like(pool_ref)
        cnt_ref[...] = jnp.zeros_like(cnt_ref)

    pool_ref[...] += psum
    cnt_ref[...] += csum


_tc_fused = pl.pallas_call(
    _tc_fused_body,
    grid=(2 * NBLK,),
    in_specs=[
        pl.BlockSpec((BLK, EMB), lambda i: (i, 0)),
        pl.BlockSpec((1, BLK, EMB), lambda i: (i // NBLK, i % NBLK, 0)),
        pl.BlockSpec((EMB, EMB), lambda i: (0, 0)),
        pl.BlockSpec((1, 1, BLK), lambda i: (i, 0, 0)),
    ],
    out_specs=[
        pl.BlockSpec((BLK, EMB), lambda i: (i, 0)),
        pl.BlockSpec((NG, EMB), lambda i: (0, 0)),
        pl.BlockSpec((NG, EMB), lambda i: (0, 0)),
    ],
    out_shape=[
        jax.ShapeDtypeStruct((2 * N_NODES, EMB), jnp.float32),
        jax.ShapeDtypeStruct((NG, EMB), jnp.float32),
        jax.ShapeDtypeStruct((NG, EMB), jnp.float32),
    ],
)


def _prep_edges(edge_index, node_offset):
    pad = E_PAD - N_EDGES
    src = jnp.concatenate(
        [edge_index[0] + jnp.int32(node_offset),
         jnp.full((pad,), node_offset, jnp.int32)]).reshape(_NS, NCHUNK, CH)
    dump = (N_NODES + (jnp.arange(pad, dtype=jnp.int32)
                       % (ACC_ROWS - N_NODES)))
    dst = jnp.concatenate([edge_index[1], dump]).reshape(_NS, NCHUNK, CH)
    return src, dst


def _encode_both(x_s, edge_index_s, batch_s, x_q, edge_index_q, batch_q,
                 W1, W2):
    src_s, dst_s = _prep_edges(edge_index_s, 0)
    src_q, dst_q = _prep_edges(edge_index_q, N_NODES)
    src3 = jnp.stack([src_s, src_q])
    dst3 = jnp.stack([dst_s, dst_q])
    batch3 = jnp.concatenate([batch_s, batch_q]).reshape(2 * NBLK, 1, BLK)
    x = jnp.concatenate([x_s, x_q], axis=0)

    m1 = _sc_edge_scatter(x, src3, dst3)
    h1, pool1, cnt = _tc_fused(x, m1, W1, batch3)
    m2 = _sc_edge_scatter(h1, src3, dst3)
    _, pool2, _ = _tc_fused(h1, m2, W2, batch3)

    def _finish(lo, n_graphs):
        c = jnp.maximum(cnt[lo:lo + n_graphs, :1], 1.0)
        p1 = pool1[lo:lo + n_graphs] / c
        p2 = pool2[lo:lo + n_graphs] / c
        return p2, p1, p1 + p2

    return _finish(0, N_SUPPORT), _finish(32, N_QUERY)


def _ftask_aug(s_emb, f_tasks_pos, Wg):
    neg = s_emb[:K_SHOT]
    pos = s_emb[K_SHOT:2 * K_SHOT]
    cur = jnp.mean(pos, axis=0, keepdims=True)
    ft = f_tasks_pos.reshape(N_MEM_TASKS, K_SHOT, EMB)
    allp = jnp.mean(ft, axis=1)
    num = jnp.sum(allp * cur, axis=1)
    den = jnp.linalg.norm(allp, axis=1) * jnp.linalg.norm(cur, axis=1) + 1e-8
    sim = num / den
    _, idx = lax.top_k(sim, N_PROPERTY)
    f_embs = jnp.take(ft, idx, axis=0).reshape(N_PROPERTY * K_SHOT, EMB)
    fc = jnp.concatenate([pos, f_embs], axis=0)
    xn = fc / (jnp.linalg.norm(fc, axis=-1, keepdims=True) + 1e-8)
    simm = xn @ xn.T
    new = jax.nn.relu(simm @ (fc @ Wg))
    return jnp.concatenate([neg, new[:K_SHOT]], axis=0)


def _tail(s_emb, q_emb, Wg, Wc1, Wc2):
    nq = q_emb.shape[0]
    m = jnp.concatenate(
        [jnp.broadcast_to(s_emb[None, :, :], (nq,) + s_emb.shape),
         q_emb[:, None, :]], axis=1)
    q, s, d = m.shape
    emb = m.reshape(q * s, d)
    xn = emb / (jnp.linalg.norm(emb, axis=-1, keepdims=True) + 1e-8)
    adj = xn @ xn.T
    new = jax.nn.relu(adj @ (emb @ Wg)).reshape(q, s, d)
    h = jax.nn.relu(new @ Wc1)
    logits = h @ Wc2
    return logits[:, :-1, :], logits[:, -1, :]


def kernel(x_s, edge_index_s, batch_s, x_q, edge_index_q, batch_q,
           f_tasks_pos, W1, W2, Wg, Wc1, Wc2):
    (s_emb, sub_s_emb, cat_s_emb), (q_emb, sub_q_emb, cat_q_emb) = (
        _encode_both(x_s, edge_index_s, batch_s,
                     x_q, edge_index_q, batch_q, W1, W2))
    pos_emb = cat_s_emb[K_SHOT:2 * K_SHOT]
    s_emb = _ftask_aug(s_emb, f_tasks_pos, Wg)
    sub_s_emb = _ftask_aug(sub_s_emb, f_tasks_pos, Wg)
    cat_s_emb = _ftask_aug(cat_s_emb, f_tasks_pos, Wg)
    s_logits, q_logits = _tail(s_emb, q_emb, Wg, Wc1, Wc2)
    subs_logits, subq_logits = _tail(sub_s_emb, sub_q_emb, Wg, Wc1, Wc2)
    cats_logits, catq_logits = _tail(cat_s_emb, cat_q_emb, Wg, Wc1, Wc2)
    return (s_logits, q_logits, subs_logits, subq_logits,
            cats_logits, catq_logits, pos_emb)

# --- scband reference (transcript-rebuilt; emitter-appended) ---
"""Pipeline reference for scband-dern-63840393888137 (READ-ONLY COPY).

The authoritative reference and input builder live on the scoring server;
editing this copy changes nothing except your own understanding.
"""

import jax, jax.numpy as jnp
import numpy as np

K_SHOT = 10
N_WAY = 2
N_QUERY = 16
N_PROPERTY = 2
EMB = 128
N_S = 10000
E_S = 320000
N_Q = 10000
E_Q = 320000
N_SUPPORT = N_WAY * K_SHOT  # 20
N_MEM_TASKS = 9


def setup_inputs(seed: int = 0) -> dict:
    key = jax.random.key(seed)
    ks = jax.random.split(key, 12)
    x_s = jax.random.normal(ks[0], (N_S, EMB), dtype=jnp.float32)
    edge_index_s = jax.random.randint(ks[1], (2, E_S), 0, N_S, dtype=jnp.int32)
    batch_s = jnp.sort(jax.random.randint(ks[2], (N_S,), 0, N_SUPPORT, dtype=jnp.int32))
    x_q = jax.random.normal(ks[3], (N_Q, EMB), dtype=jnp.float32)
    edge_index_q = jax.random.randint(ks[4], (2, E_Q), 0, N_Q, dtype=jnp.int32)
    batch_q = jnp.sort(jax.random.randint(ks[5], (N_Q,), 0, N_QUERY, dtype=jnp.int32))
    f_tasks_pos = jax.random.normal(ks[6], (N_MEM_TASKS * K_SHOT, EMB), dtype=jnp.float32)
    W1 = jax.random.normal(ks[7], (EMB, EMB), dtype=jnp.float32) * 0.05
    W2 = jax.random.normal(ks[8], (EMB, EMB), dtype=jnp.float32) * 0.05
    Wg = jax.random.normal(ks[9], (EMB, EMB), dtype=jnp.float32) * 0.05
    Wc1 = jax.random.normal(ks[10], (EMB, EMB), dtype=jnp.float32) * 0.05
    Wc2 = jax.random.normal(ks[11], (EMB, 2), dtype=jnp.float32) * 0.05
    return {"x_s": x_s, "edge_index_s": edge_index_s, "batch_s": batch_s,
            "x_q": x_q, "edge_index_q": edge_index_q, "batch_q": batch_q,
            "f_tasks_pos": f_tasks_pos, "W1": W1, "W2": W2, "Wg": Wg,
            "Wc1": Wc1, "Wc2": Wc2}


def gnn_encode(x, edge_index, batch, n_graphs, W1, W2):
    # GIN-style message passing: gather along src, scatter-add into dst (memory-bound)
    src = edge_index[0]
    dst = edge_index[1]
    n = x.shape[0]
    m1 = jax.ops.segment_sum(jnp.take(x, src, axis=0), dst, num_segments=n)
    h1 = jax.nn.relu((x + m1) @ W1)
    m2 = jax.ops.segment_sum(jnp.take(h1, src, axis=0), dst, num_segments=n)
    h2 = jax.nn.relu((h1 + m2) @ W2)
    # mean graph pooling via segment_sum
    cnt = jax.ops.segment_sum(jnp.ones((n, 1), dtype=x.dtype), batch, num_segments=n_graphs)
    cnt = jnp.maximum(cnt, 1.0)
    p1 = jax.ops.segment_sum(h1, batch, num_segments=n_graphs) / cnt
    p2 = jax.ops.segment_sum(h2, batch, num_segments=n_graphs) / cnt
    return p2, p1, p1 + p2  # (emb, sub_emb, cat_emb), all [n_graphs, EMB]


def gcn_layer(adj, x, Wg):
    return jax.nn.relu(adj @ (x @ Wg))


def ftask_aug(s_emb, f_tasks_pos, Wg):
    neg_emb = s_emb[:K_SHOT]
    pos_emb = s_emb[K_SHOT:2 * K_SHOT]
    cur_pro = jnp.mean(pos_emb, axis=0, keepdims=True)
    ft = f_tasks_pos.reshape(N_MEM_TASKS, K_SHOT, EMB)
    all_pro = jnp.mean(ft, axis=1)  # [9, EMB]
    num = jnp.sum(all_pro * cur_pro, axis=1)
    den = jnp.linalg.norm(all_pro, axis=1) * jnp.linalg.norm(cur_pro, axis=1) + 1e-8
    sim = num / den
    _, idx = jax.lax.top_k(sim, N_PROPERTY)
    f_embs = jnp.take(ft, idx, axis=0).reshape(N_PROPERTY * K_SHOT, EMB)
    fc = jnp.concatenate([pos_emb, f_embs], axis=0)
    xn = fc / (jnp.linalg.norm(fc, axis=-1, keepdims=True) + 1e-8)
    simm = xn @ xn.T
    new = gcn_layer(simm, fc, Wg)
    s_positive = new[:K_SHOT]
    return jnp.concatenate([neg_emb, s_positive], axis=0)


def context_mlp(s_emb, q_emb):
    nq = q_emb.shape[0]
    s_rep = jnp.broadcast_to(s_emb[None, :, :], (nq,) + s_emb.shape)
    return jnp.concatenate([s_rep, q_emb[:, None, :]], axis=1)  # [nq, ns+1, d]


def fea_aug(m, Wg):
    q, s, d = m.shape
    emb = m.reshape(q * s, d)
    xn = emb / (jnp.linalg.norm(emb, axis=-1, keepdims=True) + 1e-8)
    adj = xn @ xn.T
    new = gcn_layer(adj, emb, Wg)
    return new.reshape(q, s, d)


def classify(m, Wc1, Wc2):
    h = jax.nn.relu(m @ Wc1)
    logits = h @ Wc2
    return logits[:, :-1, :], logits[:, -1, :]


def reference(x_s, edge_index_s, batch_s, x_q, edge_index_q, batch_q,
              f_tasks_pos, W1, W2, Wg, Wc1, Wc2):
    s_emb, sub_s_emb, cat_s_emb = gnn_encode(x_s, edge_index_s, batch_s, N_SUPPORT, W1, W2)
    q_emb, sub_q_emb, cat_q_emb = gnn_encode(x_q, edge_index_q, batch_q, N_QUERY, W1, W2)
    pos_emb = cat_s_emb[K_SHOT:2 * K_SHOT]
    s_emb = ftask_aug(s_emb, f_tasks_pos, Wg)
    sub_s_emb = ftask_aug(sub_s_emb, f_tasks_pos, Wg)
    cat_s_emb = ftask_aug(cat_s_emb, f_tasks_pos, Wg)
    s_map = fea_aug(context_mlp(s_emb, q_emb), Wg)
    sub_map = fea_aug(context_mlp(sub_s_emb, sub_q_emb), Wg)
    cat_map = fea_aug(context_mlp(cat_s_emb, cat_q_emb), Wg)
    s_logits, q_logits = classify(s_map, Wc1, Wc2)
    subs_logits, subq_logits = classify(sub_map, Wc1, Wc2)
    cats_logits, catq_logits = classify(cat_map, Wc1, Wc2)
    return (s_logits, q_logits, subs_logits, subq_logits, cats_logits, catq_logits, pos_emb)

if __name__ == "__main__":
    import jax
    _d = setup_inputs()
    print(jax.jit(kernel)(*tuple(_d.values())))

</pallas_src>

<mosaic_0001>
#map = affine_map<(d0, d1) -> (0, 0)>
#map1 = affine_map<(d0, d1) -> (0, 0, 0, 0)>
#map2 = affine_map<(d0, d1) -> (0, 0, 0)>
module attributes {stable_mosaic.version = 14 : i64} {
  func.func @_sc_edge_scatter(%arg0: i32, %arg1: i32, %arg2: memref<20000x128xf32, #tpu.memory_space<hbm>>, %arg3: memref<2x16x160x128xi32, #tpu.memory_space<hbm>>, %arg4: memref<2x16x160x128xi32, #tpu.memory_space<hbm>>, %arg5: memref<2x10240x128xf32, #tpu.memory_space<hbm>>, %arg6: memref<16x128xi32, #tpu.memory_space<vmem>>, %arg7: memref<16x128xi32, #tpu.memory_space<vmem>>, %arg8: memref<128x128xf32, #tpu.memory_space<vmem>>, %arg9: memref<128x128xf32, #tpu.memory_space<vmem>>, %arg10: memref<10240x128xf32, #tpu.memory_space<vmem_shared>>, %arg11: memref<!tpu.dma_semaphore, #tpu.memory_space<semaphore_mem>>, %arg12: memref<!tpu.dma_semaphore, #tpu.memory_space<semaphore_mem>>, %arg13: memref<!tpu.dma_semaphore, #tpu.memory_space<semaphore_mem>>, %arg14: memref<!tpu.dma_semaphore, #tpu.memory_space<semaphore_mem>>) attributes {dimension_semantics = [#tpu.dimension_semantics<core_parallel>, #tpu.dimension_semantics<subcore_parallel>], iteration_bounds = array<i64: 2, 16>, scalar_prefetch = 0 : i64, scratch_operands = 9 : i64, tpu.core_type = #tpu.core_type<sc_vector_subcore>, window_params = [{transform_indices = #map}, {transform_indices = #map1}, {transform_indices = #map1}, {transform_indices = #map2}]} {
    %broadcast_in_dim3A = arith.constant 0.000000e+00 : f32
    %broadcast_in_dim3A_0 = vector.broadcast %broadcast_in_dim3A : f32 to vector<16xf32>
    %scan3A = arith.constant 0 : i32
    %scan3A_1 = arith.constant 0 : i32
    %scan3A_2 = arith.constant 128 : i32
    %scan3A_3 = arith.addi %scan3A_1, %scan3A_2 : i32
    %scan3A_4 = arith.constant 1 : i32
    scf.for %scan3A_35 = %scan3A_1 to %scan3A_3 step %scan3A_4  : i32 {
      %swap3A = arith.index_cast %scan3A_35 : i32 to index
      %swap3A_36 = arith.constant 0 : index
      %swap3A_37 = tpu.vector_load %arg8[%swap3A, %swap3A_36] {strides = array<i32>} : memref<128x128xf32, #tpu.memory_space<vmem>>, vector<1x16xf32>,
      %swap3A_38 = vector.shape_cast %swap3A_37 : vector<1x16xf32> to vector<16xf32>
      %swap3A_39 = vector.shape_cast %broadcast_in_dim3A_0 : vector<16xf32> to vector<1x16xf32>
      tpu.vector_store %arg8[%swap3A, %swap3A_36], %swap3A_39 {strides = array<i32>} : memref<128x128xf32, #tpu.memory_space<vmem>>, vector<1x16xf32>,
      %swap3A_40 = arith.index_cast %scan3A_35 : i32 to index
      %swap3A_41 = arith.constant 16 : index
      %swap3A_42 = tpu.vector_load %arg8[%swap3A_40, %swap3A_41] {strides = array<i32>} : memref<128x128xf32, #tpu.memory_space<vmem>>, vector<1x16xf32>,
      %swap3A_43 = vector.shape_cast %swap3A_42 : vector<1x16xf32> to vector<16xf32>
      %swap3A_44 = vector.shape_cast %broadcast_in_dim3A_0 : vector<16xf32> to vector<1x16xf32>
      tpu.vector_store %arg8[%swap3A_40, %swap3A_41], %swap3A_44 {strides = array<i32>} : memref<128x128xf32, #tpu.memory_space<vmem>>, vector<1x16xf32>,
      %swap3A_45 = arith.index_cast %scan3A_35 : i32 to index
      %swap3A_46 = arith.constant 32 : index
      %swap3A_47 = tpu.vector_load %arg8[%swap3A_45, %swap3A_46] {strides = array<i32>} : memref<128x128xf32, #tpu.memory_space<vmem>>, vector<1x16xf32>,
      %swap3A_48 = vector.shape_cast %swap3A_47 : vector<1x16xf32> to vector<16xf32>
      %swap3A_49 = vector.shape_cast %broadcast_in_dim3A_0 : vector<16xf32> to vector<1x16xf32>
      tpu.vector_store %arg8[%swap3A_45, %swap3A_46], %swap3A_49 {strides = array<i32>} : memref<128x128xf32, #tpu.memory_space<vmem>>, vector<1x16xf32>,
      %swap3A_50 = arith.index_cast %scan3A_35 : i32 to index
      %swap3A_51 = arith.constant 48 : index
      %swap3A_52 = tpu.vector_load %arg8[%swap3A_50, %swap3A_51] {strides = array<i32>} : memref<128x128xf32, #tpu.memory_space<vmem>>, vector<1x16xf32>,
      %swap3A_53 = vector.shape_cast %swap3A_52 : vector<1x16xf32> to vector<16xf32>
      %swap3A_54 = vector.shape_cast %broadcast_in_dim3A_0 : vector<16xf32> to vector<1x16xf32>
      tpu.vector_store %arg8[%swap3A_50, %swap3A_51], %swap3A_54 {strides = array<i32>} : memref<128x128xf32, #tpu.memory_space<vmem>>, vector<1x16xf32>,
      %swap3A_55 = arith.index_cast %scan3A_35 : i32 to index
      %swap3A_56 = arith.constant 64 : index
      %swap3A_57 = tpu.vector_load %arg8[%swap3A_55, %swap3A_56] {strides = array<i32>} : memref<128x128xf32, #tpu.memory_space<vmem>>, vector<1x16xf32>,
      %swap3A_58 = vector.shape_cast %swap3A_57 : vector<1x16xf32> to vector<16xf32>
      %swap3A_59 = vector.shape_cast %broadcast_in_dim3A_0 : vector<16xf32> to vector<1x16xf32>
      tpu.vector_store %arg8[%swap3A_55, %swap3A_56], %swap3A_59 {strides = array<i32>} : memref<128x128xf32, #tpu.memory_space<vmem>>, vector<1x16xf32>,
      %swap3A_60 = arith.index_cast %scan3A_35 : i32 to index
      %swap3A_61 = arith.constant 80 : index
      %swap3A_62 = tpu.vector_load %arg8[%swap3A_60, %swap3A_61] {strides = array<i32>} : memref<128x128xf32, #tpu.memory_space<vmem>>, vector<1x16xf32>,
      %swap3A_63 = vector.shape_cast %swap3A_62 : vector<1x16xf32> to vector<16xf32>
      %swap3A_64 = vector.shape_cast %broadcast_in_dim3A_0 : vector<16xf32> to vector<1x16xf32>
      tpu.vector_store %arg8[%swap3A_60, %swap3A_61], %swap3A_64 {strides = array<i32>} : memref<128x128xf32, #tpu.memory_space<vmem>>, vector<1x16xf32>,
      %swap3A_65 = arith.index_cast %scan3A_35 : i32 to index
      %swap3A_66 = arith.constant 96 : index
      %swap3A_67 = tpu.vector_load %arg8[%swap3A_65, %swap3A_66] {strides = array<i32>} : memref<128x128xf32, #tpu.memory_space<vmem>>, vector<1x16xf32>,
      %swap3A_68 = vector.shape_cast %swap3A_67 : vector<1x16xf32> to vector<16xf32>
      %swap3A_69 = vector.shape_cast %broadcast_in_dim3A_0 : vector<16xf32> to vector<1x16xf32>
      tpu.vector_store %arg8[%swap3A_65, %swap3A_66], %swap3A_69 {strides = array<i32>} : memref<128x128xf32, #tpu.memory_space<vmem>>, vector<1x16xf32>,
      %swap3A_70 = arith.index_cast %scan3A_35 : i32 to index
      %swap3A_71 = arith.constant 112 : index
      %swap3A_72 = tpu.vector_load %arg8[%swap3A_70, %swap3A_71] {strides = array<i32>} : memref<128x128xf32, #tpu.memory_space<vmem>>, vector<1x16xf32>,
      %swap3A_73 = vector.shape_cast %swap3A_72 : vector<1x16xf32> to vector<16xf32>
      %swap3A_74 = vector.shape_cast %broadcast_in_dim3A_0 : vector<16xf32> to vector<1x16xf32>
      tpu.vector_store %arg8[%swap3A_70, %swap3A_71], %swap3A_74 {strides = array<i32>} : memref<128x128xf32, #tpu.memory_space<vmem>>, vector<1x16xf32>,
    }
    %scan3A_5 = arith.constant 128 : i32
    %mul3A = arith.constant 640 : i32
    %mul3A_6 = arith.muli %arg1, %mul3A : i32
    %add3A = arith.constant 0 : i32
    %add3A_7 = arith.addi %mul3A_6, %add3A : i32
    "tpu.region"() ({
      %run_scoped3A = tpu.sem_alloc : memref<!tpu.dma_semaphore, #tpu.memory_space<semaphore_mem>>
      %dma_start3A = arith.constant 0 : i32
      %dma_start3A_35 = tpu.memref_slice %arg10[%add3A_7, %dma_start3A] : memref<10240x128xf32, #tpu.memory_space<vmem_shared>> -> memref<128x128xf32, #tpu.memory_space<vmem_shared>>
      %dma_start3A_36 = arith.constant 0 : i32
      %dma_start3A_37 = tpu.memref_slice %arg10[%add3A_7, %dma_start3A_36] : memref<10240x128xf32, #tpu.memory_space<vmem_shared>> -> memref<128x128xf32, #tpu.memory_space<vmem_shared>>
      tpu.enqueue_dma source(%arg8 : memref<128x128xf32, #tpu.memory_space<vmem>>) target(%dma_start3A_37 : memref<128x128xf32, #tpu.memory_space<vmem_shared>>) target_semaphore(%run_scoped3A : memref<!tpu.dma_semaphore, #tpu.memory_space<semaphore_mem>>)
      %dma_wait3A = arith.constant 0 : i32
      %dma_wait3A_38 = tpu.memref_slice %arg10[%add3A_7, %dma_wait3A] : memref<10240x128xf32, #tpu.memory_space<vmem_shared>> -> memref<128x128xf32, #tpu.memory_space<vmem_shared>>
      %dma_wait3A_39 = arith.constant 0 : i32
      %dma_wait3A_40 = tpu.memref_slice %arg10[%add3A_7, %dma_wait3A_39] : memref<10240x128xf32, #tpu.memory_space<vmem_shared>> -> memref<128x128xf32, #tpu.memory_space<vmem_shared>>
      tpu.wait_dma2 semaphore(%run_scoped3A : memref<!tpu.dma_semaphore, #tpu.memory_space<semaphore_mem>>) src(%arg8 : memref<128x128xf32, #tpu.memory_space<vmem>>) dst(%dma_wait3A_40 : memref<128x128xf32, #tpu.memory_space<vmem_shared>>)
      tpu.yield
    }) : () -> ()
    %mul3A_8 = arith.constant 640 : i32
    %mul3A_9 = arith.muli %arg1, %mul3A_8 : i32
    %add3A_10 = arith.constant 128 : i32
    %add3A_11 = arith.addi %mul3A_9, %add3A_10 : i32
    "tpu.region"() ({
      %run_scoped3A = tpu.sem_alloc : memref<!tpu.dma_semaphore, #tpu.memory_space<semaphore_mem>>
      %dma_start3A = arith.constant 0 : i32
      %dma_start3A_35 = tpu.memref_slice %arg10[%add3A_11, %dma_start3A] : memref<10240x128xf32, #tpu.memory_space<vmem_shared>> -> memref<128x128xf32, #tpu.memory_space<vmem_shared>>
      %dma_start3A_36 = arith.constant 0 : i32
      %dma_start3A_37 = tpu.memref_slice %arg10[%add3A_11, %dma_start3A_36] : memref<10240x128xf32, #tpu.memory_space<vmem_shared>> -> memref<128x128xf32, #tpu.memory_space<vmem_shared>>
      tpu.enqueue_dma source(%arg8 : memref<128x128xf32, #tpu.memory_space<vmem>>) target(%dma_start3A_37 : memref<128x128xf32, #tpu.memory_space<vmem_shared>>) target_semaphore(%run_scoped3A : memref<!tpu.dma_semaphore, #tpu.memory_space<semaphore_mem>>)
      %dma_wait3A = arith.constant 0 : i32
      %dma_wait3A_38 = tpu.memref_slice %arg10[%add3A_11, %dma_wait3A] : memref<10240x128xf32, #tpu.memory_space<vmem_shared>> -> memref<128x128xf32, #tpu.memory_space<vmem_shared>>
      %dma_wait3A_39 = arith.constant 0 : i32
      %dma_wait3A_40 = tpu.memref_slice %arg10[%add3A_11, %dma_wait3A_39] : memref<10240x128xf32, #tpu.memory_space<vmem_shared>> -> memref<128x128xf32, #tpu.memory_space<vmem_shared>>
      tpu.wait_dma2 semaphore(%run_scoped3A : memref<!tpu.dma_semaphore, #tpu.memory_space<semaphore_mem>>) src(%arg8 : memref<128x128xf32, #tpu.memory_space<vmem>>) dst(%dma_wait3A_40 : memref<128x128xf32, #tpu.memory_space<vmem_shared>>)
      tpu.yield
    }) : () -> ()
    %mul3A_12 = arith.constant 640 : i32
    %mul3A_13 = arith.muli %arg1, %mul3A_12 : i32
    %add3A_14 = arith.constant 256 : i32
    %add3A_15 = arith.addi %mul3A_13, %add3A_14 : i32
    "tpu.region"() ({
      %run_scoped3A = tpu.sem_alloc : memref<!tpu.dma_semaphore, #tpu.memory_space<semaphore_mem>>
      %dma_start3A = arith.constant 0 : i32
      %dma_start3A_35 = tpu.memref_slice %arg10[%add3A_15, %dma_start3A] : memref<10240x128xf32, #tpu.memory_space<vmem_shared>> -> memref<128x128xf32, #tpu.memory_space<vmem_shared>>
      %dma_start3A_36 = arith.constant 0 : i32
      %dma_start3A_37 = tpu.memref_slice %arg10[%add3A_15, %dma_start3A_36] : memref<10240x128xf32, #tpu.memory_space<vmem_shared>> -> memref<128x128xf32, #tpu.memory_space<vmem_shared>>
      tpu.enqueue_dma source(%arg8 : memref<128x128xf32, #tpu.memory_space<vmem>>) target(%dma_start3A_37 : memref<128x128xf32, #tpu.memory_space<vmem_shared>>) target_semaphore(%run_scoped3A : memref<!tpu.dma_semaphore, #tpu.memory_space<semaphore_mem>>)
      %dma_wait3A = arith.constant 0 : i32
      %dma_wait3A_38 = tpu.memref_slice %arg10[%add3A_15, %dma_wait3A] : memref<10240x128xf32, #tpu.memory_space<vmem_shared>> -> memref<128x128xf32, #tpu.memory_space<vmem_shared>>
      %dma_wait3A_39 = arith.constant 0 : i32
      %dma_wait3A_40 = tpu.memref_slice %arg10[%add3A_15, %dma_wait3A_39] : memref<10240x128xf32, #tpu.memory_space<vmem_shared>> -> memref<128x128xf32, #tpu.memory_space<vmem_shared>>
      tpu.wait_dma2 semaphore(%run_scoped3A : memref<!tpu.dma_semaphore, #tpu.memory_space<semaphore_mem>>) src(%arg8 : memref<128x128xf32, #tpu.memory_space<vmem>>) dst(%dma_wait3A_40 : memref<128x128xf32, #tpu.memory_space<vmem_shared>>)
      tpu.yield
    }) : () -> ()
    %mul3A_16 = arith.constant 640 : i32
    %mul3A_17 = arith.muli %arg1, %mul3A_16 : i32
    %add3A_18 = arith.constant 384 : i32
    %add3A_19 = arith.addi %mul3A_17, %add3A_18 : i32
    "tpu.region"() ({
      %run_scoped3A = tpu.sem_alloc : memref<!tpu.dma_semaphore, #tpu.memory_space<semaphore_mem>>
      %dma_start3A = arith.constant 0 : i32
      %dma_start3A_35 = tpu.memref_slice %arg10[%add3A_19, %dma_start3A] : memref<10240x128xf32, #tpu.memory_space<vmem_shared>> -> memref<128x128xf32, #tpu.memory_space<vmem_shared>>
      %dma_start3A_36 = arith.constant 0 : i32
      %dma_start3A_37 = tpu.memref_slice %arg10[%add3A_19, %dma_start3A_36] : memref<10240x128xf32, #tpu.memory_space<vmem_shared>> -> memref<128x128xf32, #tpu.memory_space<vmem_shared>>
      tpu.enqueue_dma source(%arg8 : memref<128x128xf32, #tpu.memory_space<vmem>>) target(%dma_start3A_37 : memref<128x128xf32, #tpu.memory_space<vmem_shared>>) target_semaphore(%run_scoped3A : memref<!tpu.dma_semaphore, #tpu.memory_space<semaphore_mem>>)
      %dma_wait3A = arith.constant 0 : i32
      %dma_wait3A_38 = tpu.memref_slice %arg10[%add3A_19, %dma_wait3A] : memref<10240x128xf32, #tpu.memory_space<vmem_shared>> -> memref<128x128xf32, #tpu.memory_space<vmem_shared>>
      %dma_wait3A_39 = arith.constant 0 : i32
      %dma_wait3A_40 = tpu.memref_slice %arg10[%add3A_19, %dma_wait3A_39] : memref<10240x128xf32, #tpu.memory_space<vmem_shared>> -> memref<128x128xf32, #tpu.memory_space<vmem_shared>>
      tpu.wait_dma2 semaphore(%run_scoped3A : memref<!tpu.dma_semaphore, #tpu.memory_space<semaphore_mem>>) src(%arg8 : memref<128x128xf32, #tpu.memory_space<vmem>>) dst(%dma_wait3A_40 : memref<128x128xf32, #tpu.memory_space<vmem_shared>>)
      tpu.yield
    }) : () -> ()
    %mul3A_20 = arith.constant 640 : i32
    %mul3A_21 = arith.muli %arg1, %mul3A_20 : i32
    %add3A_22 = arith.constant 512 : i32
    %add3A_23 = arith.addi %mul3A_21, %add3A_22 : i32
    "tpu.region"() ({
      %run_scoped3A = tpu.sem_alloc : memref<!tpu.dma_semaphore, #tpu.memory_space<semaphore_mem>>
      %dma_start3A = arith.constant 0 : i32
      %dma_start3A_35 = tpu.memref_slice %arg10[%add3A_23, %dma_start3A] : memref<10240x128xf32, #tpu.memory_space<vmem_shared>> -> memref<128x128xf32, #tpu.memory_space<vmem_shared>>
      %dma_start3A_36 = arith.constant 0 : i32
      %dma_start3A_37 = tpu.memref_slice %arg10[%add3A_23, %dma_start3A_36] : memref<10240x128xf32, #tpu.memory_space<vmem_shared>> -> memref<128x128xf32, #tpu.memory_space<vmem_shared>>
      tpu.enqueue_dma source(%arg8 : memref<128x128xf32, #tpu.memory_space<vmem>>) target(%dma_start3A_37 : memref<128x128xf32, #tpu.memory_space<vmem_shared>>) target_semaphore(%run_scoped3A : memref<!tpu.dma_semaphore, #tpu.memory_space<semaphore_mem>>)
      %dma_wait3A = arith.constant 0 : i32
      %dma_wait3A_38 = tpu.memref_slice %arg10[%add3A_23, %dma_wait3A] : memref<10240x128xf32, #tpu.memory_space<vmem_shared>> -> memref<128x128xf32, #tpu.memory_space<vmem_shared>>
      %dma_wait3A_39 = arith.constant 0 : i32
      %dma_wait3A_40 = tpu.memref_slice %arg10[%add3A_23, %dma_wait3A_39] : memref<10240x128xf32, #tpu.memory_space<vmem_shared>> -> memref<128x128xf32, #tpu.memory_space<vmem_shared>>
      tpu.wait_dma2 semaphore(%run_scoped3A : memref<!tpu.dma_semaphore, #tpu.memory_space<semaphore_mem>>) src(%arg8 : memref<128x128xf32, #tpu.memory_space<vmem>>) dst(%dma_wait3A_40 : memref<128x128xf32, #tpu.memory_space<vmem_shared>>)
      tpu.yield
    }) : () -> ()
    %barrier3A = arith.constant 0 : index
    tpu.barrier barrier_id(%barrier3A)
    %scan3A_24 = arith.constant 0 : i32
    %scan3A_25 = arith.constant 0 : i32
    %scan3A_26 = arith.constant 10 : i32
    %scan3A_27 = arith.addi %scan3A_25, %scan3A_26 : i32
    %scan3A_28 = arith.constant 1 : i32
    scf.for %scan3A_35 = %scan3A_25 to %scan3A_27 step %scan3A_28  : i32 {
      %mul3A_36 = arith.constant 16 : i32
      %mul3A_37 = arith.muli %scan3A_35, %mul3A_36 : i32
      "tpu.region"() ({
        %run_scoped3A = tpu.sem_alloc : memref<!tpu.dma_semaphore, #tpu.memory_space<semaphore_mem>>
        %dma_start3A_65 = arith.constant 0 : i32
        %dma_start3A_66 = tpu.memref_slice %arg3[%arg0, %arg1, %mul3A_37, %dma_start3A_65] : memref<2x16x160x128xi32, #tpu.memory_space<hbm>> -> memref<1x1x16x128xi32, #tpu.memory_space<hbm>>
        %dma_start3A_67 = tpu.memref_squeeze %dma_start3A_66 : memref<1x1x16x128xi32, #tpu.memory_space<hbm>> -> memref<16x128xi32, #tpu.memory_space<hbm>>
        %dma_start3A_68 = arith.constant 0 : i32
        %dma_start3A_69 = tpu.memref_slice %arg3[%arg0, %arg1, %mul3A_37, %dma_start3A_68] : memref<2x16x160x128xi32, #tpu.memory_space<hbm>> -> memref<1x1x16x128xi32, #tpu.memory_space<hbm>>
        %dma_start3A_70 = tpu.memref_squeeze %dma_start3A_69 : memref<1x1x16x128xi32, #tpu.memory_space<hbm>> -> memref<16x128xi32, #tpu.memory_space<hbm>>
        tpu.enqueue_dma source(%dma_start3A_70 : memref<16x128xi32, #tpu.memory_space<hbm>>) target(%arg6 : memref<16x128xi32, #tpu.memory_space<vmem>>) target_semaphore(%run_scoped3A : memref<!tpu.dma_semaphore, #tpu.memory_space<semaphore_mem>>)
        %dma_wait3A_71 = arith.constant 0 : i32
        %dma_wait3A_72 = tpu.memref_slice %arg3[%arg0, %arg1, %mul3A_37, %dma_wait3A_71] : memref<2x16x160x128xi32, #tpu.memory_space<hbm>> -> memref<1x1x16x128xi32, #tpu.memory_space<hbm>>
        %dma_wait3A_73 = tpu.memref_squeeze %dma_wait3A_72 : memref<1x1x16x128xi32, #tpu.memory_space<hbm>> -> memref<16x128xi32, #tpu.memory_space<hbm>>
        %dma_wait3A_74 = arith.constant 0 : i32
        %dma_wait3A_75 = tpu.memref_slice %arg3[%arg0, %arg1, %mul3A_37, %dma_wait3A_74] : memref<2x16x160x128xi32, #tpu.memory_space<hbm>> -> memref<1x1x16x128xi32, #tpu.memory_space<hbm>>
        %dma_wait3A_76 = tpu.memref_squeeze %dma_wait3A_75 : memref<1x1x16x128xi32, #tpu.memory_space<hbm>> -> memref<16x128xi32, #tpu.memory_space<hbm>>
        tpu.wait_dma2 semaphore(%run_scoped3A : memref<!tpu.dma_semaphore, #tpu.memory_space<semaphore_mem>>) src(%dma_wait3A_76 : memref<16x128xi32, #tpu.memory_space<hbm>>) dst(%arg6 : memref<16x128xi32, #tpu.memory_space<vmem>>)
        tpu.yield
      }) : () -> ()
      %mul3A_38 = arith.constant 16 : i32
      %mul3A_39 = arith.muli %scan3A_35, %mul3A_38 : i32
      "tpu.region"() ({
        %run_scoped3A = tpu.sem_alloc : memref<!tpu.dma_semaphore, #tpu.memory_space<semaphore_mem>>
        %dma_start3A_65 = arith.constant 0 : i32
        %dma_start3A_66 = tpu.memref_slice %arg4[%arg0, %arg1, %mul3A_39, %dma_start3A_65] : memref<2x16x160x128xi32, #tpu.memory_space<hbm>> -> memref<1x1x16x128xi32, #tpu.memory_space<hbm>>
        %dma_start3A_67 = tpu.memref_squeeze %dma_start3A_66 : memref<1x1x16x128xi32, #tpu.memory_space<hbm>> -> memref<16x128xi32, #tpu.memory_space<hbm>>
        %dma_start3A_68 = arith.constant 0 : i32
        %dma_start3A_69 = tpu.memref_slice %arg4[%arg0, %arg1, %mul3A_39, %dma_start3A_68] : memref<2x16x160x128xi32, #tpu.memory_space<hbm>> -> memref<1x1x16x128xi32, #tpu.memory_space<hbm>>
        %dma_start3A_70 = tpu.memref_squeeze %dma_start3A_69 : memref<1x1x16x128xi32, #tpu.memory_space<hbm>> -> memref<16x128xi32, #tpu.memory_space<hbm>>
        tpu.enqueue_dma source(%dma_start3A_70 : memref<16x128xi32, #tpu.memory_space<hbm>>) target(%arg7 : memref<16x128xi32, #tpu.memory_space<vmem>>) target_semaphore(%run_scoped3A : memref<!tpu.dma_semaphore, #tpu.memory_space<semaphore_mem>>)
        %dma_wait3A_71 = arith.constant 0 : i32
        %dma_wait3A_72 = tpu.memref_slice %arg4[%arg0, %arg1, %mul3A_39, %dma_wait3A_71] : memref<2x16x160x128xi32, #tpu.memory_space<hbm>> -> memref<1x1x16x128xi32, #tpu.memory_space<hbm>>
        %dma_wait3A_73 = tpu.memref_squeeze %dma_wait3A_72 : memref<1x1x16x128xi32, #tpu.memory_space<hbm>> -> memref<16x128xi32, #tpu.memory_space<hbm>>
        %dma_wait3A_74 = arith.constant 0 : i32
        %dma_wait3A_75 = tpu.memref_slice %arg4[%arg0, %arg1, %mul3A_39, %dma_wait3A_74] : memref<2x16x160x128xi32, #tpu.memory_space<hbm>> -> memref<1x1x16x128xi32, #tpu.memory_space<hbm>>
        %dma_wait3A_76 = tpu.memref_squeeze %dma_wait3A_75 : memref<1x1x16x128xi32, #tpu.memory_space<hbm>> -> memref<16x128xi32, #tpu.memory_space<hbm>>
        tpu.wait_dma2 semaphore(%run_scoped3A : memref<!tpu.dma_semaphore, #tpu.memory_space<semaphore_mem>>) src(%dma_wait3A_76 : memref<16x128xi32, #tpu.memory_space<hbm>>) dst(%arg7 : memref<16x128xi32, #tpu.memory_space<vmem>>)
        tpu.yield
      }) : () -> ()
      %dma_start3A = arith.constant 0 : i32
      %dma_start3A_40 = arith.constant 0 : i32
      %dma_start3A_41 = tpu.memref_slice %arg6[%dma_start3A, %dma_start3A_40] : memref<16x128xi32, #tpu.memory_space<vmem>> -> memref<1x128xi32, #tpu.memory_space<vmem>>
      %dma_start3A_42 = tpu.memref_squeeze %dma_start3A_41 : memref<1x128xi32, #tpu.memory_space<vmem>> -> memref<128xi32, #tpu.memory_space<vmem>>
      %dma_start3A_43 = arith.constant 0 : i32
      %dma_start3A_44 = arith.constant 0 : i32
      %dma_start3A_45 = tpu.memref_slice %arg2[%dma_start3A_43, %dma_start3A_44] : memref<20000x128xf32, #tpu.memory_space<hbm>> -> memref<20000x128xf32, #tpu.memory_space<hbm>>
      tpu.enqueue_indirect_dma source(%dma_start3A_45 : memref<20000x128xf32, #tpu.memory_space<hbm>>) target(%arg8 : memref<128x128xf32, #tpu.memory_space<vmem>>) offsets(%dma_start3A_42 : memref<128xi32, #tpu.memory_space<vmem>>) semaphore(%arg11 : memref<!tpu.dma_semaphore, #tpu.memory_space<semaphore_mem>>)
      %scan3A_46 = arith.constant 0 : i32
      %scan3A_47 = arith.constant 0 : i32
      %scan3A_48 = arith.constant 8 : i32
      %scan3A_49 = arith.addi %scan3A_47, %scan3A_48 : i32
      %scan3A_50 = arith.constant 1 : i32
      scf.for %scan3A_65 = %scan3A_47 to %scan3A_49 step %scan3A_50  : i32 {
        %mul3A_66 = arith.constant 2 : i32
        %mul3A_67 = arith.muli %mul3A_66, %scan3A_65 : i32
        %mul3A_68 = arith.constant 2 : i32
        %mul3A_69 = arith.muli %mul3A_68, %scan3A_65 : i32
        %add3A_70 = arith.constant 1 : i32
        %add3A_71 = arith.addi %mul3A_69, %add3A_70 : i32
        %dma_wait3A_72 = arith.constant 0 : i32
        %dma_wait3A_73 = tpu.memref_slice %arg6[%mul3A_67, %dma_wait3A_72] : memref<16x128xi32, #tpu.memory_space<vmem>> -> memref<1x128xi32, #tpu.memory_space<vmem>>
        %dma_wait3A_74 = tpu.memref_squeeze %dma_wait3A_73 : memref<1x128xi32, #tpu.memory_space<vmem>> -> memref<128xi32, #tpu.memory_space<vmem>>
        %dma_wait3A_75 = arith.constant 0 : i32
        %dma_wait3A_76 = arith.constant 0 : i32
        %dma_wait3A_77 = tpu.memref_slice %arg2[%dma_wait3A_75, %dma_wait3A_76] : memref<20000x128xf32, #tpu.memory_space<hbm>> -> memref<20000x128xf32, #tpu.memory_space<hbm>>
        tpu.wait_indirect_dma semaphore(%arg11 : memref<!tpu.dma_semaphore, #tpu.memory_space<semaphore_mem>>) src(%dma_wait3A_77 : memref<20000x128xf32, #tpu.memory_space<hbm>>) dst(%arg8 : memref<128x128xf32, #tpu.memory_space<vmem>>)
        %dma_start3A_78 = arith.constant 0 : i32
        %dma_start3A_79 = tpu.memref_slice %arg7[%mul3A_67, %dma_start3A_78] : memref<16x128xi32, #tpu.memory_space<vmem>> -> memref<1x128xi32, #tpu.memory_space<vmem>>
        %dma_start3A_80 = tpu.memref_squeeze %dma_start3A_79 : memref<1x128xi32, #tpu.memory_space<vmem>> -> memref<128xi32, #tpu.memory_space<vmem>>
        %dma_start3A_81 = arith.constant 0 : i32
        %dma_start3A_82 = arith.constant 0 : i32
        %dma_start3A_83 = tpu.memref_slice %arg10[%dma_start3A_81, %dma_start3A_82] : memref<10240x128xf32, #tpu.memory_space<vmem_shared>> -> memref<10240x128xf32, #tpu.memory_space<vmem_shared>>
        tpu.enqueue_indirect_dma source(%arg8 : memref<128x128xf32, #tpu.memory_space<vmem>>) target(%dma_start3A_83 : memref<10240x128xf32, #tpu.memory_space<vmem_shared>>) offsets(%dma_start3A_80 : memref<128xi32, #tpu.memory_space<vmem>>) semaphore(%arg13 : memref<!tpu.dma_semaphore, #tpu.memory_space<semaphore_mem>>) {add = true}
        %gt3A = arith.constant 0 : i32
        %gt3A_84 = arith.cmpi sgt, %scan3A_65, %gt3A : i32
        %convert_element_type3A = arith.extui %gt3A_84 : i1 to i32
        %cond3A = arith.constant 0 : i32
        %cond3A_85 = arith.cmpi ne, %convert_element_type3A, %cond3A : i32
        scf.if %cond3A_85 {
          %sub3A = arith.constant 1 : i32
          %sub3A_108 = arith.subi %mul3A_67, %sub3A : i32
          %dma_wait3A_109 = arith.constant 0 : i32
          %dma_wait3A_110 = tpu.memref_slice %arg7[%sub3A_108, %dma_wait3A_109] : memref<16x128xi32, #tpu.memory_space<vmem>> -> memref<1x128xi32, #tpu.memory_space<vmem>>
          %dma_wait3A_111 = tpu.memref_squeeze %dma_wait3A_110 : memref<1x128xi32, #tpu.memory_space<vmem>> -> memref<128xi32, #tpu.memory_space<vmem>>
          %dma_wait3A_112 = arith.constant 0 : i32
          %dma_wait3A_113 = arith.constant 0 : i32
          %dma_wait3A_114 = tpu.memref_slice %arg10[%dma_wait3A_112, %dma_wait3A_113] : memref<10240x128xf32, #tpu.memory_space<vmem_shared>> -> memref<10240x128xf32, #tpu.memory_space<vmem_shared>>
          tpu.wait_indirect_dma semaphore(%arg14 : memref<!tpu.dma_semaphore, #tpu.memory_space<semaphore_mem>>) src(%arg9 : memref<128x128xf32, #tpu.memory_space<vmem>>) dst(%dma_wait3A_114 : memref<10240x128xf32, #tpu.memory_space<vmem_shared>>)
        } else {
        }
        %dma_start3A_86 = arith.constant 0 : i32
        %dma_start3A_87 = tpu.memref_slice %arg6[%add3A_71, %dma_start3A_86] : memref<16x128xi32, #tpu.memory_space<vmem>> -> memref<1x128xi32, #tpu.memory_space<vmem>>
        %dma_start3A_88 = tpu.memref_squeeze %dma_start3A_87 : memref<1x128xi32, #tpu.memory_space<vmem>> -> memref<128xi32, #tpu.memory_space<vmem>>
        %dma_start3A_89 = arith.constant 0 : i32
        %dma_start3A_90 = arith.constant 0 : i32
        %dma_start3A_91 = tpu.memref_slice %arg2[%dma_start3A_89, %dma_start3A_90] : memref<20000x128xf32, #tpu.memory_space<hbm>> -> memref<20000x128xf32, #tpu.memory_space<hbm>>
        tpu.enqueue_indirect_dma source(%dma_start3A_91 : memref<20000x128xf32, #tpu.memory_space<hbm>>) target(%arg9 : memref<128x128xf32, #tpu.memory_space<vmem>>) offsets(%dma_start3A_88 : memref<128xi32, #tpu.memory_space<vmem>>) semaphore(%arg12 : memref<!tpu.dma_semaphore, #tpu.memory_space<semaphore_mem>>)
        %dma_wait3A_92 = arith.constant 0 : i32
        %dma_wait3A_93 = tpu.memref_slice %arg6[%add3A_71, %dma_wait3A_92] : memref<16x128xi32, #tpu.memory_space<vmem>> -> memref<1x128xi32, #tpu.memory_space<vmem>>
        %dma_wait3A_94 = tpu.memref_squeeze %dma_wait3A_93 : memref<1x128xi32, #tpu.memory_space<vmem>> -> memref<128xi32, #tpu.memory_space<vmem>>
        %dma_wait3A_95 = arith.constant 0 : i32
        %dma_wait3A_96 = arith.constant 0 : i32
        %dma_wait3A_97 = tpu.memref_slice %arg2[%dma_wait3A_95, %dma_wait3A_96] : memref<20000x128xf32, #tpu.memory_space<hbm>> -> memref<20000x128xf32, #tpu.memory_space<hbm>>
        tpu.wait_indirect_dma semaphore(%arg12 : memref<!tpu.dma_semaphore, #tpu.memory_space<semaphore_mem>>) src(%dma_wait3A_97 : memref<20000x128xf32, #tpu.memory_space<hbm>>) dst(%arg9 : memref<128x128xf32, #tpu.memory_space<vmem>>)
        %dma_start3A_98 = arith.constant 0 : i32
        %dma_start3A_99 = tpu.memref_slice %arg7[%add3A_71, %dma_start3A_98] : memref<16x128xi32, #tpu.memory_space<vmem>> -> memref<1x128xi32, #tpu.memory_space<vmem>>
        %dma_start3A_100 = tpu.memref_squeeze %dma_start3A_99 : memref<1x128xi32, #tpu.memory_space<vmem>> -> memref<128xi32, #tpu.memory_space<vmem>>
        %dma_start3A_101 = arith.constant 0 : i32
        %dma_start3A_102 = arith.constant 0 : i32
        %dma_start3A_103 = tpu.memref_slice %arg10[%dma_start3A_101, %dma_start3A_102] : memref<10240x128xf32, #tpu.memory_space<vmem_shared>> -> memref<10240x128xf32, #tpu.memory_space<vmem_shared>>
        tpu.enqueue_indirect_dma source(%arg9 : memref<128x128xf32, #tpu.memory_space<vmem>>) target(%dma_start3A_103 : memref<10240x128xf32, #tpu.memory_space<vmem_shared>>) offsets(%dma_start3A_100 : memref<128xi32, #tpu.memory_space<vmem>>) semaphore(%arg14 : memref<!tpu.dma_semaphore, #tpu.memory_space<semaphore_mem>>) {add = true}
        %lt3A = arith.constant 7 : i32
        %lt3A_104 = arith.cmpi slt, %scan3A_65, %lt3A : i32
        %convert_element_type3A_105 = arith.extui %lt3A_104 : i1 to i32
        %cond3A_106 = arith.constant 0 : i32
        %cond3A_107 = arith.cmpi ne, %convert_element_type3A_105, %cond3A_106 : i32
        scf.if %cond3A_107 {
          %dma_wait3A_108 = arith.constant 0 : i32
          %dma_wait3A_109 = tpu.memref_slice %arg7[%mul3A_67, %dma_wait3A_108] : memref<16x128xi32, #tpu.memory_space<vmem>> -> memref<1x128xi32, #tpu.memory_space<vmem>>
          %dma_wait3A_110 = tpu.memref_squeeze %dma_wait3A_109 : memref<1x128xi32, #tpu.memory_space<vmem>> -> memref<128xi32, #tpu.memory_space<vmem>>
          %dma_wait3A_111 = arith.constant 0 : i32
          %dma_wait3A_112 = arith.constant 0 : i32
          %dma_wait3A_113 = tpu.memref_slice %arg10[%dma_wait3A_111, %dma_wait3A_112] : memref<10240x128xf32, #tpu.memory_space<vmem_shared>> -> memref<10240x128xf32, #tpu.memory_space<vmem_shared>>
          tpu.wait_indirect_dma semaphore(%arg13 : memref<!tpu.dma_semaphore, #tpu.memory_space<semaphore_mem>>) src(%arg8 : memref<128x128xf32, #tpu.memory_space<vmem>>) dst(%dma_wait3A_113 : memref<10240x128xf32, #tpu.memory_space<vmem_shared>>)
          %add3A_114 = arith.constant 2 : i32
          %add3A_115 = arith.addi %mul3A_67, %add3A_114 : i32
          %dma_start3A_116 = arith.constant 0 : i32
          %dma_start3A_117 = tpu.memref_slice %arg6[%add3A_115, %dma_start3A_116] : memref<16x128xi32, #tpu.memory_space<vmem>> -> memref<1x128xi32, #tpu.memory_space<vmem>>
          %dma_start3A_118 = tpu.memref_squeeze %dma_start3A_117 : memref<1x128xi32, #tpu.memory_space<vmem>> -> memref<128xi32, #tpu.memory_space<vmem>>
          %dma_start3A_119 = arith.constant 0 : i32
          %dma_start3A_120 = arith.constant 0 : i32
          %dma_start3A_121 = tpu.memref_slice %arg2[%dma_start3A_119, %dma_start3A_120] : memref<20000x128xf32, #tpu.memory_space<hbm>> -> memref<20000x128xf32, #tpu.memory_space<hbm>>
          tpu.enqueue_indirect_dma source(%dma_start3A_121 : memref<20000x128xf32, #tpu.memory_space<hbm>>) target(%arg8 : memref<128x128xf32, #tpu.memory_space<vmem>>) offsets(%dma_start3A_118 : memref<128xi32, #tpu.memory_space<vmem>>) semaphore(%arg11 : memref<!tpu.dma_semaphore, #tpu.memory_space<semaphore_mem>>)
        } else {
        }
      }
      %scan3A_51 = arith.constant 8 : i32
      %dma_wait3A = arith.constant 14 : i32
      %dma_wait3A_52 = arith.constant 0 : i32
      %dma_wait3A_53 = tpu.memref_slice %arg7[%dma_wait3A, %dma_wait3A_52] : memref<16x128xi32, #tpu.memory_space<vmem>> -> memref<1x128xi32, #tpu.memory_space<vmem>>
      %dma_wait3A_54 = tpu.memref_squeeze %dma_wait3A_53 : memref<1x128xi32, #tpu.memory_space<vmem>> -> memref<128xi32, #tpu.memory_space<vmem>>
      %dma_wait3A_55 = arith.constant 0 : i32
      %dma_wait3A_56 = arith.constant 0 : i32
      %dma_wait3A_57 = tpu.memref_slice %arg10[%dma_wait3A_55, %dma_wait3A_56] : memref<10240x128xf32, #tpu.memory_space<vmem_shared>> -> memref<10240x128xf32, #tpu.memory_space<vmem_shared>>
      tpu.wait_indirect_dma semaphore(%arg13 : memref<!tpu.dma_semaphore, #tpu.memory_space<semaphore_mem>>) src(%arg8 : memref<128x128xf32, #tpu.memory_space<vmem>>) dst(%dma_wait3A_57 : memref<10240x128xf32, #tpu.memory_space<vmem_shared>>)
      %dma_wait3A_58 = arith.constant 15 : i32
      %dma_wait3A_59 = arith.constant 0 : i32
      %dma_wait3A_60 = tpu.memref_slice %arg7[%dma_wait3A_58, %dma_wait3A_59] : memref<16x128xi32, #tpu.memory_space<vmem>> -> memref<1x128xi32, #tpu.memory_space<vmem>>
      %dma_wait3A_61 = tpu.memref_squeeze %dma_wait3A_60 : memref<1x128xi32, #tpu.memory_space<vmem>> -> memref<128xi32, #tpu.memory_space<vmem>>
      %dma_wait3A_62 = arith.constant 0 : i32
      %dma_wait3A_63 = arith.constant 0 : i32
      %dma_wait3A_64 = tpu.memref_slice %arg10[%dma_wait3A_62, %dma_wait3A_63] : memref<10240x128xf32, #tpu.memory_space<vmem_shared>> -> memref<10240x128xf32, #tpu.memory_space<vmem_shared>>
      tpu.wait_indirect_dma semaphore(%arg14 : memref<!tpu.dma_semaphore, #tpu.memory_space<semaphore_mem>>) src(%arg9 : memref<128x128xf32, #tpu.memory_space<vmem>>) dst(%dma_wait3A_64 : memref<10240x128xf32, #tpu.memory_space<vmem_shared>>)
    }
    %scan3A_29 = arith.constant 10 : i32
    %barrier3A_30 = arith.constant 0 : index
    tpu.barrier barrier_id(%barrier3A_30)
    %mul3A_31 = arith.constant 640 : i32
    %mul3A_32 = arith.muli %arg1, %mul3A_31 : i32
    %mul3A_33 = arith.constant 640 : i32
    %mul3A_34 = arith.muli %arg1, %mul3A_33 : i32
    "tpu.region"() ({
      %run_scoped3A = tpu.sem_alloc : memref<!tpu.dma_semaphore, #tpu.memory_space<semaphore_mem>>
      %dma_start3A = arith.constant 0 : i32
      %dma_start3A_35 = tpu.memref_slice %arg5[%arg0, %mul3A_34, %dma_start3A] : memref<2x10240x128xf32, #tpu.memory_space<hbm>> -> memref<1x640x128xf32, #tpu.memory_space<hbm>>
      %dma_start3A_36 = tpu.memref_squeeze %dma_start3A_35 : memref<1x640x128xf32, #tpu.memory_space<hbm>> -> memref<640x128xf32, #tpu.memory_space<hbm>>
      %dma_start3A_37 = arith.constant 0 : i32
      %dma_start3A_38 = tpu.memref_slice %arg10[%mul3A_32, %dma_start3A_37] : memref<10240x128xf32, #tpu.memory_space<vmem_shared>> -> memref<640x128xf32, #tpu.memory_space<vmem_shared>>
      tpu.enqueue_dma source(%dma_start3A_38 : memref<640x128xf32, #tpu.memory_space<vmem_shared>>) target(%dma_start3A_36 : memref<640x128xf32, #tpu.memory_space<hbm>>) target_semaphore(%run_scoped3A : memref<!tpu.dma_semaphore, #tpu.memory_space<semaphore_mem>>)
      %dma_wait3A = arith.constant 0 : i32
      %dma_wait3A_39 = tpu.memref_slice %arg5[%arg0, %mul3A_34, %dma_wait3A] : memref<2x10240x128xf32, #tpu.memory_space<hbm>> -> memref<1x640x128xf32, #tpu.memory_space<hbm>>
      %dma_wait3A_40 = tpu.memref_squeeze %dma_wait3A_39 : memref<1x640x128xf32, #tpu.memory_space<hbm>> -> memref<640x128xf32, #tpu.memory_space<hbm>>
      %dma_wait3A_41 = arith.constant 0 : i32
      %dma_wait3A_42 = tpu.memref_slice %arg10[%mul3A_32, %dma_wait3A_41] : memref<10240x128xf32, #tpu.memory_space<vmem_shared>> -> memref<640x128xf32, #tpu.memory_space<vmem_shared>>
      tpu.wait_dma2 semaphore(%run_scoped3A : memref<!tpu.dma_semaphore, #tpu.memory_space<semaphore_mem>>) src(%dma_wait3A_42 : memref<640x128xf32, #tpu.memory_space<vmem_shared>>) dst(%dma_wait3A_40 : memref<640x128xf32, #tpu.memory_space<hbm>>)
      tpu.yield
    }) : () -> ()
    return
  }
}

#map = affine_map<(d0, d1) -> (0, 0)>
#map1 = affine_map<(d0, d1) -> (0, 0, 0, 0)>
#map2 = affine_map<(d0, d1) -> (0, 0, 0)>
module attributes {stable_mosaic.version = 14 : i64} {
  func.func @_sc_edge_scatter(%arg0: i32, %arg1: i32, %arg2: memref<20000x128xf32, #tpu.memory_space<hbm>>, %arg3: memref<2x16x160x128xi32, #tpu.memory_space<hbm>>, %arg4: memref<2x16x160x128xi32, #tpu.memory_space<hbm>>, %arg5: memref<2x10240x128xf32, #tpu.memory_space<hbm>>, %arg6: memref<16x128xi32, #tpu.memory_space<vmem>>, %arg7: memref<16x128xi32, #tpu.memory_space<vmem>>, %arg8: memref<128x128xf32, #tpu.memory_space<vmem>>, %arg9: memref<128x128xf32, #tpu.memory_space<vmem>>, %arg10: memref<10240x128xf32, #tpu.memory_space<vmem_shared>>, %arg11: memref<!tpu.dma_semaphore, #tpu.memory_space<semaphore_mem>>, %arg12: memref<!tpu.dma_semaphore, #tpu.memory_space<semaphore_mem>>, %arg13: memref<!tpu.dma_semaphore, #tpu.memory_space<semaphore_mem>>, %arg14: memref<!tpu.dma_semaphore, #tpu.memory_space<semaphore_mem>>) attributes {dimension_semantics = [#tpu.dimension_semantics<core_parallel>, #tpu.dimension_semantics<subcore_parallel>], iteration_bounds = array<i64: 2, 16>, scalar_prefetch = 0 : i64, scratch_operands = 9 : i64, tpu.core_type = #tpu.core_type<sc_vector_subcore>, window_params = [{transform_indices = #map}, {transform_indices = #map1}, {transform_indices = #map1}, {transform_indices = #map2}]} {
    %broadcast_in_dim3A = arith.constant 0.000000e+00 : f32
    %broadcast_in_dim3A_0 = vector.broadcast %broadcast_in_dim3A : f32 to vector<16xf32>
    %scan3A = arith.constant 0 : i32
    %scan3A_1 = arith.constant 0 : i32
    %scan3A_2 = arith.constant 128 : i32
    %scan3A_3 = arith.addi %scan3A_1, %scan3A_2 : i32
    %scan3A_4 = arith.constant 1 : i32
    scf.for %scan3A_35 = %scan3A_1 to %scan3A_3 step %scan3A_4  : i32 {
      %swap3A = arith.index_cast %scan3A_35 : i32 to index
      %swap3A_36 = arith.constant 0 : index
      %swap3A_37 = tpu.vector_load %arg8[%swap3A, %swap3A_36] {strides = array<i32>} : memref<128x128xf32, #tpu.memory_space<vmem>>, vector<1x16xf32>,
      %swap3A_38 = vector.shape_cast %swap3A_37 : vector<1x16xf32> to vector<16xf32>
      %swap3A_39 = vector.shape_cast %broadcast_in_dim3A_0 : vector<16xf32> to vector<1x16xf32>
      tpu.vector_store %arg8[%swap3A, %swap3A_36], %swap3A_39 {strides = array<i32>} : memref<128x128xf32, #tpu.memory_space<vmem>>, vector<1x16xf32>,
      %swap3A_40 = arith.index_cast %scan3A_35 : i32 to index
      %swap3A_41 = arith.constant 16 : index
      %swap3A_42 = tpu.vector_load %arg8[%swap3A_40, %swap3A_41] {strides = array<i32>} : memref<128x128xf32, #tpu.memory_space<vmem>>, vector<1x16xf32>,
      %swap3A_43 = vector.shape_cast %swap3A_42 : vector<1x16xf32> to vector<16xf32>
      %swap3A_44 = vector.shape_cast %broadcast_in_dim3A_0 : vector<16xf32> to vector<1x16xf32>
      tpu.vector_store %arg8[%swap3A_40, %swap3A_41], %swap3A_44 {strides = array<i32>} : memref<128x128xf32, #tpu.memory_space<vmem>>, vector<1x16xf32>,
      %swap3A_45 = arith.index_cast %scan3A_35 : i32 to index
      %swap3A_46 = arith.constant 32 : index
      %swap3A_47 = tpu.vector_load %arg8[%swap3A_45, %swap3A_46] {strides = array<i32>} : memref<128x128xf32, #tpu.memory_space<vmem>>, vector<1x16xf32>,
      %swap3A_48 = vector.shape_cast %swap3A_47 : vector<1x16xf32> to vector<16xf32>
      %swap3A_49 = vector.shape_cast %broadcast_in_dim3A_0 : vector<16xf32> to vector<1x16xf32>
      tpu.vector_store %arg8[%swap3A_45, %swap3A_46], %swap3A_49 {strides = array<i32>} : memref<128x128xf32, #tpu.memory_space<vmem>>, vector<1x16xf32>,
      %swap3A_50 = arith.index_cast %scan3A_35 : i32 to index
      %swap3A_51 = arith.constant 48 : index
      %swap3A_52 = tpu.vector_load %arg8[%swap3A_50, %swap3A_51] {strides = array<i32>} : memref<128x128xf32, #tpu.memory_space<vmem>>, vector<1x16xf32>,
      %swap3A_53 = vector.shape_cast %swap3A_52 : vector<1x16xf32> to vector<16xf32>
      %swap3A_54 = vector.shape_cast %broadcast_in_dim3A_0 : vector<16xf32> to vector<1x16xf32>
      tpu.vector_store %arg8[%swap3A_50, %swap3A_51], %swap3A_54 {strides = array<i32>} : memref<128x128xf32, #tpu.memory_space<vmem>>, vector<1x16xf32>,
      %swap3A_55 = arith.index_cast %scan3A_35 : i32 to index
      %swap3A_56 = arith.constant 64 : index
      %swap3A_57 = tpu.vector_load %arg8[%swap3A_55, %swap3A_56] {strides = array<i32>} : memref<128x128xf32, #tpu.memory_space<vmem>>, vector<1x16xf32>,
      %swap3A_58 = vector.shape_cast %swap3A_57 : vector<1x16xf32> to vector<16xf32>
      %swap3A_59 = vector.shape_cast %broadcast_in_dim3A_0 : vector<16xf32> to vector<1x16xf32>
      tpu.vector_store %arg8[%swap3A_55, %swap3A_56], %swap3A_59 {strides = array<i32>} : memref<128x128xf32, #tpu.memory_space<vmem>>, vector<1x16xf32>,
      %swap3A_60 = arith.index_cast %scan3A_35 : i32 to index
      %swap3A_61 = arith.constant 80 : index
      %swap3A_62 = tpu.vector_load %arg8[%swap3A_60, %swap3A_61] {strides = array<i32>} : memref<128x128xf32, #tpu.memory_space<vmem>>, vector<1x16xf32>,
      %swap3A_63 = vector.shape_cast %swap3A_62 : vector<1x16xf32> to vector<16xf32>
      %swap3A_64 = vector.shape_cast %broadcast_in_dim3A_0 : vector<16xf32> to vector<1x16xf32>
      tpu.vector_store %arg8[%swap3A_60, %swap3A_61], %swap3A_64 {strides = array<i32>} : memref<128x128xf32, #tpu.memory_space<vmem>>, vector<1x16xf32>,
      %swap3A_65 = arith.index_cast %scan3A_35 : i32 to index
      %swap3A_66 = arith.constant 96 : index
      %swap3A_67 = tpu.vector_load %arg8[%swap3A_65, %swap3A_66] {strides = array<i32>} : memref<128x128xf32, #tpu.memory_space<vmem>>, vector<1x16xf32>,
      %swap3A_68 = vector.shape_cast %swap3A_67 : vector<1x16xf32> to vector<16xf32>
      %swap3A_69 = vector.shape_cast %broadcast_in_dim3A_0 : vector<16xf32> to vector<1x16xf32>
      tpu.vector_store %arg8[%swap3A_65, %swap3A_66], %swap3A_69 {strides = array<i32>} : memref<128x128xf32, #tpu.memory_space<vmem>>, vector<1x16xf32>,
      %swap3A_70 = arith.index_cast %scan3A_35 : i32 to index
      %swap3A_71 = arith.constant 112 : index
      %swap3A_72 = tpu.vector_load %arg8[%swap3A_70, %swap3A_71] {strides = array<i32>} : memref<128x128xf32, #tpu.memory_space<vmem>>, vector<1x16xf32>,
      %swap3A_73 = vector.shape_cast %swap3A_72 : vector<1x16xf32> to vector<16xf32>
      %swap3A_74 = vector.shape_cast %broadcast_in_dim3A_0 : vector<16xf32> to vector<1x16xf32>
      tpu.vector_store %arg8[%swap3A_70, %swap3A_71], %swap3A_74 {strides = array<i32>} : memref<128x128xf32, #tpu.memory_space<vmem>>, vector<1x16xf32>,
    }
    %scan3A_5 = arith.constant 128 : i32
    %mul3A = arith.constant 640 : i32
    %mul3A_6 = arith.muli %arg1, %mul3A : i32
    %add3A = arith.constant 0 : i32
    %add3A_7 = arith.addi %mul3A_6, %add3A : i32
    "tpu.region"() ({
      %run_scoped3A = tpu.sem_alloc : memref<!tpu.dma_semaphore, #tpu.memory_space<semaphore_mem>>
      %dma_start3A = arith.constant 0 : i32
      %dma_start3A_35 = tpu.memref_slice %arg10[%add3A_7, %dma_start3A] : memref<10240x128xf32, #tpu.memory_space<vmem_shared>> -> memref<128x128xf32, #tpu.memory_space<vmem_shared>>
      %dma_start3A_36 = arith.constant 0 : i32
      %dma_start3A_37 = tpu.memref_slice %arg10[%add3A_7, %dma_start3A_36] : memref<10240x128xf32, #tpu.memory_space<vmem_shared>> -> memref<128x128xf32, #tpu.memory_space<vmem_shared>>
      tpu.enqueue_dma source(%arg8 : memref<128x128xf32, #tpu.memory_space<vmem>>) target(%dma_start3A_37 : memref<128x128xf32, #tpu.memory_space<vmem_shared>>) target_semaphore(%run_scoped3A : memref<!tpu.dma_semaphore, #tpu.memory_space<semaphore_mem>>)
      %dma_wait3A = arith.constant 0 : i32
      %dma_wait3A_38 = tpu.memref_slice %arg10[%add3A_7, %dma_wait3A] : memref<10240x128xf32, #tpu.memory_space<vmem_shared>> -> memref<128x128xf32, #tpu.memory_space<vmem_shared>>
      %dma_wait3A_39 = arith.constant 0 : i32
      %dma_wait3A_40 = tpu.memref_slice %arg10[%add3A_7, %dma_wait3A_39] : memref<10240x128xf32, #tpu.memory_space<vmem_shared>> -> memref<128x128xf32, #tpu.memory_space<vmem_shared>>
      tpu.wait_dma2 semaphore(%run_scoped3A : memref<!tpu.dma_semaphore, #tpu.memory_space<semaphore_mem>>) src(%arg8 : memref<128x128xf32, #tpu.memory_space<vmem>>) dst(%dma_wait3A_40 : memref<128x128xf32, #tpu.memory_space<vmem_shared>>)
      tpu.yield
    }) : () -> ()
    %mul3A_8 = arith.constant 640 : i32
    %mul3A_9 = arith.muli %arg1, %mul3A_8 : i32
    %add3A_10 = arith.constant 128 : i32
    %add3A_11 = arith.addi %mul3A_9, %add3A_10 : i32
    "tpu.region"() ({
      %run_scoped3A = tpu.sem_alloc : memref<!tpu.dma_semaphore, #tpu.memory_space<semaphore_mem>>
      %dma_start3A = arith.constant 0 : i32
      %dma_start3A_35 = tpu.memref_slice %arg10[%add3A_11, %dma_start3A] : memref<10240x128xf32, #tpu.memory_space<vmem_shared>> -> memref<128x128xf32, #tpu.memory_space<vmem_shared>>
      %dma_start3A_36 = arith.constant 0 : i32
      %dma_start3A_37 = tpu.memref_slice %arg10[%add3A_11, %dma_start3A_36] : memref<10240x128xf32, #tpu.memory_space<vmem_shared>> -> memref<128x128xf32, #tpu.memory_space<vmem_shared>>
      tpu.enqueue_dma source(%arg8 : memref<128x128xf32, #tpu.memory_space<vmem>>) target(%dma_start3A_37 : memref<128x128xf32, #tpu.memory_space<vmem_shared>>) target_semaphore(%run_scoped3A : memref<!tpu.dma_semaphore, #tpu.memory_space<semaphore_mem>>)
      %dma_wait3A = arith.constant 0 : i32
      %dma_wait3A_38 = tpu.memref_slice %arg10[%add3A_11, %dma_wait3A] : memref<10240x128xf32, #tpu.memory_space<vmem_shared>> -> memref<128x128xf32, #tpu.memory_space<vmem_shared>>
      %dma_wait3A_39 = arith.constant 0 : i32
      %dma_wait3A_40 = tpu.memref_slice %arg10[%add3A_11, %dma_wait3A_39] : memref<10240x128xf32, #tpu.memory_space<vmem_shared>> -> memref<128x128xf32, #tpu.memory_space<vmem_shared>>
      tpu.wait_dma2 semaphore(%run_scoped3A : memref<!tpu.dma_semaphore, #tpu.memory_space<semaphore_mem>>) src(%arg8 : memref<128x128xf32, #tpu.memory_space<vmem>>) dst(%dma_wait3A_40 : memref<128x128xf32, #tpu.memory_space<vmem_shared>>)
      tpu.yield
    }) : () -> ()
    %mul3A_12 = arith.constant 640 : i32
    %mul3A_13 = arith.muli %arg1, %mul3A_12 : i32
    %add3A_14 = arith.constant 256 : i32
    %add3A_15 = arith.addi %mul3A_13, %add3A_14 : i32
    "tpu.region"() ({
      %run_scoped3A = tpu.sem_alloc : memref<!tpu.dma_semaphore, #tpu.memory_space<semaphore_mem>>
      %dma_start3A = arith.constant 0 : i32
      %dma_start3A_35 = tpu.memref_slice %arg10[%add3A_15, %dma_start3A] : memref<10240x128xf32, #tpu.memory_space<vmem_shared>> -> memref<128x128xf32, #tpu.memory_space<vmem_shared>>
      %dma_start3A_36 = arith.constant 0 : i32
      %dma_start3A_37 = tpu.memref_slice %arg10[%add3A_15, %dma_start3A_36] : memref<10240x128xf32, #tpu.memory_space<vmem_shared>> -> memref<128x128xf32, #tpu.memory_space<vmem_shared>>
      tpu.enqueue_dma source(%arg8 : memref<128x128xf32, #tpu.memory_space<vmem>>) target(%dma_start3A_37 : memref<128x128xf32, #tpu.memory_space<vmem_shared>>) target_semaphore(%run_scoped3A : memref<!tpu.dma_semaphore, #tpu.memory_space<semaphore_mem>>)
      %dma_wait3A = arith.constant 0 : i32
      %dma_wait3A_38 = tpu.memref_slice %arg10[%add3A_15, %dma_wait3A] : memref<10240x128xf32, #tpu.memory_space<vmem_shared>> -> memref<128x128xf32, #tpu.memory_space<vmem_shared>>
      %dma_wait3A_39 = arith.constant 0 : i32
      %dma_wait3A_40 = tpu.memref_slice %arg10[%add3A_15, %dma_wait3A_39] : memref<10240x128xf32, #tpu.memory_space<vmem_shared>> -> memref<128x128xf32, #tpu.memory_space<vmem_shared>>
      tpu.wait_dma2 semaphore(%run_scoped3A : memref<!tpu.dma_semaphore, #tpu.memory_space<semaphore_mem>>) src(%arg8 : memref<128x128xf32, #tpu.memory_space<vmem>>) dst(%dma_wait3A_40 : memref<128x128xf32, #tpu.memory_space<vmem_shared>>)
      tpu.yield
    }) : () -> ()
    %mul3A_16 = arith.constant 640 : i32
    %mul3A_17 = arith.muli %arg1, %mul3A_16 : i32
    %add3A_18 = arith.constant 384 : i32
    %add3A_19 = arith.addi %mul3A_17, %add3A_18 : i32
    "tpu.region"() ({
      %run_scoped3A = tpu.sem_alloc : memref<!tpu.dma_semaphore, #tpu.memory_space<semaphore_mem>>
      %dma_start3A = arith.constant 0 : i32
      %dma_start3A_35 = tpu.memref_slice %arg10[%add3A_19, %dma_start3A] : memref<10240x128xf32, #tpu.memory_space<vmem_shared>> -> memref<128x128xf32, #tpu.memory_space<vmem_shared>>
      %dma_start3A_36 = arith.constant 0 : i32
      %dma_start3A_37 = tpu.memref_slice %arg10[%add3A_19, %dma_start3A_36] : memref<10240x128xf32, #tpu.memory_space<vmem_shared>> -> memref<128x128xf32, #tpu.memory_space<vmem_shared>>
      tpu.enqueue_dma source(%arg8 : memref<128x128xf32, #tpu.memory_space<vmem>>) target(%dma_start3A_37 : memref<128x128xf32, #tpu.memory_space<vmem_shared>>) target_semaphore(%run_scoped3A : memref<!tpu.dma_semaphore, #tpu.memory_space<semaphore_mem>>)
      %dma_wait3A = arith.constant 0 : i32
      %dma_wait3A_38 = tpu.memref_slice %arg10[%add3A_19, %dma_wait3A] : memref<10240x128xf32, #tpu.memory_space<vmem_shared>> -> memref<128x128xf32, #tpu.memory_space<vmem_shared>>
      %dma_wait3A_39 = arith.constant 0 : i32
      %dma_wait3A_40 = tpu.memref_slice %arg10[%add3A_19, %dma_wait3A_39] : memref<10240x128xf32, #tpu.memory_space<vmem_shared>> -> memref<128x128xf32, #tpu.memory_space<vmem_shared>>
      tpu.wait_dma2 semaphore(%run_scoped3A : memref<!tpu.dma_semaphore, #tpu.memory_space<semaphore_mem>>) src(%arg8 : memref<128x128xf32, #tpu.memory_space<vmem>>) dst(%dma_wait3A_40 : memref<128x128xf32, #tpu.memory_space<vmem_shared>>)
      tpu.yield
    }) : () -> ()
    %mul3A_20 = arith.constant 640 : i32
    %mul3A_21 = arith.muli %arg1, %mul3A_20 : i32
    %add3A_22 = arith.constant 512 : i32
    %add3A_23 = arith.addi %mul3A_21, %add3A_22 : i32
    "tpu.region"() ({
      %run_scoped3A = tpu.sem_alloc : memref<!tpu.dma_semaphore, #tpu.memory_space<semaphore_mem>>
      %dma_start3A = arith.constant 0 : i32
      %dma_start3A_35 = tpu.memref_slice %arg10[%add3A_23, %dma_start3A] : memref<10240x128xf32, #tpu.memory_space<vmem_shared>> -> memref<128x128xf32, #tpu.memory_space<vmem_shared>>
      %dma_start3A_36 = arith.constant 0 : i32
      %dma_start3A_37 = tpu.memref_slice %arg10[%add3A_23, %dma_start3A_36] : memref<10240x128xf32, #tpu.memory_space<vmem_shared>> -> memref<128x128xf32, #tpu.memory_space<vmem_shared>>
      tpu.enqueue_dma source(%arg8 : memref<128x128xf32, #tpu.memory_space<vmem>>) target(%dma_start3A_37 : memref<128x128xf32, #tpu.memory_space<vmem_shared>>) target_semaphore(%run_scoped3A : memref<!tpu.dma_semaphore, #tpu.memory_space<semaphore_mem>>)
      %dma_wait3A = arith.constant 0 : i32
      %dma_wait3A_38 = tpu.memref_slice %arg10[%add3A_23, %dma_wait3A] : memref<10240x128xf32, #tpu.memory_space<vmem_shared>> -> memref<128x128xf32, #tpu.memory_space<vmem_shared>>
      %dma_wait3A_39 = arith.constant 0 : i32
      %dma_wait3A_40 = tpu.memref_slice %arg10[%add3A_23, %dma_wait3A_39] : memref<10240x128xf32, #tpu.memory_space<vmem_shared>> -> memref<128x128xf32, #tpu.memory_space<vmem_shared>>
      tpu.wait_dma2 semaphore(%run_scoped3A : memref<!tpu.dma_semaphore, #tpu.memory_space<semaphore_mem>>) src(%arg8 : memref<128x128xf32, #tpu.memory_space<vmem>>) dst(%dma_wait3A_40 : memref<128x128xf32, #tpu.memory_space<vmem_shared>>)
      tpu.yield
    }) : () -> ()
    %barrier3A = arith.constant 0 : index
    tpu.barrier barrier_id(%barrier3A)
    %scan3A_24 = arith.constant 0 : i32
    %scan3A_25 = arith.constant 0 : i32
    %scan3A_26 = arith.constant 10 : i32
    %scan3A_27 = arith.addi %scan3A_25, %scan3A_26 : i32
    %scan3A_28 = arith.constant 1 : i32
    scf.for %scan3A_35 = %scan3A_25 to %scan3A_27 step %scan3A_28  : i32 {
      %mul3A_36 = arith.constant 16 : i32
      %mul3A_37 = arith.muli %scan3A_35, %mul3A_36 : i32
      "tpu.region"() ({
        %run_scoped3A = tpu.sem_alloc : memref<!tpu.dma_semaphore, #tpu.memory_space<semaphore_mem>>
        %dma_start3A_65 = arith.constant 0 : i32
        %dma_start3A_66 = tpu.memref_slice %arg3[%arg0, %arg1, %mul3A_37, %dma_start3A_65] : memref<2x16x160x128xi32, #tpu.memory_space<hbm>> -> memref<1x1x16x128xi32, #tpu.memory_space<hbm>>
        %dma_start3A_67 = tpu.memref_squeeze %dma_start3A_66 : memref<1x1x16x128xi32, #tpu.memory_space<hbm>> -> memref<16x128xi32, #tpu.memory_space<hbm>>
        %dma_start3A_68 = arith.constant 0 : i32
        %dma_start3A_69 = tpu.memref_slice %arg3[%arg0, %arg1, %mul3A_37, %dma_start3A_68] : memref<2x16x160x128xi32, #tpu.memory_space<hbm>> -> memref<1x1x16x128xi32, #tpu.memory_space<hbm>>
        %dma_start3A_70 = tpu.memref_squeeze %dma_start3A_69 : memref<1x1x16x128xi32, #tpu.memory_space<hbm>> -> memref<16x128xi32, #tpu.memory_space<hbm>>
        tpu.enqueue_dma source(%dma_start3A_70 : memref<16x128xi32, #tpu.memory_space<hbm>>) target(%arg6 : memref<16x128xi32, #tpu.memory_space<vmem>>) target_semaphore(%run_scoped3A : memref<!tpu.dma_semaphore, #tpu.memory_space<semaphore_mem>>)
        %dma_wait3A_71 = arith.constant 0 : i32
        %dma_wait3A_72 = tpu.memref_slice %arg3[%arg0, %arg1, %mul3A_37, %dma_wait3A_71] : memref<2x16x160x128xi32, #tpu.memory_space<hbm>> -> memref<1x1x16x128xi32, #tpu.memory_space<hbm>>
        %dma_wait3A_73 = tpu.memref_squeeze %dma_wait3A_72 : memref<1x1x16x128xi32, #tpu.memory_space<hbm>> -> memref<16x128xi32, #tpu.memory_space<hbm>>
        %dma_wait3A_74 = arith.constant 0 : i32
        %dma_wait3A_75 = tpu.memref_slice %arg3[%arg0, %arg1, %mul3A_37, %dma_wait3A_74] : memref<2x16x160x128xi32, #tpu.memory_space<hbm>> -> memref<1x1x16x128xi32, #tpu.memory_space<hbm>>
        %dma_wait3A_76 = tpu.memref_squeeze %dma_wait3A_75 : memref<1x1x16x128xi32, #tpu.memory_space<hbm>> -> memref<16x128xi32, #tpu.memory_space<hbm>>
        tpu.wait_dma2 semaphore(%run_scoped3A : memref<!tpu.dma_semaphore, #tpu.memory_space<semaphore_mem>>) src(%dma_wait3A_76 : memref<16x128xi32, #tpu.memory_space<hbm>>) dst(%arg6 : memref<16x128xi32, #tpu.memory_space<vmem>>)
        tpu.yield
      }) : () -> ()
      %mul3A_38 = arith.constant 16 : i32
      %mul3A_39 = arith.muli %scan3A_35, %mul3A_38 : i32
      "tpu.region"() ({
        %run_scoped3A = tpu.sem_alloc : memref<!tpu.dma_semaphore, #tpu.memory_space<semaphore_mem>>
        %dma_start3A_65 = arith.constant 0 : i32
        %dma_start3A_66 = tpu.memref_slice %arg4[%arg0, %arg1, %mul3A_39, %dma_start3A_65] : memref<2x16x160x128xi32, #tpu.memory_space<hbm>> -> memref<1x1x16x128xi32, #tpu.memory_space<hbm>>
        %dma_start3A_67 = tpu.memref_squeeze %dma_start3A_66 : memref<1x1x16x128xi32, #tpu.memory_space<hbm>> -> memref<16x128xi32, #tpu.memory_space<hbm>>
        %dma_start3A_68 = arith.constant 0 : i32
        %dma_start3A_69 = tpu.memref_slice %arg4[%arg0, %arg1, %mul3A_39, %dma_start3A_68] : memref<2x16x160x128xi32, #tpu.memory_space<hbm>> -> memref<1x1x16x128xi32, #tpu.memory_space<hbm>>
        %dma_start3A_70 = tpu.memref_squeeze %dma_start3A_69 : memref<1x1x16x128xi32, #tpu.memory_space<hbm>> -> memref<16x128xi32, #tpu.memory_space<hbm>>
        tpu.enqueue_dma source(%dma_start3A_70 : memref<16x128xi32, #tpu.memory_space<hbm>>) target(%arg7 : memref<16x128xi32, #tpu.memory_space<vmem>>) target_semaphore(%run_scoped3A : memref<!tpu.dma_semaphore, #tpu.memory_space<semaphore_mem>>)
        %dma_wait3A_71 = arith.constant 0 : i32
        %dma_wait3A_72 = tpu.memref_slice %arg4[%arg0, %arg1, %mul3A_39, %dma_wait3A_71] : memref<2x16x160x128xi32, #tpu.memory_space<hbm>> -> memref<1x1x16x128xi32, #tpu.memory_space<hbm>>
        %dma_wait3A_73 = tpu.memref_squeeze %dma_wait3A_72 : memref<1x1x16x128xi32, #tpu.memory_space<hbm>> -> memref<16x128xi32, #tpu.memory_space<hbm>>
        %dma_wait3A_74 = arith.constant 0 : i32
        %dma_wait3A_75 = tpu.memref_slice %arg4[%arg0, %arg1, %mul3A_39, %dma_wait3A_74] : memref<2x16x160x128xi32, #tpu.memory_space<hbm>> -> memref<1x1x16x128xi32, #tpu.memory_space<hbm>>
        %dma_wait3A_76 = tpu.memref_squeeze %dma_wait3A_75 : memref<1x1x16x128xi32, #tpu.memory_space<hbm>> -> memref<16x128xi32, #tpu.memory_space<hbm>>
        tpu.wait_dma2 semaphore(%run_scoped3A : memref<!tpu.dma_semaphore, #tpu.memory_space<semaphore_mem>>) src(%dma_wait3A_76 : memref<16x128xi32, #tpu.memory_space<hbm>>) dst(%arg7 : memref<16x128xi32, #tpu.memory_space<vmem>>)
        tpu.yield
      }) : () -> ()
      %dma_start3A = arith.constant 0 : i32
      %dma_start3A_40 = arith.constant 0 : i32
      %dma_start3A_41 = tpu.memref_slice %arg6[%dma_start3A, %dma_start3A_40] : memref<16x128xi32, #tpu.memory_space<vmem>> -> memref<1x128xi32, #tpu.memory_space<vmem>>
      %dma_start3A_42 = tpu.memref_squeeze %dma_start3A_41 : memref<1x128xi32, #tpu.memory_space<vmem>> -> memref<128xi32, #tpu.memory_space<vmem>>
      %dma_start3A_43 = arith.constant 0 : i32
      %dma_start3A_44 = arith.constant 0 : i32
      %dma_start3A_45 = tpu.memref_slice %arg2[%dma_start3A_43, %dma_start3A_44] : memref<20000x128xf32, #tpu.memory_space<hbm>> -> memref<20000x128xf32, #tpu.memory_space<hbm>>
      tpu.enqueue_indirect_dma source(%dma_start3A_45 : memref<20000x128xf32, #tpu.memory_space<hbm>>) target(%arg8 : memref<128x128xf32, #tpu.memory_space<vmem>>) offsets(%dma_start3A_42 : memref<128xi32, #tpu.memory_space<vmem>>) semaphore(%arg11 : memref<!tpu.dma_semaphore, #tpu.memory_space<semaphore_mem>>)
      %scan3A_46 = arith.constant 0 : i32
      %scan3A_47 = arith.constant 0 : i32
      %scan3A_48 = arith.constant 8 : i32
      %scan3A_49 = arith.addi %scan3A_47, %scan3A_48 : i32
      %scan3A_50 = arith.constant 1 : i32
      scf.for %scan3A_65 = %scan3A_47 to %scan3A_49 step %scan3A_50  : i32 {
        %mul3A_66 = arith.constant 2 : i32
        %mul3A_67 = arith.muli %mul3A_66, %scan3A_65 : i32
        %mul3A_68 = arith.constant 2 : i32
        %mul3A_69 = arith.muli %mul3A_68, %scan3A_65 : i32
        %add3A_70 = arith.constant 1 : i32
        %add3A_71 = arith.addi %mul3A_69, %add3A_70 : i32
        %dma_wait3A_72 = arith.constant 0 : i32
        %dma_wait3A_73 = tpu.memref_slice %arg6[%mul3A_67, %dma_wait3A_72] : memref<16x128xi32, #tpu.memory_space<vmem>> -> memref<1x128xi32, #tpu.memory_space<vmem>>
        %dma_wait3A_74 = tpu.memref_squeeze %dma_wait3A_73 : memref<1x128xi32, #tpu.memory_space<vmem>> -> memref<128xi32, #tpu.memory_space<vmem>>
        %dma_wait3A_75 = arith.constant 0 : i32
        %dma_wait3A_76 = arith.constant 0 : i32
        %dma_wait3A_77 = tpu.memref_slice %arg2[%dma_wait3A_75, %dma_wait3A_76] : memref<20000x128xf32, #tpu.memory_space<hbm>> -> memref<20000x128xf32, #tpu.memory_space<hbm>>
        tpu.wait_indirect_dma semaphore(%arg11 : memref<!tpu.dma_semaphore, #tpu.memory_space<semaphore_mem>>) src(%dma_wait3A_77 : memref<20000x128xf32, #tpu.memory_space<hbm>>) dst(%arg8 : memref<128x128xf32, #tpu.memory_space<vmem>>)
        %dma_start3A_78 = arith.constant 0 : i32
        %dma_start3A_79 = tpu.memref_slice %arg7[%mul3A_67, %dma_start3A_78] : memref<16x128xi32, #tpu.memory_space<vmem>> -> memref<1x128xi32, #tpu.memory_space<vmem>>
        %dma_start3A_80 = tpu.memref_squeeze %dma_start3A_79 : memref<1x128xi32, #tpu.memory_space<vmem>> -> memref<128xi32, #tpu.memory_space<vmem>>
        %dma_start3A_81 = arith.constant 0 : i32
        %dma_start3A_82 = arith.constant 0 : i32
        %dma_start3A_83 = tpu.memref_slice %arg10[%dma_start3A_81, %dma_start3A_82] : memref<10240x128xf32, #tpu.memory_space<vmem_shared>> -> memref<10240x128xf32, #tpu.memory_space<vmem_shared>>
        tpu.enqueue_indirect_dma source(%arg8 : memref<128x128xf32, #tpu.memory_space<vmem>>) target(%dma_start3A_83 : memref<10240x128xf32, #tpu.memory_space<vmem_shared>>) offsets(%dma_start3A_80 : memref<128xi32, #tpu.memory_space<vmem>>) semaphore(%arg13 : memref<!tpu.dma_semaphore, #tpu.memory_space<semaphore_mem>>) {add = true}
        %gt3A = arith.constant 0 : i32
        %gt3A_84 = arith.cmpi sgt, %scan3A_65, %gt3A : i32
        %convert_element_type3A = arith.extui %gt3A_84 : i1 to i32
        %cond3A = arith.constant 0 : i32
        %cond3A_85 = arith.cmpi ne, %convert_element_type3A, %cond3A : i32
        scf.if %cond3A_85 {
          %sub3A = arith.constant 1 : i32
          %sub3A_108 = arith.subi %mul3A_67, %sub3A : i32
          %dma_wait3A_109 = arith.constant 0 : i32
          %dma_wait3A_110 = tpu.memref_slice %arg7[%sub3A_108, %dma_wait3A_109] : memref<16x128xi32, #tpu.memory_space<vmem>> -> memref<1x128xi32, #tpu.memory_space<vmem>>
          %dma_wait3A_111 = tpu.memref_squeeze %dma_wait3A_110 : memref<1x128xi32, #tpu.memory_space<vmem>> -> memref<128xi32, #tpu.memory_space<vmem>>
          %dma_wait3A_112 = arith.constant 0 : i32
          %dma_wait3A_113 = arith.constant 0 : i32
          %dma_wait3A_114 = tpu.memref_slice %arg10[%dma_wait3A_112, %dma_wait3A_113] : memref<10240x128xf32, #tpu.memory_space<vmem_shared>> -> memref<10240x128xf32, #tpu.memory_space<vmem_shared>>
          tpu.wait_indirect_dma semaphore(%arg14 : memref<!tpu.dma_semaphore, #tpu.memory_space<semaphore_mem>>) src(%arg9 : memref<128x128xf32, #tpu.memory_space<vmem>>) dst(%dma_wait3A_114 : memref<10240x128xf32, #tpu.memory_space<vmem_shared>>)
        } else {
        }
        %dma_start3A_86 = arith.constant 0 : i32
        %dma_start3A_87 = tpu.memref_slice %arg6[%add3A_71, %dma_start3A_86] : memref<16x128xi32, #tpu.memory_space<vmem>> -> memref<1x128xi32, #tpu.memory_space<vmem>>
        %dma_start3A_88 = tpu.memref_squeeze %dma_start3A_87 : memref<1x128xi32, #tpu.memory_space<vmem>> -> memref<128xi32, #tpu.memory_space<vmem>>
        %dma_start3A_89 = arith.constant 0 : i32
        %dma_start3A_90 = arith.constant 0 : i32
        %dma_start3A_91 = tpu.memref_slice %arg2[%dma_start3A_89, %dma_start3A_90] : memref<20000x128xf32, #tpu.memory_space<hbm>> -> memref<20000x128xf32, #tpu.memory_space<hbm>>
        tpu.enqueue_indirect_dma source(%dma_start3A_91 : memref<20000x128xf32, #tpu.memory_space<hbm>>) target(%arg9 : memref<128x128xf32, #tpu.memory_space<vmem>>) offsets(%dma_start3A_88 : memref<128xi32, #tpu.memory_space<vmem>>) semaphore(%arg12 : memref<!tpu.dma_semaphore, #tpu.memory_space<semaphore_mem>>)
        %dma_wait3A_92 = arith.constant 0 : i32
        %dma_wait3A_93 = tpu.memref_slice %arg6[%add3A_71, %dma_wait3A_92] : memref<16x128xi32, #tpu.memory_space<vmem>> -> memref<1x128xi32, #tpu.memory_space<vmem>>
        %dma_wait3A_94 = tpu.memref_squeeze %dma_wait3A_93 : memref<1x128xi32, #tpu.memory_space<vmem>> -> memref<128xi32, #tpu.memory_space<vmem>>
        %dma_wait3A_95 = arith.constant 0 : i32
        %dma_wait3A_96 = arith.constant 0 : i32
        %dma_wait3A_97 = tpu.memref_slice %arg2[%dma_wait3A_95, %dma_wait3A_96] : memref<20000x128xf32, #tpu.memory_space<hbm>> -> memref<20000x128xf32, #tpu.memory_space<hbm>>
        tpu.wait_indirect_dma semaphore(%arg12 : memref<!tpu.dma_semaphore, #tpu.memory_space<semaphore_mem>>) src(%dma_wait3A_97 : memref<20000x128xf32, #tpu.memory_space<hbm>>) dst(%arg9 : memref<128x128xf32, #tpu.memory_space<vmem>>)
        %dma_start3A_98 = arith.constant 0 : i32
        %dma_start3A_99 = tpu.memref_slice %arg7[%add3A_71, %dma_start3A_98] : memref<16x128xi32, #tpu.memory_space<vmem>> -> memref<1x128xi32, #tpu.memory_space<vmem>>
        %dma_start3A_100 = tpu.memref_squeeze %dma_start3A_99 : memref<1x128xi32, #tpu.memory_space<vmem>> -> memref<128xi32, #tpu.memory_space<vmem>>
        %dma_start3A_101 = arith.constant 0 : i32
        %dma_start3A_102 = arith.constant 0 : i32
        %dma_start3A_103 = tpu.memref_slice %arg10[%dma_start3A_101, %dma_start3A_102] : memref<10240x128xf32, #tpu.memory_space<vmem_shared>> -> memref<10240x128xf32, #tpu.memory_space<vmem_shared>>
        tpu.enqueue_indirect_dma source(%arg9 : memref<128x128xf32, #tpu.memory_space<vmem>>) target(%dma_start3A_103 : memref<10240x128xf32, #tpu.memory_space<vmem_shared>>) offsets(%dma_start3A_100 : memref<128xi32, #tpu.memory_space<vmem>>) semaphore(%arg14 : memref<!tpu.dma_semaphore, #tpu.memory_space<semaphore_mem>>) {add = true}
        %lt3A = arith.constant 7 : i32
        %lt3A_104 = arith.cmpi slt, %scan3A_65, %lt3A : i32
        %convert_element_type3A_105 = arith.extui %lt3A_104 : i1 to i32
        %cond3A_106 = arith.constant 0 : i32
        %cond3A_107 = arith.cmpi ne, %convert_element_type3A_105, %cond3A_106 : i32
        scf.if %cond3A_107 {
          %dma_wait3A_108 = arith.constant 0 : i32
          %dma_wait3A_109 = tpu.memref_slice %arg7[%mul3A_67, %dma_wait3A_108] : memref<16x128xi32, #tpu.memory_space<vmem>> -> memref<1x128xi32, #tpu.memory_space<vmem>>
          %dma_wait3A_110 = tpu.memref_squeeze %dma_wait3A_109 : memref<1x128xi32, #tpu.memory_space<vmem>> -> memref<128xi32, #tpu.memory_space<vmem>>
          %dma_wait3A_111 = arith.constant 0 : i32
          %dma_wait3A_112 = arith.constant 0 : i32
          %dma_wait3A_113 = tpu.memref_slice %arg10[%dma_wait3A_111, %dma_wait3A_112] : memref<10240x128xf32, #tpu.memory_space<vmem_shared>> -> memref<10240x128xf32, #tpu.memory_space<vmem_shared>>
          tpu.wait_indirect_dma semaphore(%arg13 : memref<!tpu.dma_semaphore, #tpu.memory_space<semaphore_mem>>) src(%arg8 : memref<128x128xf32, #tpu.memory_space<vmem>>) dst(%dma_wait3A_113 : memref<10240x128xf32, #tpu.memory_space<vmem_shared>>)
          %add3A_114 = arith.constant 2 : i32
          %add3A_115 = arith.addi %mul3A_67, %add3A_114 : i32
          %dma_start3A_116 = arith.constant 0 : i32
          %dma_start3A_117 = tpu.memref_slice %arg6[%add3A_115, %dma_start3A_116] : memref<16x128xi32, #tpu.memory_space<vmem>> -> memref<1x128xi32, #tpu.memory_space<vmem>>
          %dma_start3A_118 = tpu.memref_squeeze %dma_start3A_117 : memref<1x128xi32, #tpu.memory_space<vmem>> -> memref<128xi32, #tpu.memory_space<vmem>>
          %dma_start3A_119 = arith.constant 0 : i32
          %dma_start3A_120 = arith.constant 0 : i32
          %dma_start3A_121 = tpu.memref_slice %arg2[%dma_start3A_119, %dma_start3A_120] : memref<20000x128xf32, #tpu.memory_space<hbm>> -> memref<20000x128xf32, #tpu.memory_space<hbm>>
          tpu.enqueue_indirect_dma source(%dma_start3A_121 : memref<20000x128xf32, #tpu.memory_space<hbm>>) target(%arg8 : memref<128x128xf32, #tpu.memory_space<vmem>>) offsets(%dma_start3A_118 : memref<128xi32, #tpu.memory_space<vmem>>) semaphore(%arg11 : memref<!tpu.dma_semaphore, #tpu.memory_space<semaphore_mem>>)
        } else {
        }
      }
      %scan3A_51 = arith.constant 8 : i32
      %dma_wait3A = arith.constant 14 : i32
      %dma_wait3A_52 = arith.constant 0 : i32
      %dma_wait3A_53 = tpu.memref_slice %arg7[%dma_wait3A, %dma_wait3A_52] : memref<16x128xi32, #tpu.memory_space<vmem>> -> memref<1x128xi32, #tpu.memory_space<vmem>>
      %dma_wait3A_54 = tpu.memref_squeeze %dma_wait3A_53 : memref<1x128xi32, #tpu.memory_space<vmem>> -> memref<128xi32, #tpu.memory_space<vmem>>
      %dma_wait3A_55 = arith.constant 0 : i32
      %dma_wait3A_56 = arith.constant 0 : i32
      %dma_wait3A_57 = tpu.memref_slice %arg10[%dma_wait3A_55, %dma_wait3A_56] : memref<10240x128xf32, #tpu.memory_space<vmem_shared>> -> memref<10240x128xf32, #tpu.memory_space<vmem_shared>>
      tpu.wait_indirect_dma semaphore(%arg13 : memref<!tpu.dma_semaphore, #tpu.memory_space<semaphore_mem>>) src(%arg8 : memref<128x128xf32, #tpu.memory_space<vmem>>) dst(%dma_wait3A_57 : memref<10240x128xf32, #tpu.memory_space<vmem_shared>>)
      %dma_wait3A_58 = arith.constant 15 : i32
      %dma_wait3A_59 = arith.constant 0 : i32
      %dma_wait3A_60 = tpu.memref_slice %arg7[%dma_wait3A_58, %dma_wait3A_59] : memref<16x128xi32, #tpu.memory_space<vmem>> -> memref<1x128xi32, #tpu.memory_space<vmem>>
      %dma_wait3A_61 = tpu.memref_squeeze %dma_wait3A_60 : memref<1x128xi32, #tpu.memory_space<vmem>> -> memref<128xi32, #tpu.memory_space<vmem>>
      %dma_wait3A_62 = arith.constant 0 : i32
      %dma_wait3A_63 = arith.constant 0 : i32
      %dma_wait3A_64 = tpu.memref_slice %arg10[%dma_wait3A_62, %dma_wait3A_63] : memref<10240x128xf32, #tpu.memory_space<vmem_shared>> -> memref<10240x128xf32, #tpu.memory_space<vmem_shared>>
      tpu.wait_indirect_dma semaphore(%arg14 : memref<!tpu.dma_semaphore, #tpu.memory_space<semaphore_mem>>) src(%arg9 : memref<128x128xf32, #tpu.memory_space<vmem>>) dst(%dma_wait3A_64 : memref<10240x128xf32, #tpu.memory_space<vmem_shared>>)
    }
    %scan3A_29 = arith.constant 10 : i32
    %barrier3A_30 = arith.constant 0 : index
    tpu.barrier barrier_id(%barrier3A_30)
    %mul3A_31 = arith.constant 640 : i32
    %mul3A_32 = arith.muli %arg1, %mul3A_31 : i32
    %mul3A_33 = arith.constant 640 : i32
    %mul3A_34 = arith.muli %arg1, %mul3A_33 : i32
    "tpu.region"() ({
      %run_scoped3A = tpu.sem_alloc : memref<!tpu.dma_semaphore, #tpu.memory_space<semaphore_mem>>
      %dma_start3A = arith.constant 0 : i32
      %dma_start3A_35 = tpu.memref_slice %arg5[%arg0, %mul3A_34, %dma_start3A] : memref<2x10240x128xf32, #tpu.memory_space<hbm>> -> memref<1x640x128xf32, #tpu.memory_space<hbm>>
      %dma_start3A_36 = tpu.memref_squeeze %dma_start3A_35 : memref<1x640x128xf32, #tpu.memory_space<hbm>> -> memref<640x128xf32, #tpu.memory_space<hbm>>
      %dma_start3A_37 = arith.constant 0 : i32
      %dma_start3A_38 = tpu.memref_slice %arg10[%mul3A_32, %dma_start3A_37] : memref<10240x128xf32, #tpu.memory_space<vmem_shared>> -> memref<640x128xf32, #tpu.memory_space<vmem_shared>>
      tpu.enqueue_dma source(%dma_start3A_38 : memref<640x128xf32, #tpu.memory_space<vmem_shared>>) target(%dma_start3A_36 : memref<640x128xf32, #tpu.memory_space<hbm>>) target_semaphore(%run_scoped3A : memref<!tpu.dma_semaphore, #tpu.memory_space<semaphore_mem>>)
      %dma_wait3A = arith.constant 0 : i32
      %dma_wait3A_39 = tpu.memref_slice %arg5[%arg0, %mul3A_34, %dma_wait3A] : memref<2x10240x128xf32, #tpu.memory_space<hbm>> -> memref<1x640x128xf32, #tpu.memory_space<hbm>>
      %dma_wait3A_40 = tpu.memref_squeeze %dma_wait3A_39 : memref<1x640x128xf32, #tpu.memory_space<hbm>> -> memref<640x128xf32, #tpu.memory_space<hbm>>
      %dma_wait3A_41 = arith.constant 0 : i32
      %dma_wait3A_42 = tpu.memref_slice %arg10[%mul3A_32, %dma_wait3A_41] : memref<10240x128xf32, #tpu.memory_space<vmem_shared>> -> memref<640x128xf32, #tpu.memory_space<vmem_shared>>
      tpu.wait_dma2 semaphore(%run_scoped3A : memref<!tpu.dma_semaphore, #tpu.memory_space<semaphore_mem>>) src(%dma_wait3A_42 : memref<640x128xf32, #tpu.memory_space<vmem_shared>>) dst(%dma_wait3A_40 : memref<640x128xf32, #tpu.memory_space<hbm>>)
      tpu.yield
    }) : () -> ()
    return
  }
}

module attributes {stable_mosaic.version = 14 : i64} {
  func.func @_tc_fused_body(%arg0: i32, %arg1: memref<400x128xf32, #tpu.memory_space<vmem>>, %arg2: memref<1x400x128xf32, #tpu.memory_space<vmem>>, %arg3: memref<128x128xf32, #tpu.memory_space<vmem>>, %arg4: memref<1x1x400xi32, #tpu.memory_space<vmem>>, %arg5: memref<400x128xf32, #tpu.memory_space<vmem>>, %arg6: memref<64x128xf32, #tpu.memory_space<vmem>>, %arg7: memref<64x128xf32, #tpu.memory_space<vmem>>) attributes {dimension_semantics = [#tpu.dimension_semantics<arbitrary>], iteration_bounds = array<i64: 50>, scalar_prefetch = 0 : i64, scratch_operands = 0 : i64, tpu.core_type = #tpu.core_type<tc>, window_params = [{transform_indices = @transform_0, window_bounds = array<i64: 400, 128>}, {transform_indices = @transform_1, window_bounds = array<i64: 1, 400, 128>}, {pipeline_mode = #tpu.pipeline_mode<synchronous>, transform_indices = @transform_2, window_bounds = array<i64: 128, 128>}, {transform_indices = @transform_3, window_bounds = array<i64: 1, 1, 400>}, {transform_indices = @transform_4, window_bounds = array<i64: 400, 128>}, {pipeline_mode = #tpu.pipeline_mode<synchronous>, transform_indices = @transform_5, window_bounds = array<i64: 64, 128>}, {pipeline_mode = #tpu.pipeline_mode<synchronous>, transform_indices = @transform_6, window_bounds = array<i64: 64, 128>}]} {
    %get3A = arith.constant 0 : index
    %get3A_0 = arith.constant 0 : index
    %get3A_1 = vector.load %arg1[%get3A, %get3A_0] : memref<400x128xf32, #tpu.memory_space<vmem>>, vector<400x128xf32>
    %get3A_2 = arith.constant 0 : index
    %get3A_3 = arith.constant 0 : index
    %get3A_4 = arith.constant 0 : index
    %get3A_5 = vector.load %arg2[%get3A_2, %get3A_3, %get3A_4] : memref<1x400x128xf32, #tpu.memory_space<vmem>>, vector<1x400x128xf32>
    %get3A_6 = vector.shape_cast %get3A_5 : vector<1x400x128xf32> to vector<400x128xf32>
    %add3A = arith.addf %get3A_1, %get3A_6 : vector<400x128xf32>
    %get3A_7 = arith.constant 0 : index
    %get3A_8 = arith.constant 0 : index
    %get3A_9 = vector.load %arg3[%get3A_7, %get3A_8] : memref<128x128xf32, #tpu.memory_space<vmem>>, vector<128x128xf32>
    %dot_general3A = arith.constant dense<0.000000e+00> : vector<400x128xf32>
    %dot_general3A_10 = tpu.matmul %add3A, %get3A_9, %dot_general3A {dimension_numbers = #tpu.dot_dimension_numbers<[1], [0], [0], [1], [0, 0, 1, 1], [], []>, transpose_lhs_hint = false} : vector<400x128xf32>, vector<128x128xf32>, vector<400x128xf32> -> vector<400x128xf32>
    %max3A = arith.constant 0.000000e+00 : f32
    %max3A_11 = vector.broadcast %max3A : f32 to vector<400x128xf32>
    %max3A_12 = arith.maximumf %dot_general3A_10, %max3A_11 : vector<400x128xf32>
    %swap3A = arith.constant 0 : index
    %swap3A_13 = arith.constant 0 : index
    %swap3A_14 = vector.load %arg5[%swap3A, %swap3A_13] : memref<400x128xf32, #tpu.memory_space<vmem>>, vector<400x128xf32>
    tpu.vector_store %arg5[%swap3A, %swap3A_13], %max3A_12 {strides = array<i32>} : memref<400x128xf32, #tpu.memory_space<vmem>>, vector<400x128xf32>,
    %get3A_15 = arith.constant 0 : index
    %get3A_16 = arith.constant 0 : index
    %get3A_17 = arith.constant 0 : index
    %get3A_18 = vector.load %arg4[%get3A_15, %get3A_16, %get3A_17] : memref<1x1x400xi32, #tpu.memory_space<vmem>>, vector<1x1x400xi32>
    %get3A_19 = vector.shape_cast %get3A_18 : vector<1x1x400xi32> to vector<400xi32>
    %jit3A = arith.constant 25 : i32
    %div3A = arith.divsi %arg0, %jit3A : i32
    %sign3A = arith.constant 0 : i32
    %sign3A_20 = arith.cmpi sgt, %arg0, %sign3A : i32
    %sign3A_21 = arith.extui %sign3A_20 : i1 to i32
    %sign3A_22 = arith.constant 0 : i32
    %sign3A_23 = arith.cmpi slt, %arg0, %sign3A_22 : i32
    %sign3A_24 = arith.extui %sign3A_23 : i1 to i32
    %sign3A_25 = arith.subi %sign3A_21, %sign3A_24 : i32
    %sign3A_26 = arith.constant 0 : i32
    %sign3A_27 = arith.cmpi sgt, %jit3A, %sign3A_26 : i32
    %sign3A_28 = arith.extui %sign3A_27 : i1 to i32
    %sign3A_29 = arith.constant 0 : i32
    %sign3A_30 = arith.cmpi slt, %jit3A, %sign3A_29 : i32
    %sign3A_31 = arith.extui %sign3A_30 : i1 to i32
    %sign3A_32 = arith.subi %sign3A_28, %sign3A_31 : i32
    %ne3A = arith.cmpi ne, %sign3A_25, %sign3A_32 : i32
    %rem3A = arith.remsi %arg0, %jit3A : i32
    %ne3A_33 = arith.constant 0 : i32
    %ne3A_34 = arith.cmpi ne, %rem3A, %ne3A_33 : i32
    %and3A = arith.andi %ne3A, %ne3A_34 : i1
    %sub3A = arith.constant 1 : i32
    %sub3A_35 = arith.subi %div3A, %sub3A : i32
    %select_n3A = arith.select %and3A, %sub3A_35, %div3A : i32
    %mul3A = arith.constant 32 : i32
    %mul3A_36 = arith.muli %select_n3A, %mul3A : i32
    %add3A_37 = vector.broadcast %mul3A_36 : i32 to vector<400xi32>
    %add3A_38 = arith.addi %get3A_19, %add3A_37 : vector<400xi32>
    %iota3A = tpu.iota {dimensions = array<i32: 0>} : vector<64x400xi32>
    %broadcast_in_dim3A = vector.shape_cast %add3A_38 : vector<400xi32> to vector<1x400xi32>
    %eq3A = vector.broadcast %broadcast_in_dim3A : vector<1x400xi32> to vector<64x400xi32>
    %eq3A_39 = arith.cmpi eq, %iota3A, %eq3A : vector<64x400xi32>
    %convert_element_type3A = arith.extui %eq3A_39 : vector<64x400xi1> to vector<64x400xi32>
    %convert_element_type3A_40 = arith.sitofp %convert_element_type3A : vector<64x400xi32> to vector<64x400xf32>
    %dot_general3A_41 = arith.constant dense<0.000000e+00> : vector<64x128xf32>
    %dot_general3A_42 = tpu.matmul %convert_element_type3A_40, %max3A_12, %dot_general3A_41 {dimension_numbers = #tpu.dot_dimension_numbers<[1], [0], [0], [1], [0, 0, 1, 1], [], []>, precision = #tpu.contract_precision<fp32>, transpose_lhs_hint = false} : vector<64x400xf32>, vector<400x128xf32>, vector<64x128xf32> -> vector<64x128xf32>
    %reduce_sum3A = arith.constant dense<0.000000e+00> : vector<64xf32>
    %reduce_sum3A_43 = vector.multi_reduction <add>, %convert_element_type3A_40, %reduce_sum3A [1] : vector<64x400xf32> to vector<64xf32>
    %broadcast_in_dim3A_44 = vector.shape_cast %reduce_sum3A_43 : vector<64xf32> to vector<64x1xf32>
    %broadcast_in_dim3A_45 = vector.shape_cast %broadcast_in_dim3A_44 : vector<64x1xf32> to vector<64x1xf32>
    %broadcast_in_dim3A_46 = vector.broadcast %broadcast_in_dim3A_45 : vector<64x1xf32> to vector<64x128xf32>
    %eq3A_47 = arith.constant 0 : i32
    %eq3A_48 = arith.cmpi eq, %arg0, %eq3A_47 : i32
    %convert_element_type3A_49 = arith.extui %eq3A_48 : i1 to i32
    %cond3A = arith.constant 0 : i32
    %cond3A_50 = arith.cmpi ne, %convert_element_type3A_49, %cond3A : i32
    scf.if %cond3A_50 {
      %broadcast_in_dim3A_65 = arith.constant 0.000000e+00 : f32
      %broadcast_in_dim3A_66 = vector.broadcast %broadcast_in_dim3A_65 : f32 to vector<64x128xf32>
      %swap3A_67 = arith.constant 0 : index
      %swap3A_68 = arith.constant 0 : index
      %swap3A_69 = vector.load %arg6[%swap3A_67, %swap3A_68] : memref<64x128xf32, #tpu.memory_space<vmem>>, vector<64x128xf32>
      tpu.vector_store %arg6[%swap3A_67, %swap3A_68], %broadcast_in_dim3A_66 {strides = array<i32>} : memref<64x128xf32, #tpu.memory_space<vmem>>, vector<64x128xf32>,
      %broadcast_in_dim3A_70 = arith.constant 0.000000e+00 : f32
      %broadcast_in_dim3A_71 = vector.broadcast %broadcast_in_dim3A_70 : f32 to vector<64x128xf32>
      %swap3A_72 = arith.constant 0 : index
      %swap3A_73 = arith.constant 0 : index
      %swap3A_74 = vector.load %arg7[%swap3A_72, %swap3A_73] : memref<64x128xf32, #tpu.memory_space<vmem>>, vector<64x128xf32>
      tpu.vector_store %arg7[%swap3A_72, %swap3A_73], %broadcast_in_dim3A_71 {strides = array<i32>} : memref<64x128xf32, #tpu.memory_space<vmem>>, vector<64x128xf32>,
    } else {
    }
    %get3A_51 = arith.constant 0 : index
    %get3A_52 = arith.constant 0 : index
    %get3A_53 = vector.load %arg6[%get3A_51, %get3A_52] : memref<64x128xf32, #tpu.memory_space<vmem>>, vector<64x128xf32>
    %add3A_54 = arith.addf %get3A_53, %dot_general3A_42 : vector<64x128xf32>
    %swap3A_55 = arith.constant 0 : index
    %swap3A_56 = arith.constant 0 : index
    %swap3A_57 = vector.load %arg6[%swap3A_55, %swap3A_56] : memref<64x128xf32, #tpu.memory_space<vmem>>, vector<64x128xf32>
    tpu.vector_store %arg6[%swap3A_55, %swap3A_56], %add3A_54 {strides = array<i32>} : memref<64x128xf32, #tpu.memory_space<vmem>>, vector<64x128xf32>,
    %get3A_58 = arith.constant 0 : index
    %get3A_59 = arith.constant 0 : index
    %get3A_60 = vector.load %arg7[%get3A_58, %get3A_59] : memref<64x128xf32, #tpu.memory_space<vmem>>, vector<64x128xf32>
    %add3A_61 = arith.addf %get3A_60, %broadcast_in_dim3A_46 : vector<64x128xf32>
    %swap3A_62 = arith.constant 0 : index
    %swap3A_63 = arith.constant 0 : index
    %swap3A_64 = vector.load %arg7[%swap3A_62, %swap3A_63] : memref<64x128xf32, #tpu.memory_space<vmem>>, vector<64x128xf32>
    tpu.vector_store %arg7[%swap3A_62, %swap3A_63], %add3A_61 {strides = array<i32>} : memref<64x128xf32, #tpu.memory_space<vmem>>, vector<64x128xf32>,
    return
  }
  func.func @transform_0(%arg0: i32) -> (i32, i32) {
    %c0_i32 = arith.constant 0 : i32
    %c0_i32_0 = arith.constant 0 : i32
    return %arg0, %c0_i32 : i32, i32
  }
  func.func @transform_1(%arg0: i32) -> (i32, i32, i32) {
    %jit3A = arith.constant 25 : i32
    %div3A = arith.divsi %arg0, %jit3A : i32
    %sign3A = arith.constant 0 : i32
    %sign3A_0 = arith.cmpi sgt, %arg0, %sign3A : i32
    %sign3A_1 = arith.extui %sign3A_0 : i1 to i32
    %sign3A_2 = arith.constant 0 : i32
    %sign3A_3 = arith.cmpi slt, %arg0, %sign3A_2 : i32
    %sign3A_4 = arith.extui %sign3A_3 : i1 to i32
    %sign3A_5 = arith.subi %sign3A_1, %sign3A_4 : i32
    %sign3A_6 = arith.constant 0 : i32
    %sign3A_7 = arith.cmpi sgt, %jit3A, %sign3A_6 : i32
    %sign3A_8 = arith.extui %sign3A_7 : i1 to i32
    %sign3A_9 = arith.constant 0 : i32
    %sign3A_10 = arith.cmpi slt, %jit3A, %sign3A_9 : i32
    %sign3A_11 = arith.extui %sign3A_10 : i1 to i32
    %sign3A_12 = arith.subi %sign3A_8, %sign3A_11 : i32
    %ne3A = arith.cmpi ne, %sign3A_5, %sign3A_12 : i32
    %rem3A = arith.remsi %arg0, %jit3A : i32
    %ne3A_13 = arith.constant 0 : i32
    %ne3A_14 = arith.cmpi ne, %rem3A, %ne3A_13 : i32
    %and3A = arith.andi %ne3A, %ne3A_14 : i1
    %sub3A = arith.constant 1 : i32
    %sub3A_15 = arith.subi %div3A, %sub3A : i32
    %select_n3A = arith.select %and3A, %sub3A_15, %div3A : i32
    %jit3A_16 = arith.constant 25 : i32
    %eq3A = arith.constant 0 : i32
    %eq3A_17 = arith.cmpi eq, %jit3A_16, %eq3A : i32
    %jit3A_18 = arith.constant 1 : i32
    %select_n3A_19 = arith.select %eq3A_17, %jit3A_18, %jit3A_16 : i32
    %rem3A_20 = arith.remsi %arg0, %select_n3A_19 : i32
    %ne3A_21 = arith.constant 0 : i32
    %ne3A_22 = arith.cmpi ne, %rem3A_20, %ne3A_21 : i32
    %lt3A = arith.constant 0 : i32
    %lt3A_23 = arith.cmpi slt, %rem3A_20, %lt3A : i32
    %lt3A_24 = arith.constant 0 : i32
    %lt3A_25 = arith.cmpi slt, %select_n3A_19, %lt3A_24 : i32
    %ne3A_26 = arith.xori %lt3A_23, %lt3A_25 : i1
    %and3A_27 = arith.andi %ne3A_26, %ne3A_22 : i1
    %add3A = arith.addi %rem3A_20, %select_n3A_19 : i32
    %select_n3A_28 = arith.select %and3A_27, %add3A, %rem3A_20 : i32
    %c0_i32 = arith.constant 0 : i32
    %c0_i32_29 = arith.constant 0 : i32
    return %select_n3A, %select_n3A_28, %c0_i32 : i32, i32, i32
  }
  func.func @transform_2(%arg0: i32) -> (i32, i32) {
    %c0_i32 = arith.constant 0 : i32
    %c0_i32_0 = arith.constant 0 : i32
    %c0_i32_1 = arith.constant 0 : i32
    return %c0_i32, %c0_i32_0 : i32, i32
  }
  func.func @transform_3(%arg0: i32) -> (i32, i32, i32) {
    %c0_i32 = arith.constant 0 : i32
    %c0_i32_0 = arith.constant 0 : i32
    %c0_i32_1 = arith.constant 0 : i32
    return %arg0, %c0_i32, %c0_i32_0 : i32, i32, i32
  }
  func.func @transform_4(%arg0: i32) -> (i32, i32) {
    %c0_i32 = arith.constant 0 : i32
    %c0_i32_0 = arith.constant 0 : i32
    return %arg0, %c0_i32 : i32, i32
  }
  func.func @transform_5(%arg0: i32) -> (i32, i32) {
    %c0_i32 = arith.constant 0 : i32
    %c0_i32_0 = arith.constant 0 : i32
    %c0_i32_1 = arith.constant 0 : i32
    return %c0_i32, %c0_i32_0 : i32, i32
  }
  func.func @transform_6(%arg0: i32) -> (i32, i32) {
    %c0_i32 = arith.constant 0 : i32
    %c0_i32_0 = arith.constant 0 : i32
    %c0_i32_1 = arith.constant 0 : i32
    return %c0_i32, %c0_i32_0 : i32, i32
  }
}

module attributes {stable_mosaic.version = 14 : i64} {
  func.func @_tc_fused_body(%arg0: i32, %arg1: memref<400x128xf32, #tpu.memory_space<vmem>>, %arg2: memref<1x400x128xf32, #tpu.memory_space<vmem>>, %arg3: memref<128x128xf32, #tpu.memory_space<vmem>>, %arg4: memref<1x1x400xi32, #tpu.memory_space<vmem>>, %arg5: memref<400x128xf32, #tpu.memory_space<vmem>>, %arg6: memref<64x128xf32, #tpu.memory_space<vmem>>, %arg7: memref<64x128xf32, #tpu.memory_space<vmem>>) attributes {dimension_semantics = [#tpu.dimension_semantics<arbitrary>], iteration_bounds = array<i64: 50>, scalar_prefetch = 0 : i64, scratch_operands = 0 : i64, tpu.core_type = #tpu.core_type<tc>, window_params = [{transform_indices = @transform_0, window_bounds = array<i64: 400, 128>}, {transform_indices = @transform_1, window_bounds = array<i64: 1, 400, 128>}, {pipeline_mode = #tpu.pipeline_mode<synchronous>, transform_indices = @transform_2, window_bounds = array<i64: 128, 128>}, {transform_indices = @transform_3, window_bounds = array<i64: 1, 1, 400>}, {transform_indices = @transform_4, window_bounds = array<i64: 400, 128>}, {pipeline_mode = #tpu.pipeline_mode<synchronous>, transform_indices = @transform_5, window_bounds = array<i64: 64, 128>}, {pipeline_mode = #tpu.pipeline_mode<synchronous>, transform_indices = @transform_6, window_bounds = array<i64: 64, 128>}]} {
    %get3A = arith.constant 0 : index
    %get3A_0 = arith.constant 0 : index
    %get3A_1 = vector.load %arg1[%get3A, %get3A_0] : memref<400x128xf32, #tpu.memory_space<vmem>>, vector<400x128xf32>
    %get3A_2 = arith.constant 0 : index
    %get3A_3 = arith.constant 0 : index
    %get3A_4 = arith.constant 0 : index
    %get3A_5 = vector.load %arg2[%get3A_2, %get3A_3, %get3A_4] : memref<1x400x128xf32, #tpu.memory_space<vmem>>, vector<1x400x128xf32>
    %get3A_6 = vector.shape_cast %get3A_5 : vector<1x400x128xf32> to vector<400x128xf32>
    %add3A = arith.addf %get3A_1, %get3A_6 : vector<400x128xf32>
    %get3A_7 = arith.constant 0 : index
    %get3A_8 = arith.constant 0 : index
    %get3A_9 = vector.load %arg3[%get3A_7, %get3A_8] : memref<128x128xf32, #tpu.memory_space<vmem>>, vector<128x128xf32>
    %dot_general3A = arith.constant dense<0.000000e+00> : vector<400x128xf32>
    %dot_general3A_10 = tpu.matmul %add3A, %get3A_9, %dot_general3A {dimension_numbers = #tpu.dot_dimension_numbers<[1], [0], [0], [1], [0, 0, 1, 1], [], []>, transpose_lhs_hint = false} : vector<400x128xf32>, vector<128x128xf32>, vector<400x128xf32> -> vector<400x128xf32>
    %max3A = arith.constant 0.000000e+00 : f32
    %max3A_11 = vector.broadcast %max3A : f32 to vector<400x128xf32>
    %max3A_12 = arith.maximumf %dot_general3A_10, %max3A_11 : vector<400x128xf32>
    %swap3A = arith.constant 0 : index
    %swap3A_13 = arith.constant 0 : index
    %swap3A_14 = vector.load %arg5[%swap3A, %swap3A_13] : memref<400x128xf32, #tpu.memory_space<vmem>>, vector<400x128xf32>
    tpu.vector_store %arg5[%swap3A, %swap3A_13], %max3A_12 {strides = array<i32>} : memref<400x128xf32, #tpu.memory_space<vmem>>, vector<400x128xf32>,
    %get3A_15 = arith.constant 0 : index
    %get3A_16 = arith.constant 0 : index
    %get3A_17 = arith.constant 0 : index
    %get3A_18 = vector.load %arg4[%get3A_15, %get3A_16, %get3A_17] : memref<1x1x400xi32, #tpu.memory_space<vmem>>, vector<1x1x400xi32>
    %get3A_19 = vector.shape_cast %get3A_18 : vector<1x1x400xi32> to vector<400xi32>
    %jit3A = arith.constant 25 : i32
    %div3A = arith.divsi %arg0, %jit3A : i32
    %sign3A = arith.constant 0 : i32
    %sign3A_20 = arith.cmpi sgt, %arg0, %sign3A : i32
    %sign3A_21 = arith.extui %sign3A_20 : i1 to i32
    %sign3A_22 = arith.constant 0 : i32
    %sign3A_23 = arith.cmpi slt, %arg0, %sign3A_22 : i32
    %sign3A_24 = arith.extui %sign3A_23 : i1 to i32
    %sign3A_25 = arith.subi %sign3A_21, %sign3A_24 : i32
    %sign3A_26 = arith.constant 0 : i32
    %sign3A_27 = arith.cmpi sgt, %jit3A, %sign3A_26 : i32
    %sign3A_28 = arith.extui %sign3A_27 : i1 to i32
    %sign3A_29 = arith.constant 0 : i32
    %sign3A_30 = arith.cmpi slt, %jit3A, %sign3A_29 : i32
    %sign3A_31 = arith.extui %sign3A_30 : i1 to i32
    %sign3A_32 = arith.subi %sign3A_28, %sign3A_31 : i32
    %ne3A = arith.cmpi ne, %sign3A_25, %sign3A_32 : i32
    %rem3A = arith.remsi %arg0, %jit3A : i32
    %ne3A_33 = arith.constant 0 : i32
    %ne3A_34 = arith.cmpi ne, %rem3A, %ne3A_33 : i32
    %and3A = arith.andi %ne3A, %ne3A_34 : i1
    %sub3A = arith.constant 1 : i32
    %sub3A_35 = arith.subi %div3A, %sub3A : i32
    %select_n3A = arith.select %and3A, %sub3A_35, %div3A : i32
    %mul3A = arith.constant 32 : i32
    %mul3A_36 = arith.muli %select_n3A, %mul3A : i32
    %add3A_37 = vector.broadcast %mul3A_36 : i32 to vector<400xi32>
    %add3A_38 = arith.addi %get3A_19, %add3A_37 : vector<400xi32>
    %iota3A = tpu.iota {dimensions = array<i32: 0>} : vector<64x400xi32>
    %broadcast_in_dim3A = vector.shape_cast %add3A_38 : vector<400xi32> to vector<1x400xi32>
    %eq3A = vector.broadcast %broadcast_in_dim3A : vector<1x400xi32> to vector<64x400xi32>
    %eq3A_39 = arith.cmpi eq, %iota3A, %eq3A : vector<64x400xi32>
    %convert_element_type3A = arith.extui %eq3A_39 : vector<64x400xi1> to vector<64x400xi32>
    %convert_element_type3A_40 = arith.sitofp %convert_element_type3A : vector<64x400xi32> to vector<64x400xf32>
    %dot_general3A_41 = arith.constant dense<0.000000e+00> : vector<64x128xf32>
    %dot_general3A_42 = tpu.matmul %convert_element_type3A_40, %max3A_12, %dot_general3A_41 {dimension_numbers = #tpu.dot_dimension_numbers<[1], [0], [0], [1], [0, 0, 1, 1], [], []>, precision = #tpu.contract_precision<fp32>, transpose_lhs_hint = false} : vector<64x400xf32>, vector<400x128xf32>, vector<64x128xf32> -> vector<64x128xf32>
    %reduce_sum3A = arith.constant dense<0.000000e+00> : vector<64xf32>
    %reduce_sum3A_43 = vector.multi_reduction <add>, %convert_element_type3A_40, %reduce_sum3A [1] : vector<64x400xf32> to vector<64xf32>
    %broadcast_in_dim3A_44 = vector.shape_cast %reduce_sum3A_43 : vector<64xf32> to vector<64x1xf32>
    %broadcast_in_dim3A_45 = vector.shape_cast %broadcast_in_dim3A_44 : vector<64x1xf32> to vector<64x1xf32>
    %broadcast_in_dim3A_46 = vector.broadcast %broadcast_in_dim3A_45 : vector<64x1xf32> to vector<64x128xf32>
    %eq3A_47 = arith.constant 0 : i32
    %eq3A_48 = arith.cmpi eq, %arg0, %eq3A_47 : i32
    %convert_element_type3A_49 = arith.extui %eq3A_48 : i1 to i32
    %cond3A = arith.constant 0 : i32
    %cond3A_50 = arith.cmpi ne, %convert_element_type3A_49, %cond3A : i32
    scf.if %cond3A_50 {
      %broadcast_in_dim3A_65 = arith.constant 0.000000e+00 : f32
      %broadcast_in_dim3A_66 = vector.broadcast %broadcast_in_dim3A_65 : f32 to vector<64x128xf32>
      %swap3A_67 = arith.constant 0 : index
      %swap3A_68 = arith.constant 0 : index
      %swap3A_69 = vector.load %arg6[%swap3A_67, %swap3A_68] : memref<64x128xf32, #tpu.memory_space<vmem>>, vector<64x128xf32>
      tpu.vector_store %arg6[%swap3A_67, %swap3A_68], %broadcast_in_dim3A_66 {strides = array<i32>} : memref<64x128xf32, #tpu.memory_space<vmem>>, vector<64x128xf32>,
      %broadcast_in_dim3A_70 = arith.constant 0.000000e+00 : f32
      %broadcast_in_dim3A_71 = vector.broadcast %broadcast_in_dim3A_70 : f32 to vector<64x128xf32>
      %swap3A_72 = arith.constant 0 : index
      %swap3A_73 = arith.constant 0 : index
      %swap3A_74 = vector.load %arg7[%swap3A_72, %swap3A_73] : memref<64x128xf32, #tpu.memory_space<vmem>>, vector<64x128xf32>
      tpu.vector_store %arg7[%swap3A_72, %swap3A_73], %broadcast_in_dim3A_71 {strides = array<i32>} : memref<64x128xf32, #tpu.memory_space<vmem>>, vector<64x128xf32>,
    } else {
    }
    %get3A_51 = arith.constant 0 : index
    %get3A_52 = arith.constant 0 : index
    %get3A_53 = vector.load %arg6[%get3A_51, %get3A_52] : memref<64x128xf32, #tpu.memory_space<vmem>>, vector<64x128xf32>
    %add3A_54 = arith.addf %get3A_53, %dot_general3A_42 : vector<64x128xf32>
    %swap3A_55 = arith.constant 0 : index
    %swap3A_56 = arith.constant 0 : index
    %swap3A_57 = vector.load %arg6[%swap3A_55, %swap3A_56] : memref<64x128xf32, #tpu.memory_space<vmem>>, vector<64x128xf32>
    tpu.vector_store %arg6[%swap3A_55, %swap3A_56], %add3A_54 {strides = array<i32>} : memref<64x128xf32, #tpu.memory_space<vmem>>, vector<64x128xf32>,
    %get3A_58 = arith.constant 0 : index
    %get3A_59 = arith.constant 0 : index
    %get3A_60 = vector.load %arg7[%get3A_58, %get3A_59] : memref<64x128xf32, #tpu.memory_space<vmem>>, vector<64x128xf32>
    %add3A_61 = arith.addf %get3A_60, %broadcast_in_dim3A_46 : vector<64x128xf32>
    %swap3A_62 = arith.constant 0 : index
    %swap3A_63 = arith.constant 0 : index
    %swap3A_64 = vector.load %arg7[%swap3A_62, %swap3A_63] : memref<64x128xf32, #tpu.memory_space<vmem>>, vector<64x128xf32>
    tpu.vector_store %arg7[%swap3A_62, %swap3A_63], %add3A_61 {strides = array<i32>} : memref<64x128xf32, #tpu.memory_space<vmem>>, vector<64x128xf32>,
    return
  }
  func.func @transform_0(%arg0: i32) -> (i32, i32) {
    %c0_i32 = arith.constant 0 : i32
    %c0_i32_0 = arith.constant 0 : i32
    return %arg0, %c0_i32 : i32, i32
  }
  func.func @transform_1(%arg0: i32) -> (i32, i32, i32) {
    %jit3A = arith.constant 25 : i32
    %div3A = arith.divsi %arg0, %jit3A : i32
    %sign3A = arith.constant 0 : i32
    %sign3A_0 = arith.cmpi sgt, %arg0, %sign3A : i32
    %sign3A_1 = arith.extui %sign3A_0 : i1 to i32
    %sign3A_2 = arith.constant 0 : i32
    %sign3A_3 = arith.cmpi slt, %arg0, %sign3A_2 : i32
    %sign3A_4 = arith.extui %sign3A_3 : i1 to i32
    %sign3A_5 = arith.subi %sign3A_1, %sign3A_4 : i32
    %sign3A_6 = arith.constant 0 : i32
    %sign3A_7 = arith.cmpi sgt, %jit3A, %sign3A_6 : i32
    %sign3A_8 = arith.extui %sign3A_7 : i1 to i32
    %sign3A_9 = arith.constant 0 : i32
    %sign3A_10 = arith.cmpi slt, %jit3A, %sign3A_9 : i32
    %sign3A_11 = arith.extui %sign3A_10 : i1 to i32
    %sign3A_12 = arith.subi %sign3A_8, %sign3A_11 : i32
    %ne3A = arith.cmpi ne, %sign3A_5, %sign3A_12 : i32
    %rem3A = arith.remsi %arg0, %jit3A : i32
    %ne3A_13 = arith.constant 0 : i32
    %ne3A_14 = arith.cmpi ne, %rem3A, %ne3A_13 : i32
    %and3A = arith.andi %ne3A, %ne3A_14 : i1
    %sub3A = arith.constant 1 : i32
    %sub3A_15 = arith.subi %div3A, %sub3A : i32
    %select_n3A = arith.select %and3A, %sub3A_15, %div3A : i32
    %jit3A_16 = arith.constant 25 : i32
    %eq3A = arith.constant 0 : i32
    %eq3A_17 = arith.cmpi eq, %jit3A_16, %eq3A : i32
    %jit3A_18 = arith.constant 1 : i32
    %select_n3A_19 = arith.select %eq3A_17, %jit3A_18, %jit3A_16 : i32
    %rem3A_20 = arith.remsi %arg0, %select_n3A_19 : i32
    %ne3A_21 = arith.constant 0 : i32
    %ne3A_22 = arith.cmpi ne, %rem3A_20, %ne3A_21 : i32
    %lt3A = arith.constant 0 : i32
    %lt3A_23 = arith.cmpi slt, %rem3A_20, %lt3A : i32
    %lt3A_24 = arith.constant 0 : i32
    %lt3A_25 = arith.cmpi slt, %select_n3A_19, %lt3A_24 : i32
    %ne3A_26 = arith.xori %lt3A_23, %lt3A_25 : i1
    %and3A_27 = arith.andi %ne3A_26, %ne3A_22 : i1
    %add3A = arith.addi %rem3A_20, %select_n3A_19 : i32
    %select_n3A_28 = arith.select %and3A_27, %add3A, %rem3A_20 : i32
    %c0_i32 = arith.constant 0 : i32
    %c0_i32_29 = arith.constant 0 : i32
    return %select_n3A, %select_n3A_28, %c0_i32 : i32, i32, i32
  }
  func.func @transform_2(%arg0: i32) -> (i32, i32) {
    %c0_i32 = arith.constant 0 : i32
    %c0_i32_0 = arith.constant 0 : i32
    %c0_i32_1 = arith.constant 0 : i32
    return %c0_i32, %c0_i32_0 : i32, i32
  }
  func.func @transform_3(%arg0: i32) -> (i32, i32, i32) {
    %c0_i32 = arith.constant 0 : i32
    %c0_i32_0 = arith.constant 0 : i32
    %c0_i32_1 = arith.constant 0 : i32
    return %arg0, %c0_i32, %c0_i32_0 : i32, i32, i32
  }
  func.func @transform_4(%arg0: i32) -> (i32, i32) {
    %c0_i32 = arith.constant 0 : i32
    %c0_i32_0 = arith.constant 0 : i32
    return %arg0, %c0_i32 : i32, i32
  }
  func.func @transform_5(%arg0: i32) -> (i32, i32) {
    %c0_i32 = arith.constant 0 : i32
    %c0_i32_0 = arith.constant 0 : i32
    %c0_i32_1 = arith.constant 0 : i32
    return %c0_i32, %c0_i32_0 : i32, i32
  }
  func.func @transform_6(%arg0: i32) -> (i32, i32) {
    %c0_i32 = arith.constant 0 : i32
    %c0_i32_0 = arith.constant 0 : i32
    %c0_i32_1 = arith.constant 0 : i32
    return %c0_i32, %c0_i32_0 : i32, i32
  }
}

</mosaic_0001>

<sc_bundles>
// kernel: kernel.6.cloned.1.call-start
scs
__scs_entry_jumppad:
0x0: {  	(pc) =	sbr.rel $0x88, $3  }
0x1: {  	(tag) =	ssettag $0x0;
	lr =	simm.s32 $0x1  }
0x2: {  	[smem:$0x3F95] =	sst lr;
	_ =	strace $0xD0000000  }
0x3: {  	_ = 	snop  }
0x4: {  	_ = 	snop  }
0x5: {  	_ = 	snop  }
0x6: {  	_ = 	snop  }
0x7: {  	_ = 	snop  }
__scs_overlays_trampoline_lowered:
0x8: {  	[smem:$0x3FA4] =	sst s0  }
0x9: {  	[smem:$0x3FA5] =	sst s1  }
0xa: {  	[smem:$0x3FA6] =	sst s2  }
0xb: {  	[smem:$0x3FA7] =	sst s3  }
0xc: {  	[smem:$0x3FA8] =	sst s4  }
0xd: {  	[smem:$0x3FA9] =	sst s5  }
0xe: {  	[smem:$0x3FAA] =	sst s6  }
0xf: {  	[smem:$0x3FAB] =	sst s7  }
0x10: {  	[smem:$0x3FAC] =	sst s8  }
0x11: {  	[smem:$0x3FAD] =	sst s9;
	s0 =	simm.s32 @!p0 $0x0  }
0x12: {  	s1 =	sld [smem:$0x3F93];
	s0 =	simm.s32 @p0 $0x1  }
0x13: {  	[smem:$0x3FAE] =	sst s0;
	s0 =	simm.s32 @!p1 $0x0  }
0x14: {  	s2 =	sld [smem:$0x3F92];
	s0 =	simm.s32 @p1 $0x1  }
0x15: {  	[smem:$0x3FAF] =	sst s0;
	s0 =	simm.s32 @!p2 $0x0  }
0x16: {  	s3 =	sld [smem:$0x3FDB];
	s0 =	simm.s32 @p2 $0x1  }
0x17: {  	s4 =	simm.s32 $0x1BF5;
	[smem:$0x3FB1] =	sst s0  }
0x18: {  	s0 =	sld [smem:$0x3F94];
	_ =	swait.ge [sflag:s4], $0x0  }
0x19: {  	s7 =	sld [smem:$0x3F95]  }
0x1a: {  	s8 =	sadd.s32 $0xFFFFE003, lr  }
0x1b: {  	s9 =	sadd.s32 $0xFFFFFEF7, lr;
	s5 =	simm.s32 $0xFFFFFFFF;
	p2 =	slt.u32 s8, $0xFFFFF086  }
0x1c: {  	p1 =	slt.u32 s9, $0xF7A;
	s5 =	simm.s32 @!p2 $0x0  }
0x1d: {  	s5 =	simm.s32 @p1 $0x1;
	p0 =	seq.s32 s7, s2  }
0x1e: {  	s7 =	smul.u32 @!p0 $0xF7A, s2;
	p2 =	seq.s32 @!p0 s5, $0x0  }
0x1f: {  	s9 =	smul.u32 $0xF7A, s1;
	s8 =	simm.s32 @!p0 $0x1BF5;
	p2 =	por !p2, p0  }
0x20: {  	[sflag:s8] =	ssyncset.s32 @!p0 $0xFFFFF086;
	s6 =	sadd.s32 @!p0 s3, s7;
	s7 =	simm.s32 @!p0 $0x108  }
0x21: {  	s3 =	sadd.s32 s3, s9;
	s6 =	sadd.s32 @!p0 $0x88, s6;
	s7 =	simm.s32 @p2 $0x1082  }
0x22: {  	[simem:s7], [sflag:s8] =	dma.local @!p0 [hbm:s6], $0xF7A  }
0x23: {  	s9 =	sor.u32 $0xD0000000, s2;
	s6 =	simm.s32 $0x108;
	_ =	swait.ge @!p0 [sflag:s8], $0x0  }
0x24: {  	s3 =	sadd.s32 $0x88, s3;
	s6 =	simm.s32 @!p1 $0x1082;
	[sflag:s4] =	ssyncset.s32 $0xFFFFF086  }
0x25: {  	[simem:s6], [sflag:s4] =	dma.local [hbm:s3], $0xF7A  }
0x26: {  	[smem:$0x3F95] =	sst s1;
	(tag) =	ssettag s2;
	_ =	strace s9  }
0x27: {  	s1 =	sld [smem:$0x3FA5]  }
0x28: {  	s2 =	sld [smem:$0x3FA6]  }
0x29: {  	s4 =	sld [smem:$0x3FA8]  }
0x2a: {  	p0 =	seq.s32 s5, $0x0;
	s5 =	sld [smem:$0x3FA9]  }
0x2b: {  	s6 =	sld [smem:$0x3FAA]  }
0x2c: {  	s7 =	sld [smem:$0x3FAB]  }
0x2d: {  	s3 =	simm.s32 $0x108;
	s8 =	sld [smem:$0x3FAC]  }
0x2e: {  	s3 =	simm.s32 @!p0 $0x1082;
	s9 =	sld [smem:$0x3FAD]  }
0x2f: {  	lr =	sadd.s32 s0, s3;
	s0 =	sld [smem:$0x3FA4]  }
0x30: {  	s3 =	sld [smem:$0x3FA7]  }
0x31: {  	[smem:$0x3FB0] =	sst s10  }
0x32: {  	s10 =	sld [smem:$0x3FAE];
	_ =	sdelay $0x3  }
0x33: {  	p0 =	seq.s32 s10, $0x1;
	s10 =	sld [smem:$0x3FB0];
	_ =	sdelay $0x3  }
0x34: {  	[smem:$0x3FB0] =	sst s10  }
0x35: {  	s10 =	sld [smem:$0x3FAF];
	_ =	sdelay $0x3  }
0x36: {  	p1 =	seq.s32 s10, $0x1;
	s10 =	sld [smem:$0x3FB0];
	_ =	sdelay $0x3  }
0x37: {  	[smem:$0x3FB0] =	sst s10  }
0x38: {  	s10 =	sld [smem:$0x3FB1]  }
0x39: {  	_ = 	snop;
	(pc) =	sbr.ind lr, $3  }
0x3a: {  	_ = 	snop  }
0x3b: {  	_ = 	snop  }
0x3c: {  	p2 =	seq.s32 s10, $0x1;
	s10 =	sld [smem:$0x3FB0]  }
0x3d: {  	_ =	shalt  }
0x3e: {  	_ =	shalt  }
0x3f: {  	_ =	shalt  }
0x40: {  	_ =	shalt  }
0x41: {  	_ =	shalt  }
0x42: {  	_ =	shalt  }
0x43: {  	_ =	shalt  }
0x44: {  	_ =	shalt  }
0x45: {  	_ =	shalt  }
0x46: {  	_ =	shalt  }
0x47: {  	_ =	shalt  }
0x48: {  	_ =	shalt  }
0x49: {  	_ =	shalt  }
0x4a: {  	_ =	shalt  }
0x4b: {  	_ =	shalt  }
0x4c: {  	_ =	shalt  }
0x4d: {  	_ =	shalt  }
0x4e: {  	_ =	shalt  }
0x4f: {  	_ =	shalt  }
0x50: {  	_ =	shalt  }
0x51: {  	_ =	shalt  }
0x52: {  	_ =	shalt  }
0x53: {  	_ =	shalt  }
0x54: {  	_ =	shalt  }
0x55: {  	_ =	shalt  }
0x56: {  	_ =	shalt  }
0x57: {  	_ =	shalt  }
0x58: {  	_ =	shalt  }
0x59: {  	_ =	shalt  }
0x5a: {  	_ =	shalt  }
0x5b: {  	_ =	shalt  }
0x5c: {  	_ =	shalt  }
0x5d: {  	_ =	shalt  }
0x5e: {  	_ =	shalt  }
0x5f: {  	_ =	shalt  }
0x60: {  	_ =	shalt  }
0x61: {  	_ =	shalt  }
0x62: {  	_ =	shalt  }
0x63: {  	_ =	shalt  }
0x64: {  	_ =	shalt  }
0x65: {  	_ =	shalt  }
0x66: {  	_ =	shalt  }
0x67: {  	_ =	shalt  }
0x68: {  	_ =	shalt  }
0x69: {  	_ =	shalt  }
0x6a: {  	_ =	shalt  }
0x6b: {  	_ =	shalt  }
0x6c: {  	_ =	shalt  }
0x6d: {  	_ =	shalt  }
0x6e: {  	_ =	shalt  }
0x6f: {  	_ =	shalt  }
0x70: {  	_ =	shalt  }
0x71: {  	_ =	shalt  }
0x72: {  	_ =	shalt  }
0x73: {  	_ =	shalt  }
0x74: {  	_ =	shalt  }
0x75: {  	_ =	shalt  }
0x76: {  	_ =	shalt  }
0x77: {  	_ =	shalt  }
0x78: {  	_ =	shalt  }
0x79: {  	_ =	shalt  }
0x7a: {  	_ =	shalt  }
0x7b: {  	_ =	shalt  }
0x7c: {  	_ =	shalt  }
0x7d: {  	_ =	shalt  }
0x7e: {  	_ =	shalt  }
0x7f: {  	_ =	shalt  }
0x80: {  	_ =	shalt  }
0x81: {  	_ =	shalt  }
0x82: {  	_ =	shalt  }
0x83: {  	_ =	shalt  }
0x84: {  	_ =	shalt  }
0x85: {  	_ =	shalt  }
0x86: {  	_ =	shalt  }
0x87: {  	_ =	shalt  }
.Lfunc_end0:
.L_simem_size_0:
called_computation_lowered:
.L_overlay_start_0:
0x88: {  	s2 =	sld [smem:$0x3FD9]  }
0x89: {  	s3 =	sld [smem:$0x3FFE];
	_ =	sdelay $0x1  }
0x8a: {  	s1 =	srdreg.scid  }
0x8b: {  	s0 =	sand.u32 $0x1, s1  }
0x8c: {  	s16 =	sshll.u32 s0, $0xA;
	s2 =	sadd.s32 s3, s2  }
0x8d: {  	s2 =	sadd.s32 s2, s16  }
0x8e: {  	[smem:$0x3FBC] =	sst s2  }
0x8f: {  	_ = 	snop  }
0x90: {  	(tm) =	ssettm $0x1  }
0x91: {  	s17 =	sld [smem:$0x3FFB];
	_ =	sdelay $0x3  }
0x92: {  	_ =	strace s17  }
0x93: {  	s2 =	sld [smem:$0x3FFC];
	_ =	sdelay $0x3  }
0x94: {  	_ =	strace s2  }
0x95: {  	s2 =	sld [smem:$0x3FFD];
	_ =	sdelay $0x3  }
0x96: {  	_ =	strace s2  }
0x97: {  	_ =	strace $0x8FFFFFFF  }
0x98: {  	s18 =	sld [smem:$0x3FDB];
	_ =	sdelay $0x1  }
0x99: {  	s19 =	simm.s32 $_scs_section_size  }
0x9a: {  	s4 =	simm.s32 $_size__tile_overlayer_lowered;
	s5 =	simm.s32 $_tile_overlayer_lowered  }
0x9b: {  	s22 =	simm.s32 $0x1BFF;
	s21 =	sshll.u32 s5, $0x1;
	s2 =	sadd.s32 s19, s18  }
0x9c: {  	s6 =	simm.s32 $0x0;
	s20 =	sshll.u32 s4, $0x1;
	s4 =	sadd.s32 s21, s2  }
0x9d: {  	[timem:s6], [sflag:s22] =	dma.local [hbm:s4], s20  }
0x9e: {  	_ =	swait.ge [sflag:s22], s20  }
0x9f: {  	s3 =	ssub.s32 $0x0, s20;
	[sflag:s22] =	ssyncset.done $0x0  }
0xa0: {  	[sflag:s22] =	ssyncadd.s32 s3;
	_ =	sdelay $0x1  }
0xa1: {  	s23 =	simm.s32 $0x1B8B  }
0xa2: {  	_ =	swait.ge [sflag:s23], $0x1  }
0xa3: {  	[sflag:s23] =	ssyncset.done $0x0  }
0xa4: {  	s25 =	simm.s32 $0x1B8E;
	s24 =	sld [smem:$0x3FFE];
	[sflag:s23] =	ssyncadd.s32 $0xFFFFFFFF  }
0xa5: {  	s26 =	simm.s32 $execute0_lowered;
	[smem:$0x3FD2] =	sst s25  }
0xa6: {  	s4 =	sshll.u32 s26, $0x1;
	_ =	strace $0x80000046;
	[dreg:$0x1] =	wrdreg $0xFFFFFFFF  }
0xa7: {  	s28 =	simm.s32 $_size_execute0_lowered;
	s2 =	sadd.s32 s2, s4;
	[dreg:$0x0] =	wrdreg $0x0  }
0xa8: {  	s4 =	sshll.u32 s28, $0x1;
	[dreg:$0x2] =	wrdreg s2  }
0xa9: {  	[dreg:$0x3] =	wrdreg s4  }
0xaa: {  	[dreg:$0x4] =	wrdreg $0xC0  }
0xab: {  	_ =	task [dreg:s6], $0x5FFFF  }
0xac: {  	[dreg:$0x1] =	wrdreg $0xFFFFFFFF  }
0xad: {  	[dreg:$0x0] =	wrdreg $0x60  }
0xae: {  	[dreg:$0x2] =	wrdreg s24  }
0xaf: {  	[dreg:$0x3] =	wrdreg $0x90000  }
0xb0: {  	[dreg:$0x4] =	wrdreg $0x9  }
0xb1: {  	_ =	task.clear_ibuf [dreg:s6], $0x5FFFF;
	_ =	strace $0x90000046  }
0xb2: {  	s29 =	simm.s32 $0x9;
	_ =	strace $0x80000048  }
0xb3: {  	_ =	swait.ge [sflag:s29], $0x1  }
0xb4: {  	[sflag:s29] =	ssyncadd.s32 $0xFFFFFFFF  }
0xb5: {  	_ =	strace $0x90000048  }
0xb6: {  	_ =	sfence  }
0xb7: {  	s30 =	sld [smem:$0x0];
	_ =	sdelay $0x2  }
0xb8: {  	s31 =	sshll.u32 s1, $0xD;
	s1 =	sshrl.u32 s1, $0x2  }
0xb9: {  	s3 =	sand.u32 $0x4000, s31;
	s1 =	sadd.s32 s1, s30  }
0xba: {  	s0 =	sor.u32 s3, s0;
	s1 =	sshll.u32 s1, $0x11  }
0xbb: {  	s0 =	sor.u32 s1, s0  }
0xbc: {  	s0 =	sadd.s32 $0x8F2B, s0  }
0xbd: {  	[sflag:s0] =	ssyncadd.remote.s32 $0x1  }
0xbe: {  	_ =	sfence.sel $0xFFFF  }
0xbf: {  	[dreg:$0x0] =	wrdreg $0xFFFFFFFF;
	(pc) =	sbr.abs _section_cstart, $3  }
0xc0: {  	[dreg:$0x1] =	wrdreg $0xFFFFFFFF  }
0xc1: {  	_ =	task.clear_ibuf [dreg:s6], $0x2FFFF;
	_ =	strace $0x9FFFFFFF  }
0xc2: {  	(tm) =	ssettm $0x7FFFFFFF  }
0xc3: {  	_ =	shalt  }
tec
execute0_lowered:
.L_overlay_start_1:
0x0: {  	(tag) =	ssettag $0x1  }
0x1: {  	s0 =	srdreg.scid;
	s9 =	stileid.u32  }
0x2: {  	s1 =	rddreg [dreg:$0x0];
	s6 =	smul.u32 $0x14000, s9  }
0x3: {  	s2 =	rddreg [dreg:$0x1];
	s3 =	simm.s32 $0x0;
	s8 =	smul.u32 $0x5000, s9  }
0x4: {  	[smem:$0x7FF] =	sst s3;
	s26 =	smul.u32 $0x50000, s9;
	s9 =	simm.s32 $0x880  }
0x5: {  	s10 =	simm.s32 $0x100;
	_ =	strace $0x80000047;
	[dreg:$0x4] =	wrdreg s9  }
0x6: {  	s12 =	simm.s32 $0x900;
	s14 =	simm.s32 $0x180;
	[dreg:$0x5] =	wrdreg s10  }
0x7: {  	s16 =	simm.s32 $0x980;
	s17 =	simm.s32 $0x200;
	[dreg:$0x6] =	wrdreg s12  }
0x8: {  	s18 =	simm.s32 $0xA00;
	s19 =	simm.s32 $0x280;
	[dreg:$0x7] =	wrdreg s14  }
0x9: {  	s20 =	simm.s32 $0xA80;
	s21 =	simm.s32 $0x300;
	[dreg:$0x8] =	wrdreg s16  }
0xa: {  	s28 =	simm.s32 $0xD80;
	s29 =	simm.s32 $0x600;
	[dreg:$0x9] =	wrdreg s17  }
0xb: {  	s30 =	simm.s32 $0xE00;
	s0 =	sand.u32 $0x1, s0;
	[dreg:$0xa] =	wrdreg s18  }
0xc: {  	s31 =	simm.s32 $0x680;
	s5 =	smul.u32 $0x140000, s0;
	[dreg:$0xb] =	wrdreg s19  }
0xd: {  	s4 =	sadd.s32 $0x28000, s1;
	s7 =	smul.u32 $0x50000, s0;
	[dreg:$0xc] =	wrdreg s20  }
0xe: {  	s0 =	ssub.s32 $0x2, s0;
	s14 =	simm.s32 $0x5;
	[dreg:$0xd] =	wrdreg s21  }
0xf: {  	s16 =	simm.s32 $0x80;
	s17 =	simm.s32 $0x1;
	s18 =	simm.s32 $0x5000  }
0x10: {  	s19 =	simm.s32 $0x2;
	s20 =	simm.s32 $0x3;
	s21 =	simm.s32 $0x4  }
0x11: {  	s25 =	sshrl.u32 s0, $0x1;
	s5 =	sadd.s32 s6, s5;
	s22 =	sadd.s32 s8, s7  }
0x12: {  	s0 =	ssub.s32 s0, s25;
	s8 =	sshrl.u32 s26, $0x2;
	s25 =	simm.s32 $0x400  }
0x13: {  	s26 =	simm.s32 $0xC00;
	s23 =	sshrl.u32 s5, $0x3;
	[dreg:$0x11] =	wrdreg s25  }
0x14: {  	s24 =	sshrl.u32 s22, $0x3;
	s0 =	smax.u32 s0, $0x1;
	[dreg:$0x12] =	wrdreg s26  }
0x15: {  	s22 =	simm.s32 $0xB00;
	s5 =	sadd.s32 s24, s1;
	[dreg:$0x19] =	wrdreg s0  }
0x16: {  	s1 =	sadd.s32 s23, s1;
	[dreg:$0xe] =	wrdreg s22;
	s23 =	simm.s32 $0x380  }
0x17: {  	s9 =	simm.s32 $0xF80;
	s24 =	simm.s32 $0xB80;
	[dreg:$0xf] =	wrdreg s23  }
0x18: {  	s10 =	simm.s32 $0x0;
	s7 =	sadd.s32 $0x14000, s5;
	[dreg:$0x10] =	wrdreg s24  }
0x19: {  	s25 =	simm.s32 $0xD00;
	s1 =	sadd.s32 $0x76200, s1;
	[dreg:$0x3] =	wrdreg s7  }
0x1a: {  	s26 =	simm.s32 $0x580;
	s7 =	sadd.s32 s8, s2;
	[dreg:$0x18] =	wrdreg s1  }
0x1b: {  	s22 =	simm.s32 $0x480;
	s11 =	sadd.s32 $0x4000, s7;
	[dreg:$0x13] =	wrdreg s7  }
0x1c: {  	s0 =	simm.s32 $0x700;
	s13 =	sadd.s32 $0x8000, s7;
	[dreg:$0x14] =	wrdreg s11  }
0x1d: {  	s23 =	simm.s32 $0xC80;
	s15 =	sadd.s32 $0xC000, s7;
	[dreg:$0x15] =	wrdreg s13  }
0x1e: {  	s24 =	simm.s32 $0x500;
	s7 =	sadd.s32 $0x10000, s7;
	[dreg:$0x16] =	wrdreg s15  }
0x1f: {  	s1 =	simm.s32 $0xE80;
	s8 =	simm.s32 $0x780;
	[dreg:$0x17] =	wrdreg s7  }
0x20: {  	v0 =	vimm.f32 $0.0e+00;
	s13 =	simm.s32 $0x1000;
	s15 =	simm.s32 $0x800;
	s7 =	simm.s32 $0xF00  }
.LBB2_1:
0x21: {  	s11 =	simm.s32 $0x0;
	s12 =	simm.s32 $0x200  }
.LBB2_2:
0x22: {  	p0 =	sne.s32 s12, $0xFE00;
	[tilespmem:s11+$0x1070] =	vst v0  }
0x23: {  	[tilespmem:s11+$0x1000] =	vst v0  }
0x24: {  	[tilespmem:s11+$0x1010] =	vst v0  }
.Ltmp0:
0x25: {  	[tilespmem:s11+$0x1020] =	vst v0;
	(pc) =	sbr.rel @p0 .LBB2_2-.Ltmp0, $4  }
0x26: {  	[tilespmem:s11+$0x1030] =	vst v0  }
0x27: {  	[tilespmem:s11+$0x1040] =	vst v0  }
0x28: {  	[tilespmem:s11+$0x1050] =	vst v0  }
0x29: {  	[tilespmem:s11+$0x1060] =	vst v0;
	s11 =	sshra.s32 s12, $0x2;
	s12 =	sadd.s32 $0x200, s12  }
0x2a: {  	[tilespmem:s11+$0x1070] =	vst v0  }
0x2b: {  	[tilespmem:s11+$0x1000] =	vst v0  }
0x2c: {  	[tilespmem:s11+$0x1010] =	vst v0  }
0x2d: {  	[tilespmem:s11+$0x1020] =	vst v0  }
0x2e: {  	[tilespmem:s11+$0x1030] =	vst v0  }
0x2f: {  	[tilespmem:s11+$0x1040] =	vst v0  }
0x30: {  	[dreg:$0x1a] =	wrdreg s10;
	[tilespmem:s11+$0x1050] =	vst v0  }
0x31: {  	[tilespmem:s11+$0x1060] =	vst v0;
	s6 =	rddreg [dreg:$0x13]  }
0x32: {  	[spmem:s6] =	stream.linear.scatter [tilespmem:s13], [sflag:$0x5], $0x4000, $0x38;
	[tilespmem:$0x1D000] =	vst v63  }
0x33: {  	_ =	swait.ge [sflag:s14], $0x4000  }
0x34: {  	[sflag:s14] =	ssyncset.done $0x0  }
0x35: {  	s10 =	rddreg [dreg:$0x14];
	[sflag:s14] =	ssyncadd.s32 $0xFFFFC000  }
0x36: {  	[spmem:s10] =	stream.linear.scatter [tilespmem:s13], [sflag:$0x5], $0x4000, $0x38;
	[tilespmem:$0x1D000] =	vst v63  }
0x37: {  	_ =	swait.ge [sflag:s14], $0x4000  }
0x38: {  	[sflag:s14] =	ssyncset.done $0x0  }
0x39: {  	s11 =	rddreg [dreg:$0x15];
	[sflag:s14] =	ssyncadd.s32 $0xFFFFC000  }
0x3a: {  	[spmem:s11] =	stream.linear.scatter [tilespmem:s13], [sflag:$0x5], $0x4000, $0x38;
	[tilespmem:$0x1D000] =	vst v63  }
0x3b: {  	_ =	swait.ge [sflag:s14], $0x4000  }
0x3c: {  	[sflag:s14] =	ssyncset.done $0x0  }
0x3d: {  	s12 =	rddreg [dreg:$0x16];
	[sflag:s14] =	ssyncadd.s32 $0xFFFFC000  }
0x3e: {  	[spmem:s12] =	stream.linear.scatter [tilespmem:s13], [sflag:$0x5], $0x4000, $0x38;
	[tilespmem:$0x1D000] =	vst v63  }
0x3f: {  	_ =	swait.ge [sflag:s14], $0x4000  }
0x40: {  	[sflag:s14] =	ssyncset.done $0x0  }
0x41: {  	s10 =	rddreg [dreg:$0x17];
	[sflag:s14] =	ssyncadd.s32 $0xFFFFC000  }
0x42: {  	[spmem:s10] =	stream.linear.scatter [tilespmem:s13], [sflag:$0x5], $0x4000, $0x38;
	[tilespmem:$0x1D000] =	vst v63  }
0x43: {  	_ =	swait.ge [sflag:s14], $0x4000  }
0x44: {  	[sflag:s14] =	ssyncset.done $0x0  }
0x45: {  	[sflag:s14] =	ssyncadd.s32 $0xFFFFC000  }
0x46: {  	[bflag:$0x0] =	sbarrier.arrive $0xFFFF  }
0x47: {  	s11 =	rddreg [dreg:$0x3]  }
0x48: {  	s6 =	sadd.s32 $0x0, s11  }
0x49: {  	[tilespmem:s3], [sflag:$0x5] =	stream.linear.gather [hbm4b:s6+s3], $0x800, $0x38;
	[tilespmem:$0x1D000] =	vst v63  }
0x4a: {  	_ =	swait.ge [sflag:s14], $0x800  }
0x4b: {  	[sflag:s14] =	ssyncset.done $0x0  }
0x4c: {  	s12 =	sadd.s32 $0x0, s5;
	[sflag:s14] =	ssyncadd.s32 $0xFFFFF800  }
0x4d: {  	[tilespmem:s15], [sflag:$0x5] =	stream.linear.gather [hbm4b:s12+s3], $0x800, $0x38;
	[tilespmem:$0x1D000] =	vst v63  }
0x4e: {  	_ =	swait.ge [sflag:s14], $0x800  }
0x4f: {  	[sflag:s14] =	ssyncset.done $0x0  }
0x50: {  	[sflag:s14] =	ssyncadd.s32 $0xFFFFF800  }
0x51: {  	[tilespmem:s13], [sflag:$0x1] =	stream.indirect.gather [hbm4b:s4+s16], $0x80, s3, s16, $0xb8;
	[tilespmem:$0x1D000] =	vst v63  }
0x52: {  	_ =	swait.ge [sflag:s17], $0x4000  }
0x53: {  	[sflag:s17] =	ssyncset.done $0x0  }
0x54: {  	[sflag:s17] =	ssyncadd.s32 $0xFFFFC000  }
0x55: {  	[spmem:s2] =	stream.indirect.scatter.add.f32 [tilespmem:s13], [sflag:$0x3], $0x80, s15, s16, $0xb8;
	[tilespmem:$0x1D000] =	vst v63  }
0x56: {  	_ = 	snop  }
0x57: {  	[tilespmem:s18], [sflag:$0x2] =	stream.indirect.gather [hbm4b:s4+s16], $0x80, s16, s16, $0xb8;
	[tilespmem:$0x1D000] =	vst v63  }
0x58: {  	_ =	swait.ge [sflag:s19], $0x4000  }
0x59: {  	[sflag:s19] =	ssyncset.done $0x0  }
0x5a: {  	s10 =	rddreg [dreg:$0x4];
	[sflag:s19] =	ssyncadd.s32 $0xFFFFC000  }
0x5b: {  	[spmem:s2] =	stream.indirect.scatter.add.f32 [tilespmem:s18], [sflag:$0x4], $0x80, s10, s16, $0xb8;
	[tilespmem:$0x1D000] =	vst v63  }
0x5c: {  	_ =	swait.ge [sflag:s20], $0x4000  }
0x5d: {  	[sflag:s20] =	ssyncset.done $0x0  }
0x5e: {  	s11 =	rddreg [dreg:$0x5];
	[sflag:s20] =	ssyncadd.s32 $0xFFFFC000  }
0x5f: {  	[tilespmem:s13], [sflag:$0x1] =	stream.indirect.gather [hbm4b:s4+s16], $0x80, s11, s16, $0xb8;
	[tilespmem:$0x1D000] =	vst v63  }
0x60: {  	_ =	swait.ge [sflag:s17], $0x4000  }
0x61: {  	[sflag:s17] =	ssyncset.done $0x0  }
0x62: {  	s12 =	rddreg [dreg:$0x6];
	[sflag:s17] =	ssyncadd.s32 $0xFFFFC000  }
0x63: {  	[spmem:s2] =	stream.indirect.scatter.add.f32 [tilespmem:s13], [sflag:$0x3], $0x80, s12, s16, $0xb8;
	[tilespmem:$0x1D000] =	vst v63  }
0x64: {  	_ =	swait.ge [sflag:s21], $0x4000  }
0x65: {  	[sflag:s21] =	ssyncset.done $0x0  }
0x66: {  	s10 =	rddreg [dreg:$0x7];
	[sflag:s21] =	ssyncadd.s32 $0xFFFFC000  }
0x67: {  	[tilespmem:s18], [sflag:$0x2] =	stream.indirect.gather [hbm4b:s4+s16], $0x80, s10, s16, $0xb8;
	[tilespmem:$0x1D000] =	vst v63  }
0x68: {  	_ =	swait.ge [sflag:s19], $0x4000  }
0x69: {  	[sflag:s19] =	ssyncset.done $0x0  }
0x6a: {  	s11 =	rddreg [dreg:$0x8];
	[sflag:s19] =	ssyncadd.s32 $0xFFFFC000  }
0x6b: {  	[spmem:s2] =	stream.indirect.scatter.add.f32 [tilespmem:s18], [sflag:$0x4], $0x80, s11, s16, $0xb8;
	[tilespmem:$0x1D000] =	vst v63  }
0x6c: {  	_ =	swait.ge [sflag:s20], $0x4000  }
0x6d: {  	[sflag:s20] =	ssyncset.done $0x0  }
0x6e: {  	s12 =	rddreg [dreg:$0x9];
	[sflag:s20] =	ssyncadd.s32 $0xFFFFC000  }
0x6f: {  	[tilespmem:s13], [sflag:$0x1] =	stream.indirect.gather [hbm4b:s4+s16], $0x80, s12, s16, $0xb8;
	[tilespmem:$0x1D000] =	vst v63  }
0x70: {  	_ =	swait.ge [sflag:s17], $0x4000  }
0x71: {  	[sflag:s17] =	ssyncset.done $0x0  }
0x72: {  	s10 =	rddreg [dreg:$0xa];
	[sflag:s17] =	ssyncadd.s32 $0xFFFFC000  }
0x73: {  	[spmem:s2] =	stream.indirect.scatter.add.f32 [tilespmem:s13], [sflag:$0x3], $0x80, s10, s16, $0xb8;
	[tilespmem:$0x1D000] =	vst v63  }
0x74: {  	_ =	swait.ge [sflag:s21], $0x4000  }
0x75: {  	[sflag:s21] =	ssyncset.done $0x0  }
0x76: {  	s11 =	rddreg [dreg:$0xb];
	[sflag:s21] =	ssyncadd.s32 $0xFFFFC000  }
0x77: {  	[tilespmem:s18], [sflag:$0x2] =	stream.indirect.gather [hbm4b:s4+s16], $0x80, s11, s16, $0xb8;
	[tilespmem:$0x1D000] =	vst v63  }
0x78: {  	_ =	swait.ge [sflag:s19], $0x4000  }
0x79: {  	[sflag:s19] =	ssyncset.done $0x0  }
0x7a: {  	s12 =	rddreg [dreg:$0xc];
	[sflag:s19] =	ssyncadd.s32 $0xFFFFC000  }
0x7b: {  	[spmem:s2] =	stream.indirect.scatter.add.f32 [tilespmem:s18], [sflag:$0x4], $0x80, s12, s16, $0xb8;
	[tilespmem:$0x1D000] =	vst v63  }
0x7c: {  	_ =	swait.ge [sflag:s20], $0x4000  }
0x7d: {  	[sflag:s20] =	ssyncset.done $0x0  }
0x7e: {  	s10 =	rddreg [dreg:$0xd];
	[sflag:s20] =	ssyncadd.s32 $0xFFFFC000  }
0x7f: {  	[tilespmem:s13], [sflag:$0x1] =	stream.indirect.gather [hbm4b:s4+s16], $0x80, s10, s16, $0xb8;
	[tilespmem:$0x1D000] =	vst v63  }
0x80: {  	_ =	swait.ge [sflag:s17], $0x4000  }
0x81: {  	[sflag:s17] =	ssyncset.done $0x0  }
0x82: {  	s11 =	rddreg [dreg:$0xe];
	[sflag:s17] =	ssyncadd.s32 $0xFFFFC000  }
0x83: {  	[spmem:s2] =	stream.indirect.scatter.add.f32 [tilespmem:s13], [sflag:$0x3], $0x80, s11, s16, $0xb8;
	[tilespmem:$0x1D000] =	vst v63  }
0x84: {  	_ =	swait.ge [sflag:s21], $0x4000  }
0x85: {  	[sflag:s21] =	ssyncset.done $0x0  }
0x86: {  	s12 =	rddreg [dreg:$0xf];
	[sflag:s21] =	ssyncadd.s32 $0xFFFFC000  }
0x87: {  	[tilespmem:s18], [sflag:$0x2] =	stream.indirect.gather [hbm4b:s4+s16], $0x80, s12, s16, $0xb8;
	[tilespmem:$0x1D000] =	vst v63  }
0x88: {  	_ =	swait.ge [sflag:s19], $0x4000  }
0x89: {  	[sflag:s19] =	ssyncset.done $0x0  }
0x8a: {  	s10 =	rddreg [dreg:$0x10];
	[sflag:s19] =	ssyncadd.s32 $0xFFFFC000  }
0x8b: {  	[spmem:s2] =	stream.indirect.scatter.add.f32 [tilespmem:s18], [sflag:$0x4], $0x80, s10, s16, $0xb8;
	[tilespmem:$0x1D000] =	vst v63  }
0x8c: {  	_ =	swait.ge [sflag:s20], $0x4000  }
0x8d: {  	[sflag:s20] =	ssyncset.done $0x0  }
0x8e: {  	s11 =	rddreg [dreg:$0x11];
	[sflag:s20] =	ssyncadd.s32 $0xFFFFC000  }
0x8f: {  	[tilespmem:s13], [sflag:$0x1] =	stream.indirect.gather [hbm4b:s4+s16], $0x80, s11, s16, $0xb8;
	[tilespmem:$0x1D000] =	vst v63  }
0x90: {  	_ =	swait.ge [sflag:s17], $0x4000  }
0x91: {  	[sflag:s17] =	ssyncset.done $0x0  }
0x92: {  	s12 =	rddreg [dreg:$0x12];
	[sflag:s17] =	ssyncadd.s32 $0xFFFFC000  }
0x93: {  	[spmem:s2] =	stream.indirect.scatter.add.f32 [tilespmem:s13], [sflag:$0x3], $0x80, s12, s16, $0xb8;
	[tilespmem:$0x1D000] =	vst v63  }
0x94: {  	_ =	swait.ge [sflag:s21], $0x4000  }
0x95: {  	[sflag:s21] =	ssyncset.done $0x0  }
0x96: {  	[sflag:s21] =	ssyncadd.s32 $0xFFFFC000  }
0x97: {  	[tilespmem:s18], [sflag:$0x2] =	stream.indirect.gather [hbm4b:s4+s16], $0x80, s22, s16, $0xb8;
	[tilespmem:$0x1D000] =	vst v63  }
0x98: {  	_ =	swait.ge [sflag:s19], $0x4000  }
0x99: {  	[sflag:s19] =	ssyncset.done $0x0  }
0x9a: {  	[sflag:s19] =	ssyncadd.s32 $0xFFFFC000  }
0x9b: {  	[spmem:s2] =	stream.indirect.scatter.add.f32 [tilespmem:s18], [sflag:$0x4], $0x80, s23, s16, $0xb8;
	[tilespmem:$0x1D000] =	vst v63  }
0x9c: {  	_ =	swait.ge [sflag:s20], $0x4000  }
0x9d: {  	[sflag:s20] =	ssyncset.done $0x0  }
0x9e: {  	[sflag:s20] =	ssyncadd.s32 $0xFFFFC000  }
0x9f: {  	[tilespmem:s13], [sflag:$0x1] =	stream.indirect.gather [hbm4b:s4+s16], $0x80, s24, s16, $0xb8;
	[tilespmem:$0x1D000] =	vst v63  }
0xa0: {  	_ =	swait.ge [sflag:s17], $0x4000  }
0xa1: {  	[sflag:s17] =	ssyncset.done $0x0  }
0xa2: {  	[sflag:s17] =	ssyncadd.s32 $0xFFFFC000  }
0xa3: {  	[spmem:s2] =	stream.indirect.scatter.add.f32 [tilespmem:s13], [sflag:$0x3], $0x80, s25, s16, $0xb8;
	[tilespmem:$0x1D000] =	vst v63  }
0xa4: {  	_ =	swait.ge [sflag:s21], $0x4000  }
0xa5: {  	[sflag:s21] =	ssyncset.done $0x0  }
0xa6: {  	[sflag:s21] =	ssyncadd.s32 $0xFFFFC000  }
0xa7: {  	[tilespmem:s18], [sflag:$0x2] =	stream.indirect.gather [hbm4b:s4+s16], $0x80, s26, s16, $0xb8;
	[tilespmem:$0x1D000] =	vst v63  }
0xa8: {  	_ =	swait.ge [sflag:s19], $0x4000  }
0xa9: {  	[sflag:s19] =	ssyncset.done $0x0  }
0xaa: {  	[sflag:s19] =	ssyncadd.s32 $0xFFFFC000  }
0xab: {  	[spmem:s2] =	stream.indirect.scatter.add.f32 [tilespmem:s18], [sflag:$0x4], $0x80, s28, s16, $0xb8;
	[tilespmem:$0x1D000] =	vst v63  }
0xac: {  	_ =	swait.ge [sflag:s20], $0x4000  }
0xad: {  	[sflag:s20] =	ssyncset.done $0x0  }
0xae: {  	[sflag:s20] =	ssyncadd.s32 $0xFFFFC000  }
0xaf: {  	[tilespmem:s13], [sflag:$0x1] =	stream.indirect.gather [hbm4b:s4+s16], $0x80, s29, s16, $0xb8;
	[tilespmem:$0x1D000] =	vst v63  }
0xb0: {  	_ =	swait.ge [sflag:s17], $0x4000  }
0xb1: {  	[sflag:s17] =	ssyncset.done $0x0  }
0xb2: {  	[sflag:s17] =	ssyncadd.s32 $0xFFFFC000  }
0xb3: {  	[spmem:s2] =	stream.indirect.scatter.add.f32 [tilespmem:s13], [sflag:$0x3], $0x80, s30, s16, $0xb8;
	[tilespmem:$0x1D000] =	vst v63  }
0xb4: {  	_ =	swait.ge [sflag:s21], $0x4000  }
0xb5: {  	[sflag:s21] =	ssyncset.done $0x0  }
0xb6: {  	[sflag:s21] =	ssyncadd.s32 $0xFFFFC000  }
0xb7: {  	[tilespmem:s18], [sflag:$0x2] =	stream.indirect.gather [hbm4b:s4+s16], $0x80, s31, s16, $0xb8;
	[tilespmem:$0x1D000] =	vst v63  }
0xb8: {  	_ =	swait.ge [sflag:s19], $0x4000  }
0xb9: {  	[sflag:s19] =	ssyncset.done $0x0  }
0xba: {  	[sflag:s19] =	ssyncadd.s32 $0xFFFFC000  }
0xbb: {  	[spmem:s2] =	stream.indirect.scatter.add.f32 [tilespmem:s18], [sflag:$0x4], $0x80, s1, s16, $0xb8;
	[tilespmem:$0x1D000] =	vst v63  }
0xbc: {  	_ =	swait.ge [sflag:s20], $0x4000  }
0xbd: {  	[sflag:s20] =	ssyncset.done $0x0  }
0xbe: {  	[sflag:s20] =	ssyncadd.s32 $0xFFFFC000  }
0xbf: {  	[tilespmem:s13], [sflag:$0x1] =	stream.indirect.gather [hbm4b:s4+s16], $0x80, s0, s16, $0xb8;
	[tilespmem:$0x1D000] =	vst v63  }
0xc0: {  	_ =	swait.ge [sflag:s17], $0x4000  }
0xc1: {  	[sflag:s17] =	ssyncset.done $0x0  }
0xc2: {  	[sflag:s17] =	ssyncadd.s32 $0xFFFFC000  }
0xc3: {  	[spmem:s2] =	stream.indirect.scatter.add.f32 [tilespmem:s13], [sflag:$0x3], $0x80, s7, s16, $0xb8;
	[tilespmem:$0x1D000] =	vst v63  }
0xc4: {  	_ =	swait.ge [sflag:s21], $0x4000  }
0xc5: {  	[sflag:s21] =	ssyncset.done $0x0  }
0xc6: {  	[sflag:s21] =	ssyncadd.s32 $0xFFFFC000  }
0xc7: {  	[tilespmem:s18], [sflag:$0x2] =	stream.indirect.gather [hbm4b:s4+s16], $0x80, s8, s16, $0xb8;
	[tilespmem:$0x1D000] =	vst v63  }
0xc8: {  	_ =	swait.ge [sflag:s19], $0x4000  }
0xc9: {  	[sflag:s19] =	ssyncset.done $0x0  }
0xca: {  	[sflag:s19] =	ssyncadd.s32 $0xFFFFC000  }
0xcb: {  	[spmem:s2] =	stream.indirect.scatter.add.f32 [tilespmem:s18], [sflag:$0x4], $0x80, s9, s16, $0xb8;
	[tilespmem:$0x1D000] =	vst v63  }
0xcc: {  	_ =	swait.ge [sflag:s20], $0x4000  }
0xcd: {  	[sflag:s20] =	ssyncset.done $0x0  }
0xce: {  	[sflag:s20] =	ssyncadd.s32 $0xFFFFC000  }
0xcf: {  	s11 =	simm.s32 $0x100;
	_ =	swait.ge [sflag:s21], $0x4000  }
0xd0: {  	s12 =	simm.s32 $0x200;
	s6 =	rddreg [dreg:$0x3];
	[sflag:s21] =	ssyncset.done $0x0  }
.LBB2_4:
0xd1: {  	[sflag:s21] =	ssyncadd.s32 $0xFFFFC000;
	s6 =	sadd.s32 s11, s6  }
0xd2: {  	[tilespmem:s3], [sflag:$0x5] =	stream.linear.gather [hbm4b:s6+s3], $0x800, $0x38;
	[tilespmem:$0x1D000] =	vst v63  }
0xd3: {  	_ =	swait.ge [sflag:s14], $0x800  }
0xd4: {  	[sflag:s14] =	ssyncset.done $0x0  }
0xd5: {  	s6 =	sadd.s32 s11, s5;
	[sflag:s14] =	ssyncadd.s32 $0xFFFFF800  }
0xd6: {  	[tilespmem:s15], [sflag:$0x5] =	stream.linear.gather [hbm4b:s6+s3], $0x800, $0x38;
	[tilespmem:$0x1D000] =	vst v63  }
0xd7: {  	_ =	swait.ge [sflag:s14], $0x800  }
0xd8: {  	[sflag:s14] =	ssyncset.done $0x0  }
0xd9: {  	[sflag:s14] =	ssyncadd.s32 $0xFFFFF800  }
0xda: {  	[tilespmem:s13], [sflag:$0x1] =	stream.indirect.gather [hbm4b:s4+s16], $0x80, s3, s16, $0xb8;
	[tilespmem:$0x1D000] =	vst v63  }
0xdb: {  	_ =	swait.ge [sflag:s17], $0x4000  }
0xdc: {  	[sflag:s17] =	ssyncset.done $0x0  }
0xdd: {  	[sflag:s17] =	ssyncadd.s32 $0xFFFFC000  }
0xde: {  	[spmem:s2] =	stream.indirect.scatter.add.f32 [tilespmem:s13], [sflag:$0x3], $0x80, s15, s16, $0xb8;
	[tilespmem:$0x1D000] =	vst v63  }
0xdf: {  	_ = 	snop  }
0xe0: {  	[tilespmem:s18], [sflag:$0x2] =	stream.indirect.gather [hbm4b:s4+s16], $0x80, s16, s16, $0xb8;
	[tilespmem:$0x1D000] =	vst v63  }
0xe1: {  	_ =	swait.ge [sflag:s19], $0x4000  }
0xe2: {  	s10 =	smov.u32 s12;
	[sflag:s19] =	ssyncset.done $0x0  }
0xe3: {  	s11 =	smov.u32 s10;
	s10 =	rddreg [dreg:$0x4];
	[sflag:s19] =	ssyncadd.s32 $0xFFFFC000  }
0xe4: {  	[spmem:s2] =	stream.indirect.scatter.add.f32 [tilespmem:s18], [sflag:$0x4], $0x80, s10, s16, $0xb8;
	[tilespmem:$0x1D000] =	vst v63  }
0xe5: {  	_ =	swait.ge [sflag:s20], $0x4000  }
0xe6: {  	[sflag:s20] =	ssyncset.done $0x0  }
0xe7: {  	s10 =	rddreg [dreg:$0x5];
	[sflag:s20] =	ssyncadd.s32 $0xFFFFC000  }
0xe8: {  	[tilespmem:s13], [sflag:$0x1] =	stream.indirect.gather [hbm4b:s4+s16], $0x80, s10, s16, $0xb8;
	[tilespmem:$0x1D000] =	vst v63  }
0xe9: {  	_ =	swait.ge [sflag:s17], $0x4000  }
0xea: {  	[sflag:s17] =	ssyncset.done $0x0  }
0xeb: {  	s10 =	rddreg [dreg:$0x6];
	[sflag:s17] =	ssyncadd.s32 $0xFFFFC000  }
0xec: {  	[spmem:s2] =	stream.indirect.scatter.add.f32 [tilespmem:s13], [sflag:$0x3], $0x80, s10, s16, $0xb8;
	[tilespmem:$0x1D000] =	vst v63  }
0xed: {  	_ =	swait.ge [sflag:s21], $0x4000  }
0xee: {  	[sflag:s21] =	ssyncset.done $0x0  }
0xef: {  	s10 =	rddreg [dreg:$0x7];
	[sflag:s21] =	ssyncadd.s32 $0xFFFFC000  }
0xf0: {  	[tilespmem:s18], [sflag:$0x2] =	stream.indirect.gather [hbm4b:s4+s16], $0x80, s10, s16, $0xb8;
	[tilespmem:$0x1D000] =	vst v63  }
0xf1: {  	_ =	swait.ge [sflag:s19], $0x4000  }
0xf2: {  	[sflag:s19] =	ssyncset.done $0x0  }
0xf3: {  	s10 =	rddreg [dreg:$0x8];
	[sflag:s19] =	ssyncadd.s32 $0xFFFFC000  }
0xf4: {  	[spmem:s2] =	stream.indirect.scatter.add.f32 [tilespmem:s18], [sflag:$0x4], $0x80, s10, s16, $0xb8;
	[tilespmem:$0x1D000] =	vst v63  }
0xf5: {  	_ =	swait.ge [sflag:s20], $0x4000  }
0xf6: {  	[sflag:s20] =	ssyncset.done $0x0  }
0xf7: {  	s10 =	rddreg [dreg:$0x9];
	[sflag:s20] =	ssyncadd.s32 $0xFFFFC000  }
0xf8: {  	[tilespmem:s13], [sflag:$0x1] =	stream.indirect.gather [hbm4b:s4+s16], $0x80, s10, s16, $0xb8;
	[tilespmem:$0x1D000] =	vst v63  }
0xf9: {  	_ =	swait.ge [sflag:s17], $0x4000  }
0xfa: {  	[sflag:s17] =	ssyncset.done $0x0  }
0xfb: {  	s10 =	rddreg [dreg:$0xa];
	[sflag:s17] =	ssyncadd.s32 $0xFFFFC000  }
0xfc: {  	[spmem:s2] =	stream.indirect.scatter.add.f32 [tilespmem:s13], [sflag:$0x3], $0x80, s10, s16, $0xb8;
	[tilespmem:$0x1D000] =	vst v63  }
0xfd: {  	_ =	swait.ge [sflag:s21], $0x4000  }
0xfe: {  	[sflag:s21] =	ssyncset.done $0x0  }
0xff: {  	s10 =	rddreg [dreg:$0xb];
	[sflag:s21] =	ssyncadd.s32 $0xFFFFC000  }
0x100: {  	[tilespmem:s18], [sflag:$0x2] =	stream.indirect.gather [hbm4b:s4+s16], $0x80, s10, s16, $0xb8;
	[tilespmem:$0x1D000] =	vst v63  }
0x101: {  	_ =	swait.ge [sflag:s19], $0x4000  }
0x102: {  	[sflag:s19] =	ssyncset.done $0x0  }
0x103: {  	s10 =	rddreg [dreg:$0xc];
	[sflag:s19] =	ssyncadd.s32 $0xFFFFC000  }
0x104: {  	[spmem:s2] =	stream.indirect.scatter.add.f32 [tilespmem:s18], [sflag:$0x4], $0x80, s10, s16, $0xb8;
	[tilespmem:$0x1D000] =	vst v63  }
0x105: {  	_ =	swait.ge [sflag:s20], $0x4000  }
0x106: {  	[sflag:s20] =	ssyncset.done $0x0  }
0x107: {  	s10 =	rddreg [dreg:$0xd];
	[sflag:s20] =	ssyncadd.s32 $0xFFFFC000  }
0x108: {  	[tilespmem:s13], [sflag:$0x1] =	stream.indirect.gather [hbm4b:s4+s16], $0x80, s10, s16, $0xb8;
	[tilespmem:$0x1D000] =	vst v63  }
0x109: {  	_ =	swait.ge [sflag:s17], $0x4000  }
0x10a: {  	[sflag:s17] =	ssyncset.done $0x0  }
0x10b: {  	s10 =	rddreg [dreg:$0xe];
	[sflag:s17] =	ssyncadd.s32 $0xFFFFC000  }
0x10c: {  	[spmem:s2] =	stream.indirect.scatter.add.f32 [tilespmem:s13], [sflag:$0x3], $0x80, s10, s16, $0xb8;
	[tilespmem:$0x1D000] =	vst v63  }
0x10d: {  	_ =	swait.ge [sflag:s21], $0x4000  }
0x10e: {  	[sflag:s21] =	ssyncset.done $0x0  }
0x10f: {  	s10 =	rddreg [dreg:$0xf];
	[sflag:s21] =	ssyncadd.s32 $0xFFFFC000  }
0x110: {  	[tilespmem:s18], [sflag:$0x2] =	stream.indirect.gather [hbm4b:s4+s16], $0x80, s10, s16, $0xb8;
	[tilespmem:$0x1D000] =	vst v63  }
0x111: {  	_ =	swait.ge [sflag:s19], $0x4000  }
0x112: {  	[sflag:s19] =	ssyncset.done $0x0  }
0x113: {  	s10 =	rddreg [dreg:$0x10];
	[sflag:s19] =	ssyncadd.s32 $0xFFFFC000  }
0x114: {  	[spmem:s2] =	stream.indirect.scatter.add.f32 [tilespmem:s18], [sflag:$0x4], $0x80, s10, s16, $0xb8;
	[tilespmem:$0x1D000] =	vst v63  }
0x115: {  	_ =	swait.ge [sflag:s20], $0x4000  }
0x116: {  	[sflag:s20] =	ssyncset.done $0x0  }
0x117: {  	s10 =	rddreg [dreg:$0x11];
	[sflag:s20] =	ssyncadd.s32 $0xFFFFC000  }
0x118: {  	[tilespmem:s13], [sflag:$0x1] =	stream.indirect.gather [hbm4b:s4+s16], $0x80, s10, s16, $0xb8;
	[tilespmem:$0x1D000] =	vst v63  }
0x119: {  	_ =	swait.ge [sflag:s17], $0x4000  }
0x11a: {  	[sflag:s17] =	ssyncset.done $0x0  }
0x11b: {  	s10 =	rddreg [dreg:$0x12];
	[sflag:s17] =	ssyncadd.s32 $0xFFFFC000  }
0x11c: {  	[spmem:s2] =	stream.indirect.scatter.add.f32 [tilespmem:s13], [sflag:$0x3], $0x80, s10, s16, $0xb8;
	[tilespmem:$0x1D000] =	vst v63  }
0x11d: {  	_ =	swait.ge [sflag:s21], $0x4000  }
0x11e: {  	[sflag:s21] =	ssyncset.done $0x0  }
0x11f: {  	[sflag:s21] =	ssyncadd.s32 $0xFFFFC000  }
0x120: {  	[tilespmem:s18], [sflag:$0x2] =	stream.indirect.gather [hbm4b:s4+s16], $0x80, s22, s16, $0xb8;
	[tilespmem:$0x1D000] =	vst v63  }
0x121: {  	_ =	swait.ge [sflag:s19], $0x4000  }
0x122: {  	[sflag:s19] =	ssyncset.done $0x0  }
0x123: {  	[sflag:s19] =	ssyncadd.s32 $0xFFFFC000  }
0x124: {  	[spmem:s2] =	stream.indirect.scatter.add.f32 [tilespmem:s18], [sflag:$0x4], $0x80, s23, s16, $0xb8;
	[tilespmem:$0x1D000] =	vst v63  }
0x125: {  	_ =	swait.ge [sflag:s20], $0x4000  }
0x126: {  	[sflag:s20] =	ssyncset.done $0x0  }
0x127: {  	[sflag:s20] =	ssyncadd.s32 $0xFFFFC000  }
0x128: {  	[tilespmem:s13], [sflag:$0x1] =	stream.indirect.gather [hbm4b:s4+s16], $0x80, s24, s16, $0xb8;
	[tilespmem:$0x1D000] =	vst v63  }
0x129: {  	_ =	swait.ge [sflag:s17], $0x4000  }
0x12a: {  	[sflag:s17] =	ssyncset.done $0x0  }
0x12b: {  	[sflag:s17] =	ssyncadd.s32 $0xFFFFC000  }
0x12c: {  	[spmem:s2] =	stream.indirect.scatter.add.f32 [tilespmem:s13], [sflag:$0x3], $0x80, s25, s16, $0xb8;
	[tilespmem:$0x1D000] =	vst v63  }
0x12d: {  	_ =	swait.ge [sflag:s21], $0x4000  }
0x12e: {  	[sflag:s21] =	ssyncset.done $0x0  }
0x12f: {  	[sflag:s21] =	ssyncadd.s32 $0xFFFFC000  }
0x130: {  	[tilespmem:s18], [sflag:$0x2] =	stream.indirect.gather [hbm4b:s4+s16], $0x80, s26, s16, $0xb8;
	[tilespmem:$0x1D000] =	vst v63  }
0x131: {  	_ =	swait.ge [sflag:s19], $0x4000  }
0x132: {  	[sflag:s19] =	ssyncset.done $0x0  }
0x133: {  	[sflag:s19] =	ssyncadd.s32 $0xFFFFC000  }
0x134: {  	[spmem:s2] =	stream.indirect.scatter.add.f32 [tilespmem:s18], [sflag:$0x4], $0x80, s28, s16, $0xb8;
	[tilespmem:$0x1D000] =	vst v63  }
0x135: {  	_ =	swait.ge [sflag:s20], $0x4000  }
0x136: {  	[sflag:s20] =	ssyncset.done $0x0  }
0x137: {  	[sflag:s20] =	ssyncadd.s32 $0xFFFFC000  }
0x138: {  	[tilespmem:s13], [sflag:$0x1] =	stream.indirect.gather [hbm4b:s4+s16], $0x80, s29, s16, $0xb8;
	[tilespmem:$0x1D000] =	vst v63  }
0x139: {  	_ =	swait.ge [sflag:s17], $0x4000  }
0x13a: {  	[sflag:s17] =	ssyncset.done $0x0  }
0x13b: {  	[sflag:s17] =	ssyncadd.s32 $0xFFFFC000  }
0x13c: {  	[spmem:s2] =	stream.indirect.scatter.add.f32 [tilespmem:s13], [sflag:$0x3], $0x80, s30, s16, $0xb8;
	[tilespmem:$0x1D000] =	vst v63  }
0x13d: {  	_ =	swait.ge [sflag:s21], $0x4000  }
0x13e: {  	[sflag:s21] =	ssyncset.done $0x0  }
0x13f: {  	[sflag:s21] =	ssyncadd.s32 $0xFFFFC000  }
0x140: {  	[tilespmem:s18], [sflag:$0x2] =	stream.indirect.gather [hbm4b:s4+s16], $0x80, s31, s16, $0xb8;
	[tilespmem:$0x1D000] =	vst v63  }
0x141: {  	_ =	swait.ge [sflag:s19], $0x4000  }
0x142: {  	[sflag:s19] =	ssyncset.done $0x0  }
0x143: {  	[sflag:s19] =	ssyncadd.s32 $0xFFFFC000  }
0x144: {  	[spmem:s2] =	stream.indirect.scatter.add.f32 [tilespmem:s18], [sflag:$0x4], $0x80, s1, s16, $0xb8;
	[tilespmem:$0x1D000] =	vst v63  }
0x145: {  	_ =	swait.ge [sflag:s20], $0x4000  }
0x146: {  	[sflag:s20] =	ssyncset.done $0x0  }
0x147: {  	[sflag:s20] =	ssyncadd.s32 $0xFFFFC000  }
0x148: {  	[tilespmem:s13], [sflag:$0x1] =	stream.indirect.gather [hbm4b:s4+s16], $0x80, s0, s16, $0xb8;
	[tilespmem:$0x1D000] =	vst v63  }
0x149: {  	_ =	swait.ge [sflag:s17], $0x4000  }
0x14a: {  	[sflag:s17] =	ssyncset.done $0x0  }
0x14b: {  	[sflag:s17] =	ssyncadd.s32 $0xFFFFC000  }
0x14c: {  	[spmem:s2] =	stream.indirect.scatter.add.f32 [tilespmem:s13], [sflag:$0x3], $0x80, s7, s16, $0xb8;
	[tilespmem:$0x1D000] =	vst v63  }
0x14d: {  	_ =	swait.ge [sflag:s21], $0x4000  }
0x14e: {  	[sflag:s21] =	ssyncset.done $0x0  }
0x14f: {  	[sflag:s21] =	ssyncadd.s32 $0xFFFFC000  }
0x150: {  	[tilespmem:s18], [sflag:$0x2] =	stream.indirect.gather [hbm4b:s4+s16], $0x80, s8, s16, $0xb8;
	[tilespmem:$0x1D000] =	vst v63  }
0x151: {  	_ =	swait.ge [sflag:s19], $0x4000  }
0x152: {  	[sflag:s19] =	ssyncset.done $0x0  }
0x153: {  	p0 =	sne.s32 s12, $0x900;
	[sflag:s19] =	ssyncadd.s32 $0xFFFFC000  }
0x154: {  	[spmem:s2] =	stream.indirect.scatter.add.f32 [tilespmem:s18], [sflag:$0x4], $0x80, s9, s16, $0xb8;
	[tilespmem:$0x1D000] =	vst v63  }
.Ltmp1:
0x155: {  	_ =	swait.ge [sflag:s20], $0x4000;
	(pc) =	sbr.rel @p0 .LBB2_4-.Ltmp1, $4  }
0x156: {  	[sflag:s20] =	ssyncset.done $0x0  }
0x157: {  	[sflag:s20] =	ssyncadd.s32 $0xFFFFC000  }
0x158: {  	_ =	swait.ge [sflag:s21], $0x4000  }
0x159: {  	s12 =	sadd.s32 $0x100, s12;
	s6 =	rddreg [dreg:$0x3];
	[sflag:s21] =	ssyncset.done $0x0  }
0x15a: {  	[sflag:s21] =	ssyncadd.s32 $0xFFFFC000;
	s6 =	sadd.s32 s11, s6  }
0x15b: {  	[tilespmem:s3], [sflag:$0x5] =	stream.linear.gather [hbm4b:s6+s3], $0x800, $0x38;
	[tilespmem:$0x1D000] =	vst v63  }
0x15c: {  	_ =	swait.ge [sflag:s14], $0x800  }
0x15d: {  	[sflag:s14] =	ssyncset.done $0x0  }
0x15e: {  	s10 =	sadd.s32 s11, s5;
	[sflag:s14] =	ssyncadd.s32 $0xFFFFF800  }
0x15f: {  	[tilespmem:s15], [sflag:$0x5] =	stream.linear.gather [hbm4b:s10+s3], $0x800, $0x38;
	[tilespmem:$0x1D000] =	vst v63  }
0x160: {  	_ =	swait.ge [sflag:s14], $0x800  }
0x161: {  	[sflag:s14] =	ssyncset.done $0x0  }
0x162: {  	[sflag:s14] =	ssyncadd.s32 $0xFFFFF800  }
0x163: {  	[tilespmem:s13], [sflag:$0x1] =	stream.indirect.gather [hbm4b:s4+s16], $0x80, s3, s16, $0xb8;
	[tilespmem:$0x1D000] =	vst v63  }
0x164: {  	_ =	swait.ge [sflag:s17], $0x4000  }
0x165: {  	[sflag:s17] =	ssyncset.done $0x0  }
0x166: {  	[sflag:s17] =	ssyncadd.s32 $0xFFFFC000  }
0x167: {  	[spmem:s2] =	stream.indirect.scatter.add.f32 [tilespmem:s13], [sflag:$0x3], $0x80, s15, s16, $0xb8;
	[tilespmem:$0x1D000] =	vst v63  }
0x168: {  	_ = 	snop  }
0x169: {  	[tilespmem:s18], [sflag:$0x2] =	stream.indirect.gather [hbm4b:s4+s16], $0x80, s16, s16, $0xb8;
	[tilespmem:$0x1D000] =	vst v63  }
0x16a: {  	_ =	swait.ge [sflag:s19], $0x4000  }
0x16b: {  	[sflag:s19] =	ssyncset.done $0x0  }
0x16c: {  	s11 =	rddreg [dreg:$0x4];
	[sflag:s19] =	ssyncadd.s32 $0xFFFFC000  }
0x16d: {  	[spmem:s2] =	stream.indirect.scatter.add.f32 [tilespmem:s18], [sflag:$0x4], $0x80, s11, s16, $0xb8;
	[tilespmem:$0x1D000] =	vst v63  }
0x16e: {  	_ =	swait.ge [sflag:s20], $0x4000  }
0x16f: {  	[sflag:s20] =	ssyncset.done $0x0  }
0x170: {  	s12 =	rddreg [dreg:$0x5];
	[sflag:s20] =	ssyncadd.s32 $0xFFFFC000  }
0x171: {  	[tilespmem:s13], [sflag:$0x1] =	stream.indirect.gather [hbm4b:s4+s16], $0x80, s12, s16, $0xb8;
	[tilespmem:$0x1D000] =	vst v63  }
0x172: {  	_ =	swait.ge [sflag:s17], $0x4000  }
0x173: {  	[sflag:s17] =	ssyncset.done $0x0  }
0x174: {  	s10 =	rddreg [dreg:$0x6];
	[sflag:s17] =	ssyncadd.s32 $0xFFFFC000  }
0x175: {  	[spmem:s2] =	stream.indirect.scatter.add.f32 [tilespmem:s13], [sflag:$0x3], $0x80, s10, s16, $0xb8;
	[tilespmem:$0x1D000] =	vst v63  }
0x176: {  	_ =	swait.ge [sflag:s21], $0x4000  }
0x177: {  	[sflag:s21] =	ssyncset.done $0x0  }
0x178: {  	s11 =	rddreg [dreg:$0x7];
	[sflag:s21] =	ssyncadd.s32 $0xFFFFC000  }
0x179: {  	[tilespmem:s18], [sflag:$0x2] =	stream.indirect.gather [hbm4b:s4+s16], $0x80, s11, s16, $0xb8;
	[tilespmem:$0x1D000] =	vst v63  }
0x17a: {  	_ =	swait.ge [sflag:s19], $0x4000  }
0x17b: {  	[sflag:s19] =	ssyncset.done $0x0  }
0x17c: {  	s12 =	rddreg [dreg:$0x8];
	[sflag:s19] =	ssyncadd.s32 $0xFFFFC000  }
0x17d: {  	[spmem:s2] =	stream.indirect.scatter.add.f32 [tilespmem:s18], [sflag:$0x4], $0x80, s12, s16, $0xb8;
	[tilespmem:$0x1D000] =	vst v63  }
0x17e: {  	_ =	swait.ge [sflag:s20], $0x4000  }
0x17f: {  	[sflag:s20] =	ssyncset.done $0x0  }
0x180: {  	s10 =	rddreg [dreg:$0x9];
	[sflag:s20] =	ssyncadd.s32 $0xFFFFC000  }
0x181: {  	[tilespmem:s13], [sflag:$0x1] =	stream.indirect.gather [hbm4b:s4+s16], $0x80, s10, s16, $0xb8;
	[tilespmem:$0x1D000] =	vst v63  }
0x182: {  	_ =	swait.ge [sflag:s17], $0x4000  }
0x183: {  	[sflag:s17] =	ssyncset.done $0x0  }
0x184: {  	s11 =	rddreg [dreg:$0xa];
	[sflag:s17] =	ssyncadd.s32 $0xFFFFC000  }
0x185: {  	[spmem:s2] =	stream.indirect.scatter.add.f32 [tilespmem:s13], [sflag:$0x3], $0x80, s11, s16, $0xb8;
	[tilespmem:$0x1D000] =	vst v63  }
0x186: {  	_ =	swait.ge [sflag:s21], $0x4000  }
0x187: {  	[sflag:s21] =	ssyncset.done $0x0  }
0x188: {  	s12 =	rddreg [dreg:$0xb];
	[sflag:s21] =	ssyncadd.s32 $0xFFFFC000  }
0x189: {  	[tilespmem:s18], [sflag:$0x2] =	stream.indirect.gather [hbm4b:s4+s16], $0x80, s12, s16, $0xb8;
	[tilespmem:$0x1D000] =	vst v63  }
0x18a: {  	_ =	swait.ge [sflag:s19], $0x4000  }
0x18b: {  	[sflag:s19] =	ssyncset.done $0x0  }
0x18c: {  	s10 =	rddreg [dreg:$0xc];
	[sflag:s19] =	ssyncadd.s32 $0xFFFFC000  }
0x18d: {  	[spmem:s2] =	stream.indirect.scatter.add.f32 [tilespmem:s18], [sflag:$0x4], $0x80, s10, s16, $0xb8;
	[tilespmem:$0x1D000] =	vst v63  }
0x18e: {  	_ =	swait.ge [sflag:s20], $0x4000  }
0x18f: {  	[sflag:s20] =	ssyncset.done $0x0  }
0x190: {  	s11 =	rddreg [dreg:$0xd];
	[sflag:s20] =	ssyncadd.s32 $0xFFFFC000  }
0x191: {  	[tilespmem:s13], [sflag:$0x1] =	stream.indirect.gather [hbm4b:s4+s16], $0x80, s11, s16, $0xb8;
	[tilespmem:$0x1D000] =	vst v63  }
0x192: {  	_ =	swait.ge [sflag:s17], $0x4000  }
0x193: {  	[sflag:s17] =	ssyncset.done $0x0  }
0x194: {  	s12 =	rddreg [dreg:$0xe];
	[sflag:s17] =	ssyncadd.s32 $0xFFFFC000  }
0x195: {  	[spmem:s2] =	stream.indirect.scatter.add.f32 [tilespmem:s13], [sflag:$0x3], $0x80, s12, s16, $0xb8;
	[tilespmem:$0x1D000] =	vst v63  }
0x196: {  	_ =	swait.ge [sflag:s21], $0x4000  }
0x197: {  	[sflag:s21] =	ssyncset.done $0x0  }
0x198: {  	s10 =	rddreg [dreg:$0xf];
	[sflag:s21] =	ssyncadd.s32 $0xFFFFC000  }
0x199: {  	[tilespmem:s18], [sflag:$0x2] =	stream.indirect.gather [hbm4b:s4+s16], $0x80, s10, s16, $0xb8;
	[tilespmem:$0x1D000] =	vst v63  }
0x19a: {  	_ =	swait.ge [sflag:s19], $0x4000  }
0x19b: {  	[sflag:s19] =	ssyncset.done $0x0  }
0x19c: {  	s11 =	rddreg [dreg:$0x10];
	[sflag:s19] =	ssyncadd.s32 $0xFFFFC000  }
0x19d: {  	[spmem:s2] =	stream.indirect.scatter.add.f32 [tilespmem:s18], [sflag:$0x4], $0x80, s11, s16, $0xb8;
	[tilespmem:$0x1D000] =	vst v63  }
0x19e: {  	_ =	swait.ge [sflag:s20], $0x4000  }
0x19f: {  	[sflag:s20] =	ssyncset.done $0x0  }
0x1a0: {  	s12 =	rddreg [dreg:$0x11];
	[sflag:s20] =	ssyncadd.s32 $0xFFFFC000  }
0x1a1: {  	[tilespmem:s13], [sflag:$0x1] =	stream.indirect.gather [hbm4b:s4+s16], $0x80, s12, s16, $0xb8;
	[tilespmem:$0x1D000] =	vst v63  }
0x1a2: {  	_ =	swait.ge [sflag:s17], $0x4000  }
0x1a3: {  	[sflag:s17] =	ssyncset.done $0x0  }
0x1a4: {  	s10 =	rddreg [dreg:$0x12];
	[sflag:s17] =	ssyncadd.s32 $0xFFFFC000  }
0x1a5: {  	[spmem:s2] =	stream.indirect.scatter.add.f32 [tilespmem:s13], [sflag:$0x3], $0x80, s10, s16, $0xb8;
	[tilespmem:$0x1D000] =	vst v63  }
0x1a6: {  	_ =	swait.ge [sflag:s21], $0x4000  }
0x1a7: {  	[sflag:s21] =	ssyncset.done $0x0  }
0x1a8: {  	[sflag:s21] =	ssyncadd.s32 $0xFFFFC000  }
0x1a9: {  	[tilespmem:s18], [sflag:$0x2] =	stream.indirect.gather [hbm4b:s4+s16], $0x80, s22, s16, $0xb8;
	[tilespmem:$0x1D000] =	vst v63  }
0x1aa: {  	_ =	swait.ge [sflag:s19], $0x4000  }
0x1ab: {  	[sflag:s19] =	ssyncset.done $0x0  }
0x1ac: {  	[sflag:s19] =	ssyncadd.s32 $0xFFFFC000  }
0x1ad: {  	[spmem:s2] =	stream.indirect.scatter.add.f32 [tilespmem:s18], [sflag:$0x4], $0x80, s23, s16, $0xb8;
	[tilespmem:$0x1D000] =	vst v63  }
0x1ae: {  	_ =	swait.ge [sflag:s20], $0x4000  }
0x1af: {  	[sflag:s20] =	ssyncset.done $0x0  }
0x1b0: {  	[sflag:s20] =	ssyncadd.s32 $0xFFFFC000  }
0x1b1: {  	[tilespmem:s13], [sflag:$0x1] =	stream.indirect.gather [hbm4b:s4+s16], $0x80, s24, s16, $0xb8;
	[tilespmem:$0x1D000] =	vst v63  }
0x1b2: {  	_ =	swait.ge [sflag:s17], $0x4000  }
0x1b3: {  	[sflag:s17] =	ssyncset.done $0x0  }
0x1b4: {  	[sflag:s17] =	ssyncadd.s32 $0xFFFFC000  }
0x1b5: {  	[spmem:s2] =	stream.indirect.scatter.add.f32 [tilespmem:s13], [sflag:$0x3], $0x80, s25, s16, $0xb8;
	[tilespmem:$0x1D000] =	vst v63  }
0x1b6: {  	_ =	swait.ge [sflag:s21], $0x4000  }
0x1b7: {  	[sflag:s21] =	ssyncset.done $0x0  }
0x1b8: {  	[sflag:s21] =	ssyncadd.s32 $0xFFFFC000  }
0x1b9: {  	[tilespmem:s18], [sflag:$0x2] =	stream.indirect.gather [hbm4b:s4+s16], $0x80, s26, s16, $0xb8;
	[tilespmem:$0x1D000] =	vst v63  }
0x1ba: {  	_ =	swait.ge [sflag:s19], $0x4000  }
0x1bb: {  	[sflag:s19] =	ssyncset.done $0x0  }
0x1bc: {  	[sflag:s19] =	ssyncadd.s32 $0xFFFFC000  }
0x1bd: {  	[spmem:s2] =	stream.indirect.scatter.add.f32 [tilespmem:s18], [sflag:$0x4], $0x80, s28, s16, $0xb8;
	[tilespmem:$0x1D000] =	vst v63  }
0x1be: {  	_ =	swait.ge [sflag:s20], $0x4000  }
0x1bf: {  	[sflag:s20] =	ssyncset.done $0x0  }
0x1c0: {  	[sflag:s20] =	ssyncadd.s32 $0xFFFFC000  }
0x1c1: {  	[tilespmem:s13], [sflag:$0x1] =	stream.indirect.gather [hbm4b:s4+s16], $0x80, s29, s16, $0xb8;
	[tilespmem:$0x1D000] =	vst v63  }
0x1c2: {  	_ =	swait.ge [sflag:s17], $0x4000  }
0x1c3: {  	[sflag:s17] =	ssyncset.done $0x0  }
0x1c4: {  	[sflag:s17] =	ssyncadd.s32 $0xFFFFC000  }
0x1c5: {  	[spmem:s2] =	stream.indirect.scatter.add.f32 [tilespmem:s13], [sflag:$0x3], $0x80, s30, s16, $0xb8;
	[tilespmem:$0x1D000] =	vst v63  }
0x1c6: {  	_ =	swait.ge [sflag:s21], $0x4000  }
0x1c7: {  	[sflag:s21] =	ssyncset.done $0x0  }
0x1c8: {  	[sflag:s21] =	ssyncadd.s32 $0xFFFFC000  }
0x1c9: {  	[tilespmem:s18], [sflag:$0x2] =	stream.indirect.gather [hbm4b:s4+s16], $0x80, s31, s16, $0xb8;
	[tilespmem:$0x1D000] =	vst v63  }
0x1ca: {  	_ =	swait.ge [sflag:s19], $0x4000  }
0x1cb: {  	[sflag:s19] =	ssyncset.done $0x0  }
0x1cc: {  	[sflag:s19] =	ssyncadd.s32 $0xFFFFC000  }
0x1cd: {  	[spmem:s2] =	stream.indirect.scatter.add.f32 [tilespmem:s18], [sflag:$0x4], $0x80, s1, s16, $0xb8;
	[tilespmem:$0x1D000] =	vst v63  }
0x1ce: {  	_ =	swait.ge [sflag:s20], $0x4000  }
0x1cf: {  	[sflag:s20] =	ssyncset.done $0x0  }
0x1d0: {  	[sflag:s20] =	ssyncadd.s32 $0xFFFFC000  }
0x1d1: {  	[tilespmem:s13], [sflag:$0x1] =	stream.indirect.gather [hbm4b:s4+s16], $0x80, s0, s16, $0xb8;
	[tilespmem:$0x1D000] =	vst v63  }
0x1d2: {  	_ =	swait.ge [sflag:s17], $0x4000  }
0x1d3: {  	[sflag:s17] =	ssyncset.done $0x0  }
0x1d4: {  	[sflag:s17] =	ssyncadd.s32 $0xFFFFC000  }
0x1d5: {  	[spmem:s2] =	stream.indirect.scatter.add.f32 [tilespmem:s13], [sflag:$0x3], $0x80, s7, s16, $0xb8;
	[tilespmem:$0x1D000] =	vst v63  }
0x1d6: {  	_ =	swait.ge [sflag:s21], $0x4000  }
0x1d7: {  	[sflag:s21] =	ssyncset.done $0x0  }
0x1d8: {  	[sflag:s21] =	ssyncadd.s32 $0xFFFFC000  }
0x1d9: {  	[tilespmem:s18], [sflag:$0x2] =	stream.indirect.gather [hbm4b:s4+s16], $0x80, s8, s16, $0xb8;
	[tilespmem:$0x1D000] =	vst v63  }
0x1da: {  	_ =	swait.ge [sflag:s19], $0x4000  }
0x1db: {  	[sflag:s19] =	ssyncset.done $0x0  }
0x1dc: {  	[sflag:s19] =	ssyncadd.s32 $0xFFFFC000  }
0x1dd: {  	[spmem:s2] =	stream.indirect.scatter.add.f32 [tilespmem:s18], [sflag:$0x4], $0x80, s9, s16, $0xb8;
	[tilespmem:$0x1D000] =	vst v63  }
0x1de: {  	_ =	swait.ge [sflag:s20], $0x4000  }
0x1df: {  	[sflag:s20] =	ssyncset.done $0x0  }
0x1e0: {  	[sflag:s20] =	ssyncadd.s32 $0xFFFFC000  }
0x1e1: {  	_ =	swait.ge [sflag:s21], $0x4000  }
0x1e2: {  	[sflag:s21] =	ssyncset.done $0x0  }
0x1e3: {  	[sflag:s21] =	ssyncadd.s32 $0xFFFFC000  }
0x1e4: {  	s11 =	stileid.u32;
	[bflag:$0x0] =	sbarrier.arrive $0xFFFF  }
0x1e5: {  	s6 =	sshll.u32 s11, $0x6;
	s10 =	rddreg [dreg:$0x13]  }
0x1e6: {  	s6 =	sor.u32 $0x1C05, s6;
	s12 =	rddreg [dreg:$0x18];
	s10 =	sshrl.u32 s10, $0x3  }
0x1e7: {  	[hbm:s12], [sflag:s6] =	dma.local [spmem:s10], $0x2800  }
0x1e8: {  	_ =	swait.ge [sflag:s14], $0x2800  }
0x1e9: {  	s11 =	rddreg [dreg:$0x1a]  }
0x1ea: {  	s12 =	rddreg [dreg:$0x19];
	s10 =	sadd.s32 $0x1, s11  }
0x1eb: {  	p0 =	sne.s32 s10, s12  }
.Ltmp2:
0x1ec: {  	_ = 	snop;
	(pc) =	sbr.rel @p0 .LBB2_1-.Ltmp2, $3  }
0x1ed: {  	_ =	sdelay $0x1  }
0x1ee: {  	[sflag:s14] =	ssyncset.done $0x0  }
0x1ef: {  	[sflag:s14] =	ssyncadd.s32 $0xFFFFD800  }
0x1f0: {  	_ =	sfence.sel $0x180000  }
0x1f1: {  	[bflag:$0x0] =	sbarrier.arrive $0xFFFF  }
0x1f2: {  	_ =	strace $0x90000047  }
0x1f3: {  	s0 =	stileid.u32;
	[bflag:$0x2] =	sbarrier.arrive $0xFFFF  }
0x1f4: {  	p0 =	sne.s32 s0, $0x0;
	s0 =	rddreg [dreg:$0x2]  }
0x1f5: {  	s0 =	sadd.s32 @!p0 $0x100000, s0  }
0x1f6: {  	[sflag:s0] =	ssyncadd.tile.s32 @!p0 $0x1;
	_ =	shalt  }
.Lfunc_end2:
_tile_overlayer_lowered:
.L_overlay_start_2:
0x1f7: {  	(tag) =	ssettag $0x2  }
0x1f8: {  	s0 =	rddreg [dreg:$0x0];
	s2 =	stileid.u32  }
0x1f9: {  	s1 =	rddreg [dreg:$0x1];
	p0 =	sne.s32 s2, $0x0  }
0x1fa: {  	s3 =	rddreg [dreg:$0x2];
	[bflag:$0x3] =	sbarrier.arrive $0xFFFF;
	s2 =	simm.s32 @!p0 $0x1C05  }
0x1fb: {  	[timem:s3], [sflag:s2] =	dma.local @!p0 [hbm:s0], s1  }
0x1fc: {  	s0 =	simm.s32 @!p0 $0x5  }
0x1fd: {  	_ =	swait.ge @!p0 [sflag:s0], s1  }
0x1fe: {  	s1 =	ssub.s32 @!p0 $0x0, s1;
	[sflag:s0] =	ssyncset.done @!p0 $0x0  }
0x1ff: {  	[sflag:s0] =	ssyncadd.s32 @!p0 s1  }
0x200: {  	[bflag:$0x3] =	sbarrier.arrive $0xFFFF  }
0x201: {  	_ =	shalt  }

// kernel: kernel.9.cloned.1.call-start
scs
__scs_entry_jumppad:
0x0: {  	(pc) =	sbr.rel $0x88, $3  }
0x1: {  	(tag) =	ssettag $0x0;
	lr =	simm.s32 $0x1  }
0x2: {  	[smem:$0x3F95] =	sst lr;
	_ =	strace $0xD0000000  }
0x3: {  	_ = 	snop  }
0x4: {  	_ = 	snop  }
0x5: {  	_ = 	snop  }
0x6: {  	_ = 	snop  }
0x7: {  	_ = 	snop  }
__scs_overlays_trampoline_lowered:
0x8: {  	[smem:$0x3FA4] =	sst s0  }
0x9: {  	[smem:$0x3FA5] =	sst s1  }
0xa: {  	[smem:$0x3FA6] =	sst s2  }
0xb: {  	[smem:$0x3FA7] =	sst s3  }
0xc: {  	[smem:$0x3FA8] =	sst s4  }
0xd: {  	[smem:$0x3FA9] =	sst s5  }
0xe: {  	[smem:$0x3FAA] =	sst s6  }
0xf: {  	[smem:$0x3FAB] =	sst s7  }
0x10: {  	[smem:$0x3FAC] =	sst s8  }
0x11: {  	[smem:$0x3FAD] =	sst s9;
	s0 =	simm.s32 @!p0 $0x0  }
0x12: {  	s1 =	sld [smem:$0x3F93];
	s0 =	simm.s32 @p0 $0x1  }
0x13: {  	[smem:$0x3FAE] =	sst s0;
	s0 =	simm.s32 @!p1 $0x0  }
0x14: {  	s2 =	sld [smem:$0x3F92];
	s0 =	simm.s32 @p1 $0x1  }
0x15: {  	[smem:$0x3FAF] =	sst s0;
	s0 =	simm.s32 @!p2 $0x0  }
0x16: {  	s3 =	sld [smem:$0x3FDB];
	s0 =	simm.s32 @p2 $0x1  }
0x17: {  	s4 =	simm.s32 $0x1BF5;
	[smem:$0x3FB1] =	sst s0  }
0x18: {  	s0 =	sld [smem:$0x3F94];
	_ =	swait.ge [sflag:s4], $0x0  }
0x19: {  	s7 =	sld [smem:$0x3F95]  }
0x1a: {  	s8 =	sadd.s32 $0xFFFFE003, lr  }
0x1b: {  	s9 =	sadd.s32 $0xFFFFFEF7, lr;
	s5 =	simm.s32 $0xFFFFFFFF;
	p2 =	slt.u32 s8, $0xFFFFF086  }
0x1c: {  	p1 =	slt.u32 s9, $0xF7A;
	s5 =	simm.s32 @!p2 $0x0  }
0x1d: {  	s5 =	simm.s32 @p1 $0x1;
	p0 =	seq.s32 s7, s2  }
0x1e: {  	s7 =	smul.u32 @!p0 $0xF7A, s2;
	p2 =	seq.s32 @!p0 s5, $0x0  }
0x1f: {  	s9 =	smul.u32 $0xF7A, s1;
	s8 =	simm.s32 @!p0 $0x1BF5;
	p2 =	por !p2, p0  }
0x20: {  	[sflag:s8] =	ssyncset.s32 @!p0 $0xFFFFF086;
	s6 =	sadd.s32 @!p0 s3, s7;
	s7 =	simm.s32 @!p0 $0x108  }
0x21: {  	s3 =	sadd.s32 s3, s9;
	s6 =	sadd.s32 @!p0 $0x88, s6;
	s7 =	simm.s32 @p2 $0x1082  }
0x22: {  	[simem:s7], [sflag:s8] =	dma.local @!p0 [hbm:s6], $0xF7A  }
0x23: {  	s9 =	sor.u32 $0xD0000000, s2;
	s6 =	simm.s32 $0x108;
	_ =	swait.ge @!p0 [sflag:s8], $0x0  }
0x24: {  	s3 =	sadd.s32 $0x88, s3;
	s6 =	simm.s32 @!p1 $0x1082;
	[sflag:s4] =	ssyncset.s32 $0xFFFFF086  }
0x25: {  	[simem:s6], [sflag:s4] =	dma.local [hbm:s3], $0xF7A  }
0x26: {  	[smem:$0x3F95] =	sst s1;
	(tag) =	ssettag s2;
	_ =	strace s9  }
0x27: {  	s1 =	sld [smem:$0x3FA5]  }
0x28: {  	s2 =	sld [smem:$0x3FA6]  }
0x29: {  	s4 =	sld [smem:$0x3FA8]  }
0x2a: {  	p0 =	seq.s32 s5, $0x0;
	s5 =	sld [smem:$0x3FA9]  }
0x2b: {  	s6 =	sld [smem:$0x3FAA]  }
0x2c: {  	s7 =	sld [smem:$0x3FAB]  }
0x2d: {  	s3 =	simm.s32 $0x108;
	s8 =	sld [smem:$0x3FAC]  }
0x2e: {  	s3 =	simm.s32 @!p0 $0x1082;
	s9 =	sld [smem:$0x3FAD]  }
0x2f: {  	lr =	sadd.s32 s0, s3;
	s0 =	sld [smem:$0x3FA4]  }
0x30: {  	s3 =	sld [smem:$0x3FA7]  }
0x31: {  	[smem:$0x3FB0] =	sst s10  }
0x32: {  	s10 =	sld [smem:$0x3FAE];
	_ =	sdelay $0x3  }
0x33: {  	p0 =	seq.s32 s10, $0x1;
	s10 =	sld [smem:$0x3FB0];
	_ =	sdelay $0x3  }
0x34: {  	[smem:$0x3FB0] =	sst s10  }
0x35: {  	s10 =	sld [smem:$0x3FAF];
	_ =	sdelay $0x3  }
0x36: {  	p1 =	seq.s32 s10, $0x1;
	s10 =	sld [smem:$0x3FB0];
	_ =	sdelay $0x3  }
0x37: {  	[smem:$0x3FB0] =	sst s10  }
0x38: {  	s10 =	sld [smem:$0x3FB1]  }
0x39: {  	_ = 	snop;
	(pc) =	sbr.ind lr, $3  }
0x3a: {  	_ = 	snop  }
0x3b: {  	_ = 	snop  }
0x3c: {  	p2 =	seq.s32 s10, $0x1;
	s10 =	sld [smem:$0x3FB0]  }
0x3d: {  	_ =	shalt  }
0x3e: {  	_ =	shalt  }
0x3f: {  	_ =	shalt  }
0x40: {  	_ =	shalt  }
0x41: {  	_ =	shalt  }
0x42: {  	_ =	shalt  }
0x43: {  	_ =	shalt  }
0x44: {  	_ =	shalt  }
0x45: {  	_ =	shalt  }
0x46: {  	_ =	shalt  }
0x47: {  	_ =	shalt  }
0x48: {  	_ =	shalt  }
0x49: {  	_ =	shalt  }
0x4a: {  	_ =	shalt  }
0x4b: {  	_ =	shalt  }
0x4c: {  	_ =	shalt  }
0x4d: {  	_ =	shalt  }
0x4e: {  	_ =	shalt  }
0x4f: {  	_ =	shalt  }
0x50: {  	_ =	shalt  }
0x51: {  	_ =	shalt  }
0x52: {  	_ =	shalt  }
0x53: {  	_ =	shalt  }
0x54: {  	_ =	shalt  }
0x55: {  	_ =	shalt  }
0x56: {  	_ =	shalt  }
0x57: {  	_ =	shalt  }
0x58: {  	_ =	shalt  }
0x59: {  	_ =	shalt  }
0x5a: {  	_ =	shalt  }
0x5b: {  	_ =	shalt  }
0x5c: {  	_ =	shalt  }
0x5d: {  	_ =	shalt  }
0x5e: {  	_ =	shalt  }
0x5f: {  	_ =	shalt  }
0x60: {  	_ =	shalt  }
0x61: {  	_ =	shalt  }
0x62: {  	_ =	shalt  }
0x63: {  	_ =	shalt  }
0x64: {  	_ =	shalt  }
0x65: {  	_ =	shalt  }
0x66: {  	_ =	shalt  }
0x67: {  	_ =	shalt  }
0x68: {  	_ =	shalt  }
0x69: {  	_ =	shalt  }
0x6a: {  	_ =	shalt  }
0x6b: {  	_ =	shalt  }
0x6c: {  	_ =	shalt  }
0x6d: {  	_ =	shalt  }
0x6e: {  	_ =	shalt  }
0x6f: {  	_ =	shalt  }
0x70: {  	_ =	shalt  }
0x71: {  	_ =	shalt  }
0x72: {  	_ =	shalt  }
0x73: {  	_ =	shalt  }
0x74: {  	_ =	shalt  }
0x75: {  	_ =	shalt  }
0x76: {  	_ =	shalt  }
0x77: {  	_ =	shalt  }
0x78: {  	_ =	shalt  }
0x79: {  	_ =	shalt  }
0x7a: {  	_ =	shalt  }
0x7b: {  	_ =	shalt  }
0x7c: {  	_ =	shalt  }
0x7d: {  	_ =	shalt  }
0x7e: {  	_ =	shalt  }
0x7f: {  	_ =	shalt  }
0x80: {  	_ =	shalt  }
0x81: {  	_ =	shalt  }
0x82: {  	_ =	shalt  }
0x83: {  	_ =	shalt  }
0x84: {  	_ =	shalt  }
0x85: {  	_ =	shalt  }
0x86: {  	_ =	shalt  }
0x87: {  	_ =	shalt  }
.Lfunc_end0:
.L_simem_size_0:
called_computation.1_lowered:
.L_overlay_start_0:
0x88: {  	s2 =	sld [smem:$0x3FD9]  }
0x89: {  	s3 =	sld [smem:$0x3FFE];
	_ =	sdelay $0x1  }
0x8a: {  	s1 =	srdreg.scid  }
0x8b: {  	s0 =	sand.u32 $0x1, s1  }
0x8c: {  	s16 =	sshll.u32 s0, $0xA;
	s2 =	sadd.s32 s3, s2  }
0x8d: {  	s2 =	sadd.s32 s2, s16  }
0x8e: {  	[smem:$0x3FBC] =	sst s2  }
0x8f: {  	_ = 	snop  }
0x90: {  	(tm) =	ssettm $0x1  }
0x91: {  	s17 =	sld [smem:$0x3FFB];
	_ =	sdelay $0x3  }
0x92: {  	_ =	strace s17  }
0x93: {  	s2 =	sld [smem:$0x3FFC];
	_ =	sdelay $0x3  }
0x94: {  	_ =	strace s2  }
0x95: {  	s2 =	sld [smem:$0x3FFD];
	_ =	sdelay $0x3  }
0x96: {  	_ =	strace s2  }
0x97: {  	_ =	strace $0x8FFFFFFF  }
0x98: {  	s18 =	sld [smem:$0x3FDB];
	_ =	sdelay $0x1  }
0x99: {  	s19 =	simm.s32 $_scs_section_size  }
0x9a: {  	s4 =	simm.s32 $_size__tile_overlayer_lowered;
	s5 =	simm.s32 $_tile_overlayer_lowered  }
0x9b: {  	s22 =	simm.s32 $0x1BFF;
	s21 =	sshll.u32 s5, $0x1;
	s2 =	sadd.s32 s19, s18  }
0x9c: {  	s6 =	simm.s32 $0x0;
	s20 =	sshll.u32 s4, $0x1;
	s4 =	sadd.s32 s21, s2  }
0x9d: {  	[timem:s6], [sflag:s22] =	dma.local [hbm:s4], s20  }
0x9e: {  	_ =	swait.ge [sflag:s22], s20  }
0x9f: {  	s3 =	ssub.s32 $0x0, s20;
	[sflag:s22] =	ssyncset.done $0x0  }
0xa0: {  	[sflag:s22] =	ssyncadd.s32 s3;
	_ =	sdelay $0x1  }
0xa1: {  	s23 =	simm.s32 $0x1B8B  }
0xa2: {  	_ =	swait.ge [sflag:s23], $0x1  }
0xa3: {  	[sflag:s23] =	ssyncset.done $0x0  }
0xa4: {  	s25 =	simm.s32 $0x1B8E;
	s24 =	sld [smem:$0x3FFE];
	[sflag:s23] =	ssyncadd.s32 $0xFFFFFFFF  }
0xa5: {  	s26 =	simm.s32 $execute0_lowered;
	[smem:$0x3FD2] =	sst s25  }
0xa6: {  	s4 =	sshll.u32 s26, $0x1;
	_ =	strace $0x80000049;
	[dreg:$0x1] =	wrdreg $0xFFFFFFFF  }
0xa7: {  	s28 =	simm.s32 $_size_execute0_lowered;
	s2 =	sadd.s32 s2, s4;
	[dreg:$0x0] =	wrdreg $0x0  }
0xa8: {  	s4 =	sshll.u32 s28, $0x1;
	[dreg:$0x2] =	wrdreg s2  }
0xa9: {  	[dreg:$0x3] =	wrdreg s4  }
0xaa: {  	[dreg:$0x4] =	wrdreg $0xC0  }
0xab: {  	_ =	task [dreg:s6], $0x5FFFF  }
0xac: {  	[dreg:$0x1] =	wrdreg $0xFFFFFFFF  }
0xad: {  	[dreg:$0x0] =	wrdreg $0x60  }
0xae: {  	[dreg:$0x2] =	wrdreg s24  }
0xaf: {  	[dreg:$0x3] =	wrdreg $0x90000  }
0xb0: {  	[dreg:$0x4] =	wrdreg $0x9  }
0xb1: {  	_ =	task.clear_ibuf [dreg:s6], $0x5FFFF;
	_ =	strace $0x90000049  }
0xb2: {  	s29 =	simm.s32 $0x9;
	_ =	strace $0x8000004B  }
0xb3: {  	_ =	swait.ge [sflag:s29], $0x1  }
0xb4: {  	[sflag:s29] =	ssyncadd.s32 $0xFFFFFFFF  }
0xb5: {  	_ =	strace $0x9000004B  }
0xb6: {  	_ =	sfence  }
0xb7: {  	s30 =	sld [smem:$0x0];
	_ =	sdelay $0x2  }
0xb8: {  	s31 =	sshll.u32 s1, $0xD;
	s1 =	sshrl.u32 s1, $0x2  }
0xb9: {  	s3 =	sand.u32 $0x4000, s31;
	s1 =	sadd.s32 s1, s30  }
0xba: {  	s0 =	sor.u32 s3, s0;
	s1 =	sshll.u32 s1, $0x11  }
0xbb: {  	s0 =	sor.u32 s1, s0  }
0xbc: {  	s0 =	sadd.s32 $0x8F2B, s0  }
0xbd: {  	[sflag:s0] =	ssyncadd.remote.s32 $0x1  }
0xbe: {  	_ =	sfence.sel $0xFFFF  }
0xbf: {  	[dreg:$0x0] =	wrdreg $0xFFFFFFFF;
	(pc) =	sbr.abs _section_cstart, $3  }
0xc0: {  	[dreg:$0x1] =	wrdreg $0xFFFFFFFF  }
0xc1: {  	_ =	task.clear_ibuf [dreg:s6], $0x2FFFF;
	_ =	strace $0x9FFFFFFF  }
0xc2: {  	(tm) =	ssettm $0x7FFFFFFF  }
0xc3: {  	_ =	shalt  }
tec
execute0_lowered:
.L_overlay_start_1:
0x0: {  	(tag) =	ssettag $0x1  }
0x1: {  	s0 =	srdreg.scid;
	s9 =	stileid.u32  }
0x2: {  	s1 =	rddreg [dreg:$0x0];
	s6 =	smul.u32 $0x14000, s9  }
0x3: {  	s2 =	rddreg [dreg:$0x1];
	s3 =	simm.s32 $0x0;
	s8 =	smul.u32 $0x5000, s9  }
0x4: {  	[smem:$0x7FF] =	sst s3;
	s26 =	smul.u32 $0x50000, s9;
	s9 =	simm.s32 $0x880  }
0x5: {  	s10 =	simm.s32 $0x100;
	_ =	strace $0x8000004A;
	[dreg:$0x4] =	wrdreg s9  }
0x6: {  	s12 =	simm.s32 $0x900;
	s14 =	simm.s32 $0x180;
	[dreg:$0x5] =	wrdreg s10  }
0x7: {  	s16 =	simm.s32 $0x980;
	s17 =	simm.s32 $0x200;
	[dreg:$0x6] =	wrdreg s12  }
0x8: {  	s18 =	simm.s32 $0xA00;
	s19 =	simm.s32 $0x280;
	[dreg:$0x7] =	wrdreg s14  }
0x9: {  	s20 =	simm.s32 $0xA80;
	s21 =	simm.s32 $0x300;
	[dreg:$0x8] =	wrdreg s16  }
0xa: {  	s28 =	simm.s32 $0xD80;
	s29 =	simm.s32 $0x600;
	[dreg:$0x9] =	wrdreg s17  }
0xb: {  	s30 =	simm.s32 $0xE00;
	s0 =	sand.u32 $0x1, s0;
	[dreg:$0xa] =	wrdreg s18  }
0xc: {  	s31 =	simm.s32 $0x680;
	s5 =	smul.u32 $0x140000, s0;
	[dreg:$0xb] =	wrdreg s19  }
0xd: {  	s4 =	sadd.s32 $0x28000, s1;
	s7 =	smul.u32 $0x50000, s0;
	[dreg:$0xc] =	wrdreg s20  }
0xe: {  	s0 =	ssub.s32 $0x2, s0;
	s14 =	simm.s32 $0x5;
	[dreg:$0xd] =	wrdreg s21  }
0xf: {  	s16 =	simm.s32 $0x80;
	s17 =	simm.s32 $0x1;
	s18 =	simm.s32 $0x5000  }
0x10: {  	s19 =	simm.s32 $0x2;
	s20 =	simm.s32 $0x3;
	s21 =	simm.s32 $0x4  }
0x11: {  	s25 =	sshrl.u32 s0, $0x1;
	s5 =	sadd.s32 s6, s5;
	s22 =	sadd.s32 s8, s7  }
0x12: {  	s0 =	ssub.s32 s0, s25;
	s8 =	sshrl.u32 s26, $0x2;
	s25 =	simm.s32 $0x400  }
0x13: {  	s26 =	simm.s32 $0xC00;
	s23 =	sshrl.u32 s5, $0x3;
	[dreg:$0x11] =	wrdreg s25  }
0x14: {  	s24 =	sshrl.u32 s22, $0x3;
	s0 =	smax.u32 s0, $0x1;
	[dreg:$0x12] =	wrdreg s26  }
0x15: {  	s22 =	simm.s32 $0xB00;
	s5 =	sadd.s32 s24, s1;
	[dreg:$0x19] =	wrdreg s0  }
0x16: {  	s1 =	sadd.s32 s23, s1;
	[dreg:$0xe] =	wrdreg s22;
	s23 =	simm.s32 $0x380  }
0x17: {  	s9 =	simm.s32 $0xF80;
	s24 =	simm.s32 $0xB80;
	[dreg:$0xf] =	wrdreg s23  }
0x18: {  	s10 =	simm.s32 $0x0;
	s7 =	sadd.s32 $0x14000, s5;
	[dreg:$0x10] =	wrdreg s24  }
0x19: {  	s25 =	simm.s32 $0xD00;
	s1 =	sadd.s32 $0x76200, s1;
	[dreg:$0x3] =	wrdreg s7  }
0x1a: {  	s26 =	simm.s32 $0x580;
	s7 =	sadd.s32 s8, s2;
	[dreg:$0x18] =	wrdreg s1  }
0x1b: {  	s22 =	simm.s32 $0x480;
	s11 =	sadd.s32 $0x4000, s7;
	[dreg:$0x13] =	wrdreg s7  }
0x1c: {  	s0 =	simm.s32 $0x700;
	s13 =	sadd.s32 $0x8000, s7;
	[dreg:$0x14] =	wrdreg s11  }
0x1d: {  	s23 =	simm.s32 $0xC80;
	s15 =	sadd.s32 $0xC000, s7;
	[dreg:$0x15] =	wrdreg s13  }
0x1e: {  	s24 =	simm.s32 $0x500;
	s7 =	sadd.s32 $0x10000, s7;
	[dreg:$0x16] =	wrdreg s15  }
0x1f: {  	s1 =	simm.s32 $0xE80;
	s8 =	simm.s32 $0x780;
	[dreg:$0x17] =	wrdreg s7  }
0x20: {  	v0 =	vimm.f32 $0.0e+00;
	s13 =	simm.s32 $0x1000;
	s15 =	simm.s32 $0x800;
	s7 =	simm.s32 $0xF00  }
.LBB2_1:
0x21: {  	s11 =	simm.s32 $0x0;
	s12 =	simm.s32 $0x200  }
.LBB2_2:
0x22: {  	p0 =	sne.s32 s12, $0xFE00;
	[tilespmem:s11+$0x1070] =	vst v0  }
0x23: {  	[tilespmem:s11+$0x1000] =	vst v0  }
0x24: {  	[tilespmem:s11+$0x1010] =	vst v0  }
.Ltmp0:
0x25: {  	[tilespmem:s11+$0x1020] =	vst v0;
	(pc) =	sbr.rel @p0 .LBB2_2-.Ltmp0, $4  }
0x26: {  	[tilespmem:s11+$0x1030] =	vst v0  }
0x27: {  	[tilespmem:s11+$0x1040] =	vst v0  }
0x28: {  	[tilespmem:s11+$0x1050] =	vst v0  }
0x29: {  	[tilespmem:s11+$0x1060] =	vst v0;
	s11 =	sshra.s32 s12, $0x2;
	s12 =	sadd.s32 $0x200, s12  }
0x2a: {  	[tilespmem:s11+$0x1070] =	vst v0  }
0x2b: {  	[tilespmem:s11+$0x1000] =	vst v0  }
0x2c: {  	[tilespmem:s11+$0x1010] =	vst v0  }
0x2d: {  	[tilespmem:s11+$0x1020] =	vst v0  }
0x2e: {  	[tilespmem:s11+$0x1030] =	vst v0  }
0x2f: {  	[tilespmem:s11+$0x1040] =	vst v0  }
0x30: {  	[dreg:$0x1a] =	wrdreg s10;
	[tilespmem:s11+$0x1050] =	vst v0  }
0x31: {  	[tilespmem:s11+$0x1060] =	vst v0;
	s6 =	rddreg [dreg:$0x13]  }
0x32: {  	[spmem:s6] =	stream.linear.scatter [tilespmem:s13], [sflag:$0x5], $0x4000, $0x38;
	[tilespmem:$0x1D000] =	vst v63  }
0x33: {  	_ =	swait.ge [sflag:s14], $0x4000  }
0x34: {  	[sflag:s14] =	ssyncset.done $0x0  }
0x35: {  	s10 =	rddreg [dreg:$0x14];
	[sflag:s14] =	ssyncadd.s32 $0xFFFFC000  }
0x36: {  	[spmem:s10] =	stream.linear.scatter [tilespmem:s13], [sflag:$0x5], $0x4000, $0x38;
	[tilespmem:$0x1D000] =	vst v63  }
0x37: {  	_ =	swait.ge [sflag:s14], $0x4000  }
0x38: {  	[sflag:s14] =	ssyncset.done $0x0  }
0x39: {  	s11 =	rddreg [dreg:$0x15];
	[sflag:s14] =	ssyncadd.s32 $0xFFFFC000  }
0x3a: {  	[spmem:s11] =	stream.linear.scatter [tilespmem:s13], [sflag:$0x5], $0x4000, $0x38;
	[tilespmem:$0x1D000] =	vst v63  }
0x3b: {  	_ =	swait.ge [sflag:s14], $0x4000  }
0x3c: {  	[sflag:s14] =	ssyncset.done $0x0  }
0x3d: {  	s12 =	rddreg [dreg:$0x16];
	[sflag:s14] =	ssyncadd.s32 $0xFFFFC000  }
0x3e: {  	[spmem:s12] =	stream.linear.scatter [tilespmem:s13], [sflag:$0x5], $0x4000, $0x38;
	[tilespmem:$0x1D000] =	vst v63  }
0x3f: {  	_ =	swait.ge [sflag:s14], $0x4000  }
0x40: {  	[sflag:s14] =	ssyncset.done $0x0  }
0x41: {  	s10 =	rddreg [dreg:$0x17];
	[sflag:s14] =	ssyncadd.s32 $0xFFFFC000  }
0x42: {  	[spmem:s10] =	stream.linear.scatter [tilespmem:s13], [sflag:$0x5], $0x4000, $0x38;
	[tilespmem:$0x1D000] =	vst v63  }
0x43: {  	_ =	swait.ge [sflag:s14], $0x4000  }
0x44: {  	[sflag:s14] =	ssyncset.done $0x0  }
0x45: {  	[sflag:s14] =	ssyncadd.s32 $0xFFFFC000  }
0x46: {  	[bflag:$0x0] =	sbarrier.arrive $0xFFFF  }
0x47: {  	s11 =	rddreg [dreg:$0x3]  }
0x48: {  	s6 =	sadd.s32 $0x0, s11  }
0x49: {  	[tilespmem:s3], [sflag:$0x5] =	stream.linear.gather [hbm4b:s6+s3], $0x800, $0x38;
	[tilespmem:$0x1D000] =	vst v63  }
0x4a: {  	_ =	swait.ge [sflag:s14], $0x800  }
0x4b: {  	[sflag:s14] =	ssyncset.done $0x0  }
0x4c: {  	s12 =	sadd.s32 $0x0, s5;
	[sflag:s14] =	ssyncadd.s32 $0xFFFFF800  }
0x4d: {  	[tilespmem:s15], [sflag:$0x5] =	stream.linear.gather [hbm4b:s12+s3], $0x800, $0x38;
	[tilespmem:$0x1D000] =	vst v63  }
0x4e: {  	_ =	swait.ge [sflag:s14], $0x800  }
0x4f: {  	[sflag:s14] =	ssyncset.done $0x0  }
0x50: {  	[sflag:s14] =	ssyncadd.s32 $0xFFFFF800  }
0x51: {  	[tilespmem:s13], [sflag:$0x1] =	stream.indirect.gather [hbm4b:s4+s16], $0x80, s3, s16, $0xb8;
	[tilespmem:$0x1D000] =	vst v63  }
0x52: {  	_ =	swait.ge [sflag:s17], $0x4000  }
0x53: {  	[sflag:s17] =	ssyncset.done $0x0  }
0x54: {  	[sflag:s17] =	ssyncadd.s32 $0xFFFFC000  }
0x55: {  	[spmem:s2] =	stream.indirect.scatter.add.f32 [tilespmem:s13], [sflag:$0x3], $0x80, s15, s16, $0xb8;
	[tilespmem:$0x1D000] =	vst v63  }
0x56: {  	_ = 	snop  }
0x57: {  	[tilespmem:s18], [sflag:$0x2] =	stream.indirect.gather [hbm4b:s4+s16], $0x80, s16, s16, $0xb8;
	[tilespmem:$0x1D000] =	vst v63  }
0x58: {  	_ =	swait.ge [sflag:s19], $0x4000  }
0x59: {  	[sflag:s19] =	ssyncset.done $0x0  }
0x5a: {  	s10 =	rddreg [dreg:$0x4];
	[sflag:s19] =	ssyncadd.s32 $0xFFFFC000  }
0x5b: {  	[spmem:s2] =	stream.indirect.scatter.add.f32 [tilespmem:s18], [sflag:$0x4], $0x80, s10, s16, $0xb8;
	[tilespmem:$0x1D000] =	vst v63  }
0x5c: {  	_ =	swait.ge [sflag:s20], $0x4000  }
0x5d: {  	[sflag:s20] =	ssyncset.done $0x0  }
0x5e: {  	s11 =	rddreg [dreg:$0x5];
	[sflag:s20] =	ssyncadd.s32 $0xFFFFC000  }
0x5f: {  	[tilespmem:s13], [sflag:$0x1] =	stream.indirect.gather [hbm4b:s4+s16], $0x80, s11, s16, $0xb8;
	[tilespmem:$0x1D000] =	vst v63  }
0x60: {  	_ =	swait.ge [sflag:s17], $0x4000  }
0x61: {  	[sflag:s17] =	ssyncset.done $0x0  }
0x62: {  	s12 =	rddreg [dreg:$0x6];
	[sflag:s17] =	ssyncadd.s32 $0xFFFFC000  }
0x63: {  	[spmem:s2] =	stream.indirect.scatter.add.f32 [tilespmem:s13], [sflag:$0x3], $0x80, s12, s16, $0xb8;
	[tilespmem:$0x1D000] =	vst v63  }
0x64: {  	_ =	swait.ge [sflag:s21], $0x4000  }
0x65: {  	[sflag:s21] =	ssyncset.done $0x0  }
0x66: {  	s10 =	rddreg [dreg:$0x7];
	[sflag:s21] =	ssyncadd.s32 $0xFFFFC000  }
0x67: {  	[tilespmem:s18], [sflag:$0x2] =	stream.indirect.gather [hbm4b:s4+s16], $0x80, s10, s16, $0xb8;
	[tilespmem:$0x1D000] =	vst v63  }
0x68: {  	_ =	swait.ge [sflag:s19], $0x4000  }
0x69: {  	[sflag:s19] =	ssyncset.done $0x0  }
0x6a: {  	s11 =	rddreg [dreg:$0x8];
	[sflag:s19] =	ssyncadd.s32 $0xFFFFC000  }
0x6b: {  	[spmem:s2] =	stream.indirect.scatter.add.f32 [tilespmem:s18], [sflag:$0x4], $0x80, s11, s16, $0xb8;
	[tilespmem:$0x1D000] =	vst v63  }
0x6c: {  	_ =	swait.ge [sflag:s20], $0x4000  }
0x6d: {  	[sflag:s20] =	ssyncset.done $0x0  }
0x6e: {  	s12 =	rddreg [dreg:$0x9];
	[sflag:s20] =	ssyncadd.s32 $0xFFFFC000  }
0x6f: {  	[tilespmem:s13], [sflag:$0x1] =	stream.indirect.gather [hbm4b:s4+s16], $0x80, s12, s16, $0xb8;
	[tilespmem:$0x1D000] =	vst v63  }
0x70: {  	_ =	swait.ge [sflag:s17], $0x4000  }
0x71: {  	[sflag:s17] =	ssyncset.done $0x0  }
0x72: {  	s10 =	rddreg [dreg:$0xa];
	[sflag:s17] =	ssyncadd.s32 $0xFFFFC000  }
0x73: {  	[spmem:s2] =	stream.indirect.scatter.add.f32 [tilespmem:s13], [sflag:$0x3], $0x80, s10, s16, $0xb8;
	[tilespmem:$0x1D000] =	vst v63  }
0x74: {  	_ =	swait.ge [sflag:s21], $0x4000  }
0x75: {  	[sflag:s21] =	ssyncset.done $0x0  }
0x76: {  	s11 =	rddreg [dreg:$0xb];
	[sflag:s21] =	ssyncadd.s32 $0xFFFFC000  }
0x77: {  	[tilespmem:s18], [sflag:$0x2] =	stream.indirect.gather [hbm4b:s4+s16], $0x80, s11, s16, $0xb8;
	[tilespmem:$0x1D000] =	vst v63  }
0x78: {  	_ =	swait.ge [sflag:s19], $0x4000  }
0x79: {  	[sflag:s19] =	ssyncset.done $0x0  }
0x7a: {  	s12 =	rddreg [dreg:$0xc];
	[sflag:s19] =	ssyncadd.s32 $0xFFFFC000  }
0x7b: {  	[spmem:s2] =	stream.indirect.scatter.add.f32 [tilespmem:s18], [sflag:$0x4], $0x80, s12, s16, $0xb8;
	[tilespmem:$0x1D000] =	vst v63  }
0x7c: {  	_ =	swait.ge [sflag:s20], $0x4000  }
0x7d: {  	[sflag:s20] =	ssyncset.done $0x0  }
0x7e: {  	s10 =	rddreg [dreg:$0xd];
	[sflag:s20] =	ssyncadd.s32 $0xFFFFC000  }
0x7f: {  	[tilespmem:s13], [sflag:$0x1] =	stream.indirect.gather [hbm4b:s4+s16], $0x80, s10, s16, $0xb8;
	[tilespmem:$0x1D000] =	vst v63  }
0x80: {  	_ =	swait.ge [sflag:s17], $0x4000  }
0x81: {  	[sflag:s17] =	ssyncset.done $0x0  }
0x82: {  	s11 =	rddreg [dreg:$0xe];
	[sflag:s17] =	ssyncadd.s32 $0xFFFFC000  }
0x83: {  	[spmem:s2] =	stream.indirect.scatter.add.f32 [tilespmem:s13], [sflag:$0x3], $0x80, s11, s16, $0xb8;
	[tilespmem:$0x1D000] =	vst v63  }
0x84: {  	_ =	swait.ge [sflag:s21], $0x4000  }
0x85: {  	[sflag:s21] =	ssyncset.done $0x0  }
0x86: {  	s12 =	rddreg [dreg:$0xf];
	[sflag:s21] =	ssyncadd.s32 $0xFFFFC000  }
0x87: {  	[tilespmem:s18], [sflag:$0x2] =	stream.indirect.gather [hbm4b:s4+s16], $0x80, s12, s16, $0xb8;
	[tilespmem:$0x1D000] =	vst v63  }
0x88: {  	_ =	swait.ge [sflag:s19], $0x4000  }
0x89: {  	[sflag:s19] =	ssyncset.done $0x0  }
0x8a: {  	s10 =	rddreg [dreg:$0x10];
	[sflag:s19] =	ssyncadd.s32 $0xFFFFC000  }
0x8b: {  	[spmem:s2] =	stream.indirect.scatter.add.f32 [tilespmem:s18], [sflag:$0x4], $0x80, s10, s16, $0xb8;
	[tilespmem:$0x1D000] =	vst v63  }
0x8c: {  	_ =	swait.ge [sflag:s20], $0x4000  }
0x8d: {  	[sflag:s20] =	ssyncset.done $0x0  }
0x8e: {  	s11 =	rddreg [dreg:$0x11];
	[sflag:s20] =	ssyncadd.s32 $0xFFFFC000  }
0x8f: {  	[tilespmem:s13], [sflag:$0x1] =	stream.indirect.gather [hbm4b:s4+s16], $0x80, s11, s16, $0xb8;
	[tilespmem:$0x1D000] =	vst v63  }
0x90: {  	_ =	swait.ge [sflag:s17], $0x4000  }
0x91: {  	[sflag:s17] =	ssyncset.done $0x0  }
0x92: {  	s12 =	rddreg [dreg:$0x12];
	[sflag:s17] =	ssyncadd.s32 $0xFFFFC000  }
0x93: {  	[spmem:s2] =	stream.indirect.scatter.add.f32 [tilespmem:s13], [sflag:$0x3], $0x80, s12, s16, $0xb8;
	[tilespmem:$0x1D000] =	vst v63  }
0x94: {  	_ =	swait.ge [sflag:s21], $0x4000  }
0x95: {  	[sflag:s21] =	ssyncset.done $0x0  }
0x96: {  	[sflag:s21] =	ssyncadd.s32 $0xFFFFC000  }
0x97: {  	[tilespmem:s18], [sflag:$0x2] =	stream.indirect.gather [hbm4b:s4+s16], $0x80, s22, s16, $0xb8;
	[tilespmem:$0x1D000] =	vst v63  }
0x98: {  	_ =	swait.ge [sflag:s19], $0x4000  }
0x99: {  	[sflag:s19] =	ssyncset.done $0x0  }
0x9a: {  	[sflag:s19] =	ssyncadd.s32 $0xFFFFC000  }
0x9b: {  	[spmem:s2] =	stream.indirect.scatter.add.f32 [tilespmem:s18], [sflag:$0x4], $0x80, s23, s16, $0xb8;
	[tilespmem:$0x1D000] =	vst v63  }
0x9c: {  	_ =	swait.ge [sflag:s20], $0x4000  }
0x9d: {  	[sflag:s20] =	ssyncset.done $0x0  }
0x9e: {  	[sflag:s20] =	ssyncadd.s32 $0xFFFFC000  }
0x9f: {  	[tilespmem:s13], [sflag:$0x1] =	stream.indirect.gather [hbm4b:s4+s16], $0x80, s24, s16, $0xb8;
	[tilespmem:$0x1D000] =	vst v63  }
0xa0: {  	_ =	swait.ge [sflag:s17], $0x4000  }
0xa1: {  	[sflag:s17] =	ssyncset.done $0x0  }
0xa2: {  	[sflag:s17] =	ssyncadd.s32 $0xFFFFC000  }
0xa3: {  	[spmem:s2] =	stream.indirect.scatter.add.f32 [tilespmem:s13], [sflag:$0x3], $0x80, s25, s16, $0xb8;
	[tilespmem:$0x1D000] =	vst v63  }
0xa4: {  	_ =	swait.ge [sflag:s21], $0x4000  }
0xa5: {  	[sflag:s21] =	ssyncset.done $0x0  }
0xa6: {  	[sflag:s21] =	ssyncadd.s32 $0xFFFFC000  }
0xa7: {  	[tilespmem:s18], [sflag:$0x2] =	stream.indirect.gather [hbm4b:s4+s16], $0x80, s26, s16, $0xb8;
	[tilespmem:$0x1D000] =	vst v63  }
0xa8: {  	_ =	swait.ge [sflag:s19], $0x4000  }
0xa9: {  	[sflag:s19] =	ssyncset.done $0x0  }
0xaa: {  	[sflag:s19] =	ssyncadd.s32 $0xFFFFC000  }
0xab: {  	[spmem:s2] =	stream.indirect.scatter.add.f32 [tilespmem:s18], [sflag:$0x4], $0x80, s28, s16, $0xb8;
	[tilespmem:$0x1D000] =	vst v63  }
0xac: {  	_ =	swait.ge [sflag:s20], $0x4000  }
0xad: {  	[sflag:s20] =	ssyncset.done $0x0  }
0xae: {  	[sflag:s20] =	ssyncadd.s32 $0xFFFFC000  }
0xaf: {  	[tilespmem:s13], [sflag:$0x1] =	stream.indirect.gather [hbm4b:s4+s16], $0x80, s29, s16, $0xb8;
	[tilespmem:$0x1D000] =	vst v63  }
0xb0: {  	_ =	swait.ge [sflag:s17], $0x4000  }
0xb1: {  	[sflag:s17] =	ssyncset.done $0x0  }
0xb2: {  	[sflag:s17] =	ssyncadd.s32 $0xFFFFC000  }
0xb3: {  	[spmem:s2] =	stream.indirect.scatter.add.f32 [tilespmem:s13], [sflag:$0x3], $0x80, s30, s16, $0xb8;
	[tilespmem:$0x1D000] =	vst v63  }
0xb4: {  	_ =	swait.ge [sflag:s21], $0x4000  }
0xb5: {  	[sflag:s21] =	ssyncset.done $0x0  }
0xb6: {  	[sflag:s21] =	ssyncadd.s32 $0xFFFFC000  }
0xb7: {  	[tilespmem:s18], [sflag:$0x2] =	stream.indirect.gather [hbm4b:s4+s16], $0x80, s31, s16, $0xb8;
	[tilespmem:$0x1D000] =	vst v63  }
0xb8: {  	_ =	swait.ge [sflag:s19], $0x4000  }
0xb9: {  	[sflag:s19] =	ssyncset.done $0x0  }
0xba: {  	[sflag:s19] =	ssyncadd.s32 $0xFFFFC000  }
0xbb: {  	[spmem:s2] =	stream.indirect.scatter.add.f32 [tilespmem:s18], [sflag:$0x4], $0x80, s1, s16, $0xb8;
	[tilespmem:$0x1D000] =	vst v63  }
0xbc: {  	_ =	swait.ge [sflag:s20], $0x4000  }
0xbd: {  	[sflag:s20] =	ssyncset.done $0x0  }
0xbe: {  	[sflag:s20] =	ssyncadd.s32 $0xFFFFC000  }
0xbf: {  	[tilespmem:s13], [sflag:$0x1] =	stream.indirect.gather [hbm4b:s4+s16], $0x80, s0, s16, $0xb8;
	[tilespmem:$0x1D000] =	vst v63  }
0xc0: {  	_ =	swait.ge [sflag:s17], $0x4000  }
0xc1: {  	[sflag:s17] =	ssyncset.done $0x0  }
0xc2: {  	[sflag:s17] =	ssyncadd.s32 $0xFFFFC000  }
0xc3: {  	[spmem:s2] =	stream.indirect.scatter.add.f32 [tilespmem:s13], [sflag:$0x3], $0x80, s7, s16, $0xb8;
	[tilespmem:$0x1D000] =	vst v63  }
0xc4: {  	_ =	swait.ge [sflag:s21], $0x4000  }
0xc5: {  	[sflag:s21] =	ssyncset.done $0x0  }
0xc6: {  	[sflag:s21] =	ssyncadd.s32 $0xFFFFC000  }
0xc7: {  	[tilespmem:s18], [sflag:$0x2] =	stream.indirect.gather [hbm4b:s4+s16], $0x80, s8, s16, $0xb8;
	[tilespmem:$0x1D000] =	vst v63  }
0xc8: {  	_ =	swait.ge [sflag:s19], $0x4000  }
0xc9: {  	[sflag:s19] =	ssyncset.done $0x0  }
0xca: {  	[sflag:s19] =	ssyncadd.s32 $0xFFFFC000  }
0xcb: {  	[spmem:s2] =	stream.indirect.scatter.add.f32 [tilespmem:s18], [sflag:$0x4], $0x80, s9, s16, $0xb8;
	[tilespmem:$0x1D000] =	vst v63  }
0xcc: {  	_ =	swait.ge [sflag:s20], $0x4000  }
0xcd: {  	[sflag:s20] =	ssyncset.done $0x0  }
0xce: {  	[sflag:s20] =	ssyncadd.s32 $0xFFFFC000  }
0xcf: {  	s11 =	simm.s32 $0x100;
	_ =	swait.ge [sflag:s21], $0x4000  }
0xd0: {  	s12 =	simm.s32 $0x200;
	s6 =	rddreg [dreg:$0x3];
	[sflag:s21] =	ssyncset.done $0x0  }
.LBB2_4:
0xd1: {  	[sflag:s21] =	ssyncadd.s32 $0xFFFFC000;
	s6 =	sadd.s32 s11, s6  }
0xd2: {  	[tilespmem:s3], [sflag:$0x5] =	stream.linear.gather [hbm4b:s6+s3], $0x800, $0x38;
	[tilespmem:$0x1D000] =	vst v63  }
0xd3: {  	_ =	swait.ge [sflag:s14], $0x800  }
0xd4: {  	[sflag:s14] =	ssyncset.done $0x0  }
0xd5: {  	s6 =	sadd.s32 s11, s5;
	[sflag:s14] =	ssyncadd.s32 $0xFFFFF800  }
0xd6: {  	[tilespmem:s15], [sflag:$0x5] =	stream.linear.gather [hbm4b:s6+s3], $0x800, $0x38;
	[tilespmem:$0x1D000] =	vst v63  }
0xd7: {  	_ =	swait.ge [sflag:s14], $0x800  }
0xd8: {  	[sflag:s14] =	ssyncset.done $0x0  }
0xd9: {  	[sflag:s14] =	ssyncadd.s32 $0xFFFFF800  }
0xda: {  	[tilespmem:s13], [sflag:$0x1] =	stream.indirect.gather [hbm4b:s4+s16], $0x80, s3, s16, $0xb8;
	[tilespmem:$0x1D000] =	vst v63  }
0xdb: {  	_ =	swait.ge [sflag:s17], $0x4000  }
0xdc: {  	[sflag:s17] =	ssyncset.done $0x0  }
0xdd: {  	[sflag:s17] =	ssyncadd.s32 $0xFFFFC000  }
0xde: {  	[spmem:s2] =	stream.indirect.scatter.add.f32 [tilespmem:s13], [sflag:$0x3], $0x80, s15, s16, $0xb8;
	[tilespmem:$0x1D000] =	vst v63  }
0xdf: {  	_ = 	snop  }
0xe0: {  	[tilespmem:s18], [sflag:$0x2] =	stream.indirect.gather [hbm4b:s4+s16], $0x80, s16, s16, $0xb8;
	[tilespmem:$0x1D000] =	vst v63  }
0xe1: {  	_ =	swait.ge [sflag:s19], $0x4000  }
0xe2: {  	s10 =	smov.u32 s12;
	[sflag:s19] =	ssyncset.done $0x0  }
0xe3: {  	s11 =	smov.u32 s10;
	s10 =	rddreg [dreg:$0x4];
	[sflag:s19] =	ssyncadd.s32 $0xFFFFC000  }
0xe4: {  	[spmem:s2] =	stream.indirect.scatter.add.f32 [tilespmem:s18], [sflag:$0x4], $0x80, s10, s16, $0xb8;
	[tilespmem:$0x1D000] =	vst v63  }
0xe5: {  	_ =	swait.ge [sflag:s20], $0x4000  }
0xe6: {  	[sflag:s20] =	ssyncset.done $0x0  }
0xe7: {  	s10 =	rddreg [dreg:$0x5];
	[sflag:s20] =	ssyncadd.s32 $0xFFFFC000  }
0xe8: {  	[tilespmem:s13], [sflag:$0x1] =	stream.indirect.gather [hbm4b:s4+s16], $0x80, s10, s16, $0xb8;
	[tilespmem:$0x1D000] =	vst v63  }
0xe9: {  	_ =	swait.ge [sflag:s17], $0x4000  }
0xea: {  	[sflag:s17] =	ssyncset.done $0x0  }
0xeb: {  	s10 =	rddreg [dreg:$0x6];
	[sflag:s17] =	ssyncadd.s32 $0xFFFFC000  }
0xec: {  	[spmem:s2] =	stream.indirect.scatter.add.f32 [tilespmem:s13], [sflag:$0x3], $0x80, s10, s16, $0xb8;
	[tilespmem:$0x1D000] =	vst v63  }
0xed: {  	_ =	swait.ge [sflag:s21], $0x4000  }
0xee: {  	[sflag:s21] =	ssyncset.done $0x0  }
0xef: {  	s10 =	rddreg [dreg:$0x7];
	[sflag:s21] =	ssyncadd.s32 $0xFFFFC000  }
0xf0: {  	[tilespmem:s18], [sflag:$0x2] =	stream.indirect.gather [hbm4b:s4+s16], $0x80, s10, s16, $0xb8;
	[tilespmem:$0x1D000] =	vst v63  }
0xf1: {  	_ =	swait.ge [sflag:s19], $0x4000  }
0xf2: {  	[sflag:s19] =	ssyncset.done $0x0  }
0xf3: {  	s10 =	rddreg [dreg:$0x8];
	[sflag:s19] =	ssyncadd.s32 $0xFFFFC000  }
0xf4: {  	[spmem:s2] =	stream.indirect.scatter.add.f32 [tilespmem:s18], [sflag:$0x4], $0x80, s10, s16, $0xb8;
	[tilespmem:$0x1D000] =	vst v63  }
0xf5: {  	_ =	swait.ge [sflag:s20], $0x4000  }
0xf6: {  	[sflag:s20] =	ssyncset.done $0x0  }
0xf7: {  	s10 =	rddreg [dreg:$0x9];
	[sflag:s20] =	ssyncadd.s32 $0xFFFFC000  }
0xf8: {  	[tilespmem:s13], [sflag:$0x1] =	stream.indirect.gather [hbm4b:s4+s16], $0x80, s10, s16, $0xb8;
	[tilespmem:$0x1D000] =	vst v63  }
0xf9: {  	_ =	swait.ge [sflag:s17], $0x4000  }
0xfa: {  	[sflag:s17] =	ssyncset.done $0x0  }
0xfb: {  	s10 =	rddreg [dreg:$0xa];
	[sflag:s17] =	ssyncadd.s32 $0xFFFFC000  }
0xfc: {  	[spmem:s2] =	stream.indirect.scatter.add.f32 [tilespmem:s13], [sflag:$0x3], $0x80, s10, s16, $0xb8;
	[tilespmem:$0x1D000] =	vst v63  }
0xfd: {  	_ =	swait.ge [sflag:s21], $0x4000  }
0xfe: {  	[sflag:s21] =	ssyncset.done $0x0  }
0xff: {  	s10 =	rddreg [dreg:$0xb];
	[sflag:s21] =	ssyncadd.s32 $0xFFFFC000  }
0x100: {  	[tilespmem:s18], [sflag:$0x2] =	stream.indirect.gather [hbm4b:s4+s16], $0x80, s10, s16, $0xb8;
	[tilespmem:$0x1D000] =	vst v63  }
0x101: {  	_ =	swait.ge [sflag:s19], $0x4000  }
0x102: {  	[sflag:s19] =	ssyncset.done $0x0  }
0x103: {  	s10 =	rddreg [dreg:$0xc];
	[sflag:s19] =	ssyncadd.s32 $0xFFFFC000  }
0x104: {  	[spmem:s2] =	stream.indirect.scatter.add.f32 [tilespmem:s18], [sflag:$0x4], $0x80, s10, s16, $0xb8;
	[tilespmem:$0x1D000] =	vst v63  }
0x105: {  	_ =	swait.ge [sflag:s20], $0x4000  }
0x106: {  	[sflag:s20] =	ssyncset.done $0x0  }
0x107: {  	s10 =	rddreg [dreg:$0xd];
	[sflag:s20] =	ssyncadd.s32 $0xFFFFC000  }
0x108: {  	[tilespmem:s13], [sflag:$0x1] =	stream.indirect.gather [hbm4b:s4+s16], $0x80, s10, s16, $0xb8;
	[tilespmem:$0x1D000] =	vst v63  }
0x109: {  	_ =	swait.ge [sflag:s17], $0x4000  }
0x10a: {  	[sflag:s17] =	ssyncset.done $0x0  }
0x10b: {  	s10 =	rddreg [dreg:$0xe];
	[sflag:s17] =	ssyncadd.s32 $0xFFFFC000  }
0x10c: {  	[spmem:s2] =	stream.indirect.scatter.add.f32 [tilespmem:s13], [sflag:$0x3], $0x80, s10, s16, $0xb8;
	[tilespmem:$0x1D000] =	vst v63  }
0x10d: {  	_ =	swait.ge [sflag:s21], $0x4000  }
0x10e: {  	[sflag:s21] =	ssyncset.done $0x0  }
0x10f: {  	s10 =	rddreg [dreg:$0xf];
	[sflag:s21] =	ssyncadd.s32 $0xFFFFC000  }
0x110: {  	[tilespmem:s18], [sflag:$0x2] =	stream.indirect.gather [hbm4b:s4+s16], $0x80, s10, s16, $0xb8;
	[tilespmem:$0x1D000] =	vst v63  }
0x111: {  	_ =	swait.ge [sflag:s19], $0x4000  }
0x112: {  	[sflag:s19] =	ssyncset.done $0x0  }
0x113: {  	s10 =	rddreg [dreg:$0x10];
	[sflag:s19] =	ssyncadd.s32 $0xFFFFC000  }
0x114: {  	[spmem:s2] =	stream.indirect.scatter.add.f32 [tilespmem:s18], [sflag:$0x4], $0x80, s10, s16, $0xb8;
	[tilespmem:$0x1D000] =	vst v63  }
0x115: {  	_ =	swait.ge [sflag:s20], $0x4000  }
0x116: {  	[sflag:s20] =	ssyncset.done $0x0  }
0x117: {  	s10 =	rddreg [dreg:$0x11];
	[sflag:s20] =	ssyncadd.s32 $0xFFFFC000  }
0x118: {  	[tilespmem:s13], [sflag:$0x1] =	stream.indirect.gather [hbm4b:s4+s16], $0x80, s10, s16, $0xb8;
	[tilespmem:$0x1D000] =	vst v63  }
0x119: {  	_ =	swait.ge [sflag:s17], $0x4000  }
0x11a: {  	[sflag:s17] =	ssyncset.done $0x0  }
0x11b: {  	s10 =	rddreg [dreg:$0x12];
	[sflag:s17] =	ssyncadd.s32 $0xFFFFC000  }
0x11c: {  	[spmem:s2] =	stream.indirect.scatter.add.f32 [tilespmem:s13], [sflag:$0x3], $0x80, s10, s16, $0xb8;
	[tilespmem:$0x1D000] =	vst v63  }
0x11d: {  	_ =	swait.ge [sflag:s21], $0x4000  }
0x11e: {  	[sflag:s21] =	ssyncset.done $0x0  }
0x11f: {  	[sflag:s21] =	ssyncadd.s32 $0xFFFFC000  }
0x120: {  	[tilespmem:s18], [sflag:$0x2] =	stream.indirect.gather [hbm4b:s4+s16], $0x80, s22, s16, $0xb8;
	[tilespmem:$0x1D000] =	vst v63  }
0x121: {  	_ =	swait.ge [sflag:s19], $0x4000  }
0x122: {  	[sflag:s19] =	ssyncset.done $0x0  }
0x123: {  	[sflag:s19] =	ssyncadd.s32 $0xFFFFC000  }
0x124: {  	[spmem:s2] =	stream.indirect.scatter.add.f32 [tilespmem:s18], [sflag:$0x4], $0x80, s23, s16, $0xb8;
	[tilespmem:$0x1D000] =	vst v63  }
0x125: {  	_ =	swait.ge [sflag:s20], $0x4000  }
0x126: {  	[sflag:s20] =	ssyncset.done $0x0  }
0x127: {  	[sflag:s20] =	ssyncadd.s32 $0xFFFFC000  }
0x128: {  	[tilespmem:s13], [sflag:$0x1] =	stream.indirect.gather [hbm4b:s4+s16], $0x80, s24, s16, $0xb8;
	[tilespmem:$0x1D000] =	vst v63  }
0x129: {  	_ =	swait.ge [sflag:s17], $0x4000  }
0x12a: {  	[sflag:s17] =	ssyncset.done $0x0  }
0x12b: {  	[sflag:s17] =	ssyncadd.s32 $0xFFFFC000  }
0x12c: {  	[spmem:s2] =	stream.indirect.scatter.add.f32 [tilespmem:s13], [sflag:$0x3], $0x80, s25, s16, $0xb8;
	[tilespmem:$0x1D000] =	vst v63  }
0x12d: {  	_ =	swait.ge [sflag:s21], $0x4000  }
0x12e: {  	[sflag:s21] =	ssyncset.done $0x0  }
0x12f: {  	[sflag:s21] =	ssyncadd.s32 $0xFFFFC000  }
0x130: {  	[tilespmem:s18], [sflag:$0x2] =	stream.indirect.gather [hbm4b:s4+s16], $0x80, s26, s16, $0xb8;
	[tilespmem:$0x1D000] =	vst v63  }
0x131: {  	_ =	swait.ge [sflag:s19], $0x4000  }
0x132: {  	[sflag:s19] =	ssyncset.done $0x0  }
0x133: {  	[sflag:s19] =	ssyncadd.s32 $0xFFFFC000  }
0x134: {  	[spmem:s2] =	stream.indirect.scatter.add.f32 [tilespmem:s18], [sflag:$0x4], $0x80, s28, s16, $0xb8;
	[tilespmem:$0x1D000] =	vst v63  }
0x135: {  	_ =	swait.ge [sflag:s20], $0x4000  }
0x136: {  	[sflag:s20] =	ssyncset.done $0x0  }
0x137: {  	[sflag:s20] =	ssyncadd.s32 $0xFFFFC000  }
0x138: {  	[tilespmem:s13], [sflag:$0x1] =	stream.indirect.gather [hbm4b:s4+s16], $0x80, s29, s16, $0xb8;
	[tilespmem:$0x1D000] =	vst v63  }
0x139: {  	_ =	swait.ge [sflag:s17], $0x4000  }
0x13a: {  	[sflag:s17] =	ssyncset.done $0x0  }
0x13b: {  	[sflag:s17] =	ssyncadd.s32 $0xFFFFC000  }
0x13c: {  	[spmem:s2] =	stream.indirect.scatter.add.f32 [tilespmem:s13], [sflag:$0x3], $0x80, s30, s16, $0xb8;
	[tilespmem:$0x1D000] =	vst v63  }
0x13d: {  	_ =	swait.ge [sflag:s21], $0x4000  }
0x13e: {  	[sflag:s21] =	ssyncset.done $0x0  }
0x13f: {  	[sflag:s21] =	ssyncadd.s32 $0xFFFFC000  }
0x140: {  	[tilespmem:s18], [sflag:$0x2] =	stream.indirect.gather [hbm4b:s4+s16], $0x80, s31, s16, $0xb8;
	[tilespmem:$0x1D000] =	vst v63  }
0x141: {  	_ =	swait.ge [sflag:s19], $0x4000  }
0x142: {  	[sflag:s19] =	ssyncset.done $0x0  }
0x143: {  	[sflag:s19] =	ssyncadd.s32 $0xFFFFC000  }
0x144: {  	[spmem:s2] =	stream.indirect.scatter.add.f32 [tilespmem:s18], [sflag:$0x4], $0x80, s1, s16, $0xb8;
	[tilespmem:$0x1D000] =	vst v63  }
0x145: {  	_ =	swait.ge [sflag:s20], $0x4000  }
0x146: {  	[sflag:s20] =	ssyncset.done $0x0  }
0x147: {  	[sflag:s20] =	ssyncadd.s32 $0xFFFFC000  }
0x148: {  	[tilespmem:s13], [sflag:$0x1] =	stream.indirect.gather [hbm4b:s4+s16], $0x80, s0, s16, $0xb8;
	[tilespmem:$0x1D000] =	vst v63  }
0x149: {  	_ =	swait.ge [sflag:s17], $0x4000  }
0x14a: {  	[sflag:s17] =	ssyncset.done $0x0  }
0x14b: {  	[sflag:s17] =	ssyncadd.s32 $0xFFFFC000  }
0x14c: {  	[spmem:s2] =	stream.indirect.scatter.add.f32 [tilespmem:s13], [sflag:$0x3], $0x80, s7, s16, $0xb8;
	[tilespmem:$0x1D000] =	vst v63  }
0x14d: {  	_ =	swait.ge [sflag:s21], $0x4000  }
0x14e: {  	[sflag:s21] =	ssyncset.done $0x0  }
0x14f: {  	[sflag:s21] =	ssyncadd.s32 $0xFFFFC000  }
0x150: {  	[tilespmem:s18], [sflag:$0x2] =	stream.indirect.gather [hbm4b:s4+s16], $0x80, s8, s16, $0xb8;
	[tilespmem:$0x1D000] =	vst v63  }
0x151: {  	_ =	swait.ge [sflag:s19], $0x4000  }
0x152: {  	[sflag:s19] =	ssyncset.done $0x0  }
0x153: {  	p0 =	sne.s32 s12, $0x900;
	[sflag:s19] =	ssyncadd.s32 $0xFFFFC000  }
0x154: {  	[spmem:s2] =	stream.indirect.scatter.add.f32 [tilespmem:s18], [sflag:$0x4], $0x80, s9, s16, $0xb8;
	[tilespmem:$0x1D000] =	vst v63  }
.Ltmp1:
0x155: {  	_ =	swait.ge [sflag:s20], $0x4000;
	(pc) =	sbr.rel @p0 .LBB2_4-.Ltmp1, $4  }
0x156: {  	[sflag:s20] =	ssyncset.done $0x0  }
0x157: {  	[sflag:s20] =	ssyncadd.s32 $0xFFFFC000  }
0x158: {  	_ =	swait.ge [sflag:s21], $0x4000  }
0x159: {  	s12 =	sadd.s32 $0x100, s12;
	s6 =	rddreg [dreg:$0x3];
	[sflag:s21] =	ssyncset.done $0x0  }
0x15a: {  	[sflag:s21] =	ssyncadd.s32 $0xFFFFC000;
	s6 =	sadd.s32 s11, s6  }
0x15b: {  	[tilespmem:s3], [sflag:$0x5] =	stream.linear.gather [hbm4b:s6+s3], $0x800, $0x38;
	[tilespmem:$0x1D000] =	vst v63  }
0x15c: {  	_ =	swait.ge [sflag:s14], $0x800  }
0x15d: {  	[sflag:s14] =	ssyncset.done $0x0  }
0x15e: {  	s10 =	sadd.s32 s11, s5;
	[sflag:s14] =	ssyncadd.s32 $0xFFFFF800  }
0x15f: {  	[tilespmem:s15], [sflag:$0x5] =	stream.linear.gather [hbm4b:s10+s3], $0x800, $0x38;
	[tilespmem:$0x1D000] =	vst v63  }
0x160: {  	_ =	swait.ge [sflag:s14], $0x800  }
0x161: {  	[sflag:s14] =	ssyncset.done $0x0  }
0x162: {  	[sflag:s14] =	ssyncadd.s32 $0xFFFFF800  }
0x163: {  	[tilespmem:s13], [sflag:$0x1] =	stream.indirect.gather [hbm4b:s4+s16], $0x80, s3, s16, $0xb8;
	[tilespmem:$0x1D000] =	vst v63  }
0x164: {  	_ =	swait.ge [sflag:s17], $0x4000  }
0x165: {  	[sflag:s17] =	ssyncset.done $0x0  }
0x166: {  	[sflag:s17] =	ssyncadd.s32 $0xFFFFC000  }
0x167: {  	[spmem:s2] =	stream.indirect.scatter.add.f32 [tilespmem:s13], [sflag:$0x3], $0x80, s15, s16, $0xb8;
	[tilespmem:$0x1D000] =	vst v63  }
0x168: {  	_ = 	snop  }
0x169: {  	[tilespmem:s18], [sflag:$0x2] =	stream.indirect.gather [hbm4b:s4+s16], $0x80, s16, s16, $0xb8;
	[tilespmem:$0x1D000] =	vst v63  }
0x16a: {  	_ =	swait.ge [sflag:s19], $0x4000  }
0x16b: {  	[sflag:s19] =	ssyncset.done $0x0  }
0x16c: {  	s11 =	rddreg [dreg:$0x4];
	[sflag:s19] =	ssyncadd.s32 $0xFFFFC000  }
0x16d: {  	[spmem:s2] =	stream.indirect.scatter.add.f32 [tilespmem:s18], [sflag:$0x4], $0x80, s11, s16, $0xb8;
	[tilespmem:$0x1D000] =	vst v63  }
0x16e: {  	_ =	swait.ge [sflag:s20], $0x4000  }
0x16f: {  	[sflag:s20] =	ssyncset.done $0x0  }
0x170: {  	s12 =	rddreg [dreg:$0x5];
	[sflag:s20] =	ssyncadd.s32 $0xFFFFC000  }
0x171: {  	[tilespmem:s13], [sflag:$0x1] =	stream.indirect.gather [hbm4b:s4+s16], $0x80, s12, s16, $0xb8;
	[tilespmem:$0x1D000] =	vst v63  }
0x172: {  	_ =	swait.ge [sflag:s17], $0x4000  }
0x173: {  	[sflag:s17] =	ssyncset.done $0x0  }
0x174: {  	s10 =	rddreg [dreg:$0x6];
	[sflag:s17] =	ssyncadd.s32 $0xFFFFC000  }
0x175: {  	[spmem:s2] =	stream.indirect.scatter.add.f32 [tilespmem:s13], [sflag:$0x3], $0x80, s10, s16, $0xb8;
	[tilespmem:$0x1D000] =	vst v63  }
0x176: {  	_ =	swait.ge [sflag:s21], $0x4000  }
0x177: {  	[sflag:s21] =	ssyncset.done $0x0  }
0x178: {  	s11 =	rddreg [dreg:$0x7];
	[sflag:s21] =	ssyncadd.s32 $0xFFFFC000  }
0x179: {  	[tilespmem:s18], [sflag:$0x2] =	stream.indirect.gather [hbm4b:s4+s16], $0x80, s11, s16, $0xb8;
	[tilespmem:$0x1D000] =	vst v63  }
0x17a: {  	_ =	swait.ge [sflag:s19], $0x4000  }
0x17b: {  	[sflag:s19] =	ssyncset.done $0x0  }
0x17c: {  	s12 =	rddreg [dreg:$0x8];
	[sflag:s19] =	ssyncadd.s32 $0xFFFFC000  }
0x17d: {  	[spmem:s2] =	stream.indirect.scatter.add.f32 [tilespmem:s18], [sflag:$0x4], $0x80, s12, s16, $0xb8;
	[tilespmem:$0x1D000] =	vst v63  }
0x17e: {  	_ =	swait.ge [sflag:s20], $0x4000  }
0x17f: {  	[sflag:s20] =	ssyncset.done $0x0  }
0x180: {  	s10 =	rddreg [dreg:$0x9];
	[sflag:s20] =	ssyncadd.s32 $0xFFFFC000  }
0x181: {  	[tilespmem:s13], [sflag:$0x1] =	stream.indirect.gather [hbm4b:s4+s16], $0x80, s10, s16, $0xb8;
	[tilespmem:$0x1D000] =	vst v63  }
0x182: {  	_ =	swait.ge [sflag:s17], $0x4000  }
0x183: {  	[sflag:s17] =	ssyncset.done $0x0  }
0x184: {  	s11 =	rddreg [dreg:$0xa];
	[sflag:s17] =	ssyncadd.s32 $0xFFFFC000  }
0x185: {  	[spmem:s2] =	stream.indirect.scatter.add.f32 [tilespmem:s13], [sflag:$0x3], $0x80, s11, s16, $0xb8;
	[tilespmem:$0x1D000] =	vst v63  }
0x186: {  	_ =	swait.ge [sflag:s21], $0x4000  }
0x187: {  	[sflag:s21] =	ssyncset.done $0x0  }
0x188: {  	s12 =	rddreg [dreg:$0xb];
	[sflag:s21] =	ssyncadd.s32 $0xFFFFC000  }
0x189: {  	[tilespmem:s18], [sflag:$0x2] =	stream.indirect.gather [hbm4b:s4+s16], $0x80, s12, s16, $0xb8;
	[tilespmem:$0x1D000] =	vst v63  }
0x18a: {  	_ =	swait.ge [sflag:s19], $0x4000  }
0x18b: {  	[sflag:s19] =	ssyncset.done $0x0  }
0x18c: {  	s10 =	rddreg [dreg:$0xc];
	[sflag:s19] =	ssyncadd.s32 $0xFFFFC000  }
0x18d: {  	[spmem:s2] =	stream.indirect.scatter.add.f32 [tilespmem:s18], [sflag:$0x4], $0x80, s10, s16, $0xb8;
	[tilespmem:$0x1D000] =	vst v63  }
0x18e: {  	_ =	swait.ge [sflag:s20], $0x4000  }
0x18f: {  	[sflag:s20] =	ssyncset.done $0x0  }
0x190: {  	s11 =	rddreg [dreg:$0xd];
	[sflag:s20] =	ssyncadd.s32 $0xFFFFC000  }
0x191: {  	[tilespmem:s13], [sflag:$0x1] =	stream.indirect.gather [hbm4b:s4+s16], $0x80, s11, s16, $0xb8;
	[tilespmem:$0x1D000] =	vst v63  }
0x192: {  	_ =	swait.ge [sflag:s17], $0x4000  }
0x193: {  	[sflag:s17] =	ssyncset.done $0x0  }
0x194: {  	s12 =	rddreg [dreg:$0xe];
	[sflag:s17] =	ssyncadd.s32 $0xFFFFC000  }
0x195: {  	[spmem:s2] =	stream.indirect.scatter.add.f32 [tilespmem:s13], [sflag:$0x3], $0x80, s12, s16, $0xb8;
	[tilespmem:$0x1D000] =	vst v63  }
0x196: {  	_ =	swait.ge [sflag:s21], $0x4000  }
0x197: {  	[sflag:s21] =	ssyncset.done $0x0  }
0x198: {  	s10 =	rddreg [dreg:$0xf];
	[sflag:s21] =	ssyncadd.s32 $0xFFFFC000  }
0x199: {  	[tilespmem:s18], [sflag:$0x2] =	stream.indirect.gather [hbm4b:s4+s16], $0x80, s10, s16, $0xb8;
	[tilespmem:$0x1D000] =	vst v63  }
0x19a: {  	_ =	swait.ge [sflag:s19], $0x4000  }
0x19b: {  	[sflag:s19] =	ssyncset.done $0x0  }
0x19c: {  	s11 =	rddreg [dreg:$0x10];
	[sflag:s19] =	ssyncadd.s32 $0xFFFFC000  }
0x19d: {  	[spmem:s2] =	stream.indirect.scatter.add.f32 [tilespmem:s18], [sflag:$0x4], $0x80, s11, s16, $0xb8;
	[tilespmem:$0x1D000] =	vst v63  }
0x19e: {  	_ =	swait.ge [sflag:s20], $0x4000  }
0x19f: {  	[sflag:s20] =	ssyncset.done $0x0  }
0x1a0: {  	s12 =	rddreg [dreg:$0x11];
	[sflag:s20] =	ssyncadd.s32 $0xFFFFC000  }
0x1a1: {  	[tilespmem:s13], [sflag:$0x1] =	stream.indirect.gather [hbm4b:s4+s16], $0x80, s12, s16, $0xb8;
	[tilespmem:$0x1D000] =	vst v63  }
0x1a2: {  	_ =	swait.ge [sflag:s17], $0x4000  }
0x1a3: {  	[sflag:s17] =	ssyncset.done $0x0  }
0x1a4: {  	s10 =	rddreg [dreg:$0x12];
	[sflag:s17] =	ssyncadd.s32 $0xFFFFC000  }
0x1a5: {  	[spmem:s2] =	stream.indirect.scatter.add.f32 [tilespmem:s13], [sflag:$0x3], $0x80, s10, s16, $0xb8;
	[tilespmem:$0x1D000] =	vst v63  }
0x1a6: {  	_ =	swait.ge [sflag:s21], $0x4000  }
0x1a7: {  	[sflag:s21] =	ssyncset.done $0x0  }
0x1a8: {  	[sflag:s21] =	ssyncadd.s32 $0xFFFFC000  }
0x1a9: {  	[tilespmem:s18], [sflag:$0x2] =	stream.indirect.gather [hbm4b:s4+s16], $0x80, s22, s16, $0xb8;
	[tilespmem:$0x1D000] =	vst v63  }
0x1aa: {  	_ =	swait.ge [sflag:s19], $0x4000  }
0x1ab: {  	[sflag:s19] =	ssyncset.done $0x0  }
0x1ac: {  	[sflag:s19] =	ssyncadd.s32 $0xFFFFC000  }
0x1ad: {  	[spmem:s2] =	stream.indirect.scatter.add.f32 [tilespmem:s18], [sflag:$0x4], $0x80, s23, s16, $0xb8;
	[tilespmem:$0x1D000] =	vst v63  }
0x1ae: {  	_ =	swait.ge [sflag:s20], $0x4000  }
0x1af: {  	[sflag:s20] =	ssyncset.done $0x0  }
0x1b0: {  	[sflag:s20] =	ssyncadd.s32 $0xFFFFC000  }
0x1b1: {  	[tilespmem:s13], [sflag:$0x1] =	stream.indirect.gather [hbm4b:s4+s16], $0x80, s24, s16, $0xb8;
	[tilespmem:$0x1D000] =	vst v63  }
0x1b2: {  	_ =	swait.ge [sflag:s17], $0x4000  }
0x1b3: {  	[sflag:s17] =	ssyncset.done $0x0  }
0x1b4: {  	[sflag:s17] =	ssyncadd.s32 $0xFFFFC000  }
0x1b5: {  	[spmem:s2] =	stream.indirect.scatter.add.f32 [tilespmem:s13], [sflag:$0x3], $0x80, s25, s16, $0xb8;
	[tilespmem:$0x1D000] =	vst v63  }
0x1b6: {  	_ =	swait.ge [sflag:s21], $0x4000  }
0x1b7: {  	[sflag:s21] =	ssyncset.done $0x0  }
0x1b8: {  	[sflag:s21] =	ssyncadd.s32 $0xFFFFC000  }
0x1b9: {  	[tilespmem:s18], [sflag:$0x2] =	stream.indirect.gather [hbm4b:s4+s16], $0x80, s26, s16, $0xb8;
	[tilespmem:$0x1D000] =	vst v63  }
0x1ba: {  	_ =	swait.ge [sflag:s19], $0x4000  }
0x1bb: {  	[sflag:s19] =	ssyncset.done $0x0  }
0x1bc: {  	[sflag:s19] =	ssyncadd.s32 $0xFFFFC000  }
0x1bd: {  	[spmem:s2] =	stream.indirect.scatter.add.f32 [tilespmem:s18], [sflag:$0x4], $0x80, s28, s16, $0xb8;
	[tilespmem:$0x1D000] =	vst v63  }
0x1be: {  	_ =	swait.ge [sflag:s20], $0x4000  }
0x1bf: {  	[sflag:s20] =	ssyncset.done $0x0  }
0x1c0: {  	[sflag:s20] =	ssyncadd.s32 $0xFFFFC000  }
0x1c1: {  	[tilespmem:s13], [sflag:$0x1] =	stream.indirect.gather [hbm4b:s4+s16], $0x80, s29, s16, $0xb8;
	[tilespmem:$0x1D000] =	vst v63  }
0x1c2: {  	_ =	swait.ge [sflag:s17], $0x4000  }
0x1c3: {  	[sflag:s17] =	ssyncset.done $0x0  }
0x1c4: {  	[sflag:s17] =	ssyncadd.s32 $0xFFFFC000  }
0x1c5: {  	[spmem:s2] =	stream.indirect.scatter.add.f32 [tilespmem:s13], [sflag:$0x3], $0x80, s30, s16, $0xb8;
	[tilespmem:$0x1D000] =	vst v63  }
0x1c6: {  	_ =	swait.ge [sflag:s21], $0x4000  }
0x1c7: {  	[sflag:s21] =	ssyncset.done $0x0  }
0x1c8: {  	[sflag:s21] =	ssyncadd.s32 $0xFFFFC000  }
0x1c9: {  	[tilespmem:s18], [sflag:$0x2] =	stream.indirect.gather [hbm4b:s4+s16], $0x80, s31, s16, $0xb8;
	[tilespmem:$0x1D000] =	vst v63  }
0x1ca: {  	_ =	swait.ge [sflag:s19], $0x4000  }
0x1cb: {  	[sflag:s19] =	ssyncset.done $0x0  }
0x1cc: {  	[sflag:s19] =	ssyncadd.s32 $0xFFFFC000  }
0x1cd: {  	[spmem:s2] =	stream.indirect.scatter.add.f32 [tilespmem:s18], [sflag:$0x4], $0x80, s1, s16, $0xb8;
	[tilespmem:$0x1D000] =	vst v63  }
0x1ce: {  	_ =	swait.ge [sflag:s20], $0x4000  }
0x1cf: {  	[sflag:s20] =	ssyncset.done $0x0  }
0x1d0: {  	[sflag:s20] =	ssyncadd.s32 $0xFFFFC000  }
0x1d1: {  	[tilespmem:s13], [sflag:$0x1] =	stream.indirect.gather [hbm4b:s4+s16], $0x80, s0, s16, $0xb8;
	[tilespmem:$0x1D000] =	vst v63  }
0x1d2: {  	_ =	swait.ge [sflag:s17], $0x4000  }
0x1d3: {  	[sflag:s17] =	ssyncset.done $0x0  }
0x1d4: {  	[sflag:s17] =	ssyncadd.s32 $0xFFFFC000  }
0x1d5: {  	[spmem:s2] =	stream.indirect.scatter.add.f32 [tilespmem:s13], [sflag:$0x3], $0x80, s7, s16, $0xb8;
	[tilespmem:$0x1D000] =	vst v63  }
0x1d6: {  	_ =	swait.ge [sflag:s21], $0x4000  }
0x1d7: {  	[sflag:s21] =	ssyncset.done $0x0  }
0x1d8: {  	[sflag:s21] =	ssyncadd.s32 $0xFFFFC000  }
0x1d9: {  	[tilespmem:s18], [sflag:$0x2] =	stream.indirect.gather [hbm4b:s4+s16], $0x80, s8, s16, $0xb8;
	[tilespmem:$0x1D000] =	vst v63  }
0x1da: {  	_ =	swait.ge [sflag:s19], $0x4000  }
0x1db: {  	[sflag:s19] =	ssyncset.done $0x0  }
0x1dc: {  	[sflag:s19] =	ssyncadd.s32 $0xFFFFC000  }
0x1dd: {  	[spmem:s2] =	stream.indirect.scatter.add.f32 [tilespmem:s18], [sflag:$0x4], $0x80, s9, s16, $0xb8;
	[tilespmem:$0x1D000] =	vst v63  }
0x1de: {  	_ =	swait.ge [sflag:s20], $0x4000  }
0x1df: {  	[sflag:s20] =	ssyncset.done $0x0  }
0x1e0: {  	[sflag:s20] =	ssyncadd.s32 $0xFFFFC000  }
0x1e1: {  	_ =	swait.ge [sflag:s21], $0x4000  }
0x1e2: {  	[sflag:s21] =	ssyncset.done $0x0  }
0x1e3: {  	[sflag:s21] =	ssyncadd.s32 $0xFFFFC000  }
0x1e4: {  	s11 =	stileid.u32;
	[bflag:$0x0] =	sbarrier.arrive $0xFFFF  }
0x1e5: {  	s6 =	sshll.u32 s11, $0x6;
	s10 =	rddreg [dreg:$0x13]  }
0x1e6: {  	s6 =	sor.u32 $0x1C05, s6;
	s12 =	rddreg [dreg:$0x18];
	s10 =	sshrl.u32 s10, $0x3  }
0x1e7: {  	[hbm:s12], [sflag:s6] =	dma.local [spmem:s10], $0x2800  }
0x1e8: {  	_ =	swait.ge [sflag:s14], $0x2800  }
0x1e9: {  	s11 =	rddreg [dreg:$0x1a]  }
0x1ea: {  	s12 =	rddreg [dreg:$0x19];
	s10 =	sadd.s32 $0x1, s11  }
0x1eb: {  	p0 =	sne.s32 s10, s12  }
.Ltmp2:
0x1ec: {  	_ = 	snop;
	(pc) =	sbr.rel @p0 .LBB2_1-.Ltmp2, $3  }
0x1ed: {  	_ =	sdelay $0x1  }
0x1ee: {  	[sflag:s14] =	ssyncset.done $0x0  }
0x1ef: {  	[sflag:s14] =	ssyncadd.s32 $0xFFFFD800  }
0x1f0: {  	_ =	sfence.sel $0x180000  }
0x1f1: {  	[bflag:$0x0] =	sbarrier.arrive $0xFFFF  }
0x1f2: {  	_ =	strace $0x9000004A  }
0x1f3: {  	s0 =	stileid.u32;
	[bflag:$0x2] =	sbarrier.arrive $0xFFFF  }
0x1f4: {  	p0 =	sne.s32 s0, $0x0;
	s0 =	rddreg [dreg:$0x2]  }
0x1f5: {  	s0 =	sadd.s32 @!p0 $0x100000, s0  }
0x1f6: {  	[sflag:s0] =	ssyncadd.tile.s32 @!p0 $0x1;
	_ =	shalt  }
.Lfunc_end2:
_tile_overlayer_lowered:
.L_overlay_start_2:
0x1f7: {  	(tag) =	ssettag $0x2  }
0x1f8: {  	s0 =	rddreg [dreg:$0x0];
	s2 =	stileid.u32  }
0x1f9: {  	s1 =	rddreg [dreg:$0x1];
	p0 =	sne.s32 s2, $0x0  }
0x1fa: {  	s3 =	rddreg [dreg:$0x2];
	[bflag:$0x3] =	sbarrier.arrive $0xFFFF;
	s2 =	simm.s32 @!p0 $0x1C05  }
0x1fb: {  	[timem:s3], [sflag:s2] =	dma.local @!p0 [hbm:s0], s1  }
0x1fc: {  	s0 =	simm.s32 @!p0 $0x5  }
0x1fd: {  	_ =	swait.ge @!p0 [sflag:s0], s1  }
0x1fe: {  	s1 =	ssub.s32 @!p0 $0x0, s1;
	[sflag:s0] =	ssyncset.done @!p0 $0x0  }
0x1ff: {  	[sflag:s0] =	ssyncadd.s32 @!p0 s1  }
0x200: {  	[bflag:$0x3] =	sbarrier.arrive $0xFFFF  }
0x201: {  	_ =	shalt  }

</sc_bundles>
